<compile_context>
chip_gen: v7x
topology: tpu7x:2x2x1
jax: 0.10.2.dev20260603
libtpu: 0.0.44.dev20260713+nightly
codegen_flags: <defaults>
</compile_context>

<pallas_src>
import functools

import jax
import jax.numpy as jnp
from jax import lax
from jax.experimental import pallas as pl
from jax.experimental.pallas import tpu as pltpu
from jax.experimental.pallas import tpu_sc as plsc

N, E, D = 10000, 320000, 128
DH = D // 2

NC, NS = 2, 16
CH = 128
C1 = 160
CG = 80
NB = 2
EP = NS * C1 * CH
NP = 10112
RPT = NP // NS

_PARAMS = pltpu.CompilerParams(use_tc_tiling_on_sc=False)
_MESH = dict(core_axis_name="c", subcore_axis_name="s")


def _make_sc_agg():
    out_type = [jax.ShapeDtypeStruct((NC, NP, DH), jnp.bfloat16)]
    scratch = [
        pltpu.VMEM((CG, 2, CH), jnp.int32),
        pltpu.VMEM((NB, CH, DH), jnp.bfloat16),
        pltpu.VMEM_SHARED((N, DH), jnp.bfloat16),
        pltpu.VMEM_SHARED((NP, DH), jnp.bfloat16),
    ] + [pltpu.SemaphoreType.DMA] * NB

    def body(h, ecr, zrows, agg_out, idx_v, rows_v, tab_sh, acc_sh, *sems):
        c = lax.axis_index("c")
        s = lax.axis_index("s")
        row0 = s * RPT
        pltpu.sync_copy(zrows, acc_sh.at[pl.ds(row0, RPT)])

        @pl.when(s == 0)
        def _():
            pltpu.sync_copy(h.at[c], tab_sh)
        plsc.subcore_barrier()

        def issue(j, b):
            pltpu.async_copy(tab_sh.at[idx_v.at[j, 0]], rows_v.at[b],
                             sems[b])

        def wait(j, b):
            pltpu.make_async_copy(tab_sh.at[idx_v.at[j, 0]], rows_v.at[b],
                                  sems[b]).wait()

        def scat(j, b):
            pltpu.sync_copy(rows_v.at[b], acc_sh.at[idx_v.at[j, 1]],
                            add=True)

        for g in range(C1 // CG):
            pltpu.sync_copy(ecr.at[s, pl.ds(g * CG, CG)], idx_v)
            for b in range(NB - 1):
                issue(b, b)

            def grp(q, carry):
                for b in range(NB):
                    j = q * NB + b
                    wait(j, b)
                    issue(j + NB - 1, (b + NB - 1) % NB)
                    scat(j, b)
                return carry

            lax.fori_loop(0, CG // NB - 1, grp, 0)
            base = CG - NB
            wait(base, 0)
            issue(CG - 1, NB - 1)
            scat(base, 0)
            for b in range(1, NB):
                wait(base + b, b)
                scat(base + b, b)
        plsc.subcore_barrier()
        pltpu.sync_copy(acc_sh.at[pl.ds(row0, RPT)],
                        agg_out.at[c, pl.ds(row0, RPT)])

    return pl.kernel(body, out_type,
                     mesh=plsc.VectorSubcoreMesh(**_MESH),
                     scratch_types=scratch, compiler_params=_PARAMS)


def _make_sc_deg():
    CD = C1 // NC
    out_type = [jax.ShapeDtypeStruct((NC, NP, 16), jnp.float32)]
    scratch = [
        pltpu.VMEM((CD, CH), jnp.int32),
        pltpu.VMEM((CH, 16), jnp.float32),
        pltpu.VMEM_SHARED((NP, 16), jnp.float32),
    ]

    def body(dstr, zdeg, ones, deg_out, dst_v, ones_v, deg_sh):
        c = lax.axis_index("c")
        s = lax.axis_index("s")
        pltpu.sync_copy(dstr.at[s, pl.ds(c * CD, CD)], dst_v)
        pltpu.sync_copy(ones, ones_v)
        row0 = s * RPT
        pltpu.sync_copy(zdeg, deg_sh.at[pl.ds(row0, RPT)])
        plsc.subcore_barrier()

        def chunk(j, carry):
            pltpu.sync_copy(ones_v, deg_sh.at[dst_v.at[j]], add=True)
            return carry

        lax.fori_loop(0, CD, chunk, 0)
        plsc.subcore_barrier()
        pltpu.sync_copy(deg_sh.at[pl.ds(row0, RPT)],
                        deg_out.at[c, pl.ds(row0, RPT)])

    return pl.kernel(body, out_type,
                     mesh=plsc.VectorSubcoreMesh(**_MESH),
                     scratch_types=scratch, compiler_params=_PARAMS)


_sc_agg_call = _make_sc_agg()
_sc_deg_call = _make_sc_deg()

_BR = 2000


def _tc_body(agg, deg, h, wl, wr, b, *outs, final):
    ssum = jnp.concatenate([agg[0], agg[1]], axis=-1).astype(jnp.float32)
    dg = deg[0, :, 0:1] + deg[1, :, 0:1]
    mean = ssum / jnp.maximum(dg, 1.0)
    hcat = jnp.concatenate([h[0], h[1]], axis=-1)
    o = (jnp.dot(mean, wl[...], preferred_element_type=jnp.float32)
         + jnp.dot(hcat, wr[...], preferred_element_type=jnp.float32)
         + b[...])
    if final:
        m = jnp.max(o, axis=-1, keepdims=True)
        lo = o - m
        outs[0][...] = (lo - jnp.log(jnp.sum(jnp.exp(lo), axis=-1,
                                             keepdims=True)))
    else:
        a = jnp.where(o > 0, o, jnp.exp(jnp.minimum(o, 0.0)) - 1.0)
        out, outb = outs
        out[0] = a[:, :DH]
        out[1] = a[:, DH:]
        ab = a.astype(jnp.bfloat16)
        outb[0] = ab[:, :DH]
        outb[1] = ab[:, DH:]


def _tc_layer(agg, deg, h, wl, wr, b, final):
    if final:
        out_spec = pl.BlockSpec((_BR, D), lambda i: (i, 0))
        out_shape = jax.ShapeDtypeStruct((N, D), jnp.float32)
    else:
        out_spec = [pl.BlockSpec((NC, _BR, DH), lambda i: (0, i, 0)),
                    pl.BlockSpec((NC, _BR, DH), lambda i: (0, i, 0))]
        out_shape = [jax.ShapeDtypeStruct((NC, N, DH), jnp.float32),
                     jax.ShapeDtypeStruct((NC, N, DH), jnp.bfloat16)]
    return pl.pallas_call(
        functools.partial(_tc_body, final=final),
        grid=(N // _BR,),
        in_specs=[
            pl.BlockSpec((NC, _BR, DH), lambda i: (0, i, 0)),
            pl.BlockSpec((NC, _BR, 16), lambda i: (0, i, 0)),
            pl.BlockSpec((NC, _BR, DH), lambda i: (0, i, 0)),
            pl.BlockSpec((D, D), lambda i: (0, 0)),
            pl.BlockSpec((D, D), lambda i: (0, 0)),
            pl.BlockSpec((1, D), lambda i: (0, 0)),
        ],
        out_specs=out_spec,
        out_shape=out_shape,
    )(agg, deg, h, wl, wr, b)


def kernel(x, edge_index, W1l, W1r, b1, W2l, W2r, b2, W3l, W3r, b3):
    pad = EP - E
    src = jnp.concatenate([edge_index[0], jnp.zeros((pad,), jnp.int32)])
    dst = jnp.concatenate([edge_index[1], jnp.full((pad,), N, jnp.int32)])
    ec = jnp.stack([src.reshape(NS, C1, CH), dst.reshape(NS, C1, CH)],
                   axis=2)
    dst1 = dst.reshape(NS, C1, CH)
    zrows = jnp.zeros((RPT, DH), jnp.bfloat16)
    zdeg = jnp.zeros((RPT, 16), jnp.float32)
    ones = jnp.ones((CH, 16), jnp.float32)
    xs = x.reshape(N, NC, DH).transpose(1, 0, 2)
    xsb = xs.astype(jnp.bfloat16)

    deg, = _sc_deg_call(dst1, zdeg, ones)
    agg1, = _sc_agg_call(xsb, ec, zrows)
    h1, h1b = _tc_layer(agg1, deg, xs, W1l, W1r, b1.reshape(1, D),
                        final=False)
    agg2, = _sc_agg_call(h1b, ec, zrows)
    h2, h2b = _tc_layer(agg2, deg, h1, W2l, W2r, b2.reshape(1, D),
                        final=False)
    agg3, = _sc_agg_call(h2b, ec, zrows)
    return _tc_layer(agg3, deg, h2, W3l, W3r, b3.reshape(1, D), final=True)

# --- scband reference (transcript-rebuilt; emitter-appended) ---
"""Pipeline reference for scband-graph-sage-30829275250829 (READ-ONLY COPY).

The authoritative reference and input builder live on the scoring server;
editing this copy changes nothing except your own understanding.
"""

import jax, jax.numpy as jnp
import numpy as np

N, E, D, H, O = 10000, 320000, 128, 128, 128


def setup_inputs(seed: int = 0) -> dict:
    key = jax.random.key(seed)
    ks = jax.random.split(key, 12)
    x = jax.random.normal(ks[0], (N, D), dtype=jnp.float32)
    edge_index = jax.random.randint(ks[1], (2, E), 0, N, dtype=jnp.int32)
    def w(k, shape):
        return (jax.random.normal(k, shape, dtype=jnp.float32) * 0.05)
    return {
        "x": x,
        "edge_index": edge_index,
        "W1l": w(ks[2], (D, H)), "W1r": w(ks[3], (D, H)), "b1": jnp.zeros((H,), jnp.float32),
        "W2l": w(ks[4], (H, H)), "W2r": w(ks[5], (H, H)), "b2": jnp.zeros((H,), jnp.float32),
        "W3l": w(ks[6], (H, O)), "W3r": w(ks[7], (H, O)), "b3": jnp.zeros((O,), jnp.float32),
    }


def _sage_conv(x, edge_index, Wl, Wr, b):
    # PyG-style SAGEConv with mean aggregation:
    # out = lin_l(mean_{j in N(i)} x_j) + lin_r(x_i) + bias
    src = edge_index[0]
    dst = edge_index[1]
    n = x.shape[0]
    msg = jnp.take(x, src, axis=0)                      # gather (SparseCore)
    agg = jax.ops.segment_sum(msg, dst, num_segments=n)  # scatter-add
    deg = jax.ops.segment_sum(jnp.ones((edge_index.shape[1],), x.dtype), dst, num_segments=n)
    mean = agg / jnp.clip(deg, 1.0)[:, None]
    return mean @ Wl + x @ Wr + b


def reference(x, edge_index, W1l, W1r, b1, W2l, W2r, b2, W3l, W3r, b3):
    h = jax.nn.elu(_sage_conv(x, edge_index, W1l, W1r, b1))
    # dropout p=0.0 -> identity
    h = jax.nn.elu(_sage_conv(h, edge_index, W2l, W2r, b2))
    h = jax.nn.elu(_sage_conv(h, edge_index, W3l, W3r, b3))
    return jax.nn.log_softmax(h, axis=-1)

if __name__ == "__main__":
    import jax
    _d = setup_inputs()
    print(jax.jit(kernel)(*tuple(_d.values())))

</pallas_src>

<mosaic_0001>
#map = affine_map<(d0, d1) -> (0, 0, 0)>
#map1 = affine_map<(d0, d1) -> (0, 0)>
module attributes {stable_mosaic.version = 14 : i64} {
  func.func @body(%arg0: i32, %arg1: i32, %arg2: memref<16x160x128xi32, #tpu.memory_space<hbm>>, %arg3: memref<632x16xf32, #tpu.memory_space<hbm>>, %arg4: memref<128x16xf32, #tpu.memory_space<hbm>>, %arg5: memref<2x10112x16xf32, #tpu.memory_space<hbm>>, %arg6: memref<80x128xi32, #tpu.memory_space<vmem>>, %arg7: memref<128x16xf32, #tpu.memory_space<vmem>>, %arg8: memref<10112x16xf32, #tpu.memory_space<vmem_shared>>) attributes {dimension_semantics = [#tpu.dimension_semantics<core_parallel>, #tpu.dimension_semantics<subcore_parallel>], iteration_bounds = array<i64: 2, 16>, scalar_prefetch = 0 : i64, scratch_operands = 3 : i64, tpu.core_type = #tpu.core_type<sc_vector_subcore>, window_params = [{transform_indices = #map}, {transform_indices = #map1}, {transform_indices = #map1}, {transform_indices = #map}]} {
    %mul3A = arith.constant 80 : i32
    %mul3A_0 = arith.muli %arg0, %mul3A : i32
    "tpu.region"() ({
      %run_scoped3A = tpu.sem_alloc : memref<!tpu.dma_semaphore, #tpu.memory_space<semaphore_mem>>
      %dma_start3A = arith.constant 0 : i32
      %dma_start3A_9 = tpu.memref_slice %arg2[%arg1, %mul3A_0, %dma_start3A] : memref<16x160x128xi32, #tpu.memory_space<hbm>> -> memref<1x80x128xi32, #tpu.memory_space<hbm>>
      %dma_start3A_10 = tpu.memref_squeeze %dma_start3A_9 : memref<1x80x128xi32, #tpu.memory_space<hbm>> -> memref<80x128xi32, #tpu.memory_space<hbm>>
      %dma_start3A_11 = arith.constant 0 : i32
      %dma_start3A_12 = tpu.memref_slice %arg2[%arg1, %mul3A_0, %dma_start3A_11] : memref<16x160x128xi32, #tpu.memory_space<hbm>> -> memref<1x80x128xi32, #tpu.memory_space<hbm>>
      %dma_start3A_13 = tpu.memref_squeeze %dma_start3A_12 : memref<1x80x128xi32, #tpu.memory_space<hbm>> -> memref<80x128xi32, #tpu.memory_space<hbm>>
      tpu.enqueue_dma source(%dma_start3A_13 : memref<80x128xi32, #tpu.memory_space<hbm>>) target(%arg6 : memref<80x128xi32, #tpu.memory_space<vmem>>) target_semaphore(%run_scoped3A : memref<!tpu.dma_semaphore, #tpu.memory_space<semaphore_mem>>)
      %dma_wait3A = arith.constant 0 : i32
      %dma_wait3A_14 = tpu.memref_slice %arg2[%arg1, %mul3A_0, %dma_wait3A] : memref<16x160x128xi32, #tpu.memory_space<hbm>> -> memref<1x80x128xi32, #tpu.memory_space<hbm>>
      %dma_wait3A_15 = tpu.memref_squeeze %dma_wait3A_14 : memref<1x80x128xi32, #tpu.memory_space<hbm>> -> memref<80x128xi32, #tpu.memory_space<hbm>>
      %dma_wait3A_16 = arith.constant 0 : i32
      %dma_wait3A_17 = tpu.memref_slice %arg2[%arg1, %mul3A_0, %dma_wait3A_16] : memref<16x160x128xi32, #tpu.memory_space<hbm>> -> memref<1x80x128xi32, #tpu.memory_space<hbm>>
      %dma_wait3A_18 = tpu.memref_squeeze %dma_wait3A_17 : memref<1x80x128xi32, #tpu.memory_space<hbm>> -> memref<80x128xi32, #tpu.memory_space<hbm>>
      tpu.wait_dma2 semaphore(%run_scoped3A : memref<!tpu.dma_semaphore, #tpu.memory_space<semaphore_mem>>) src(%dma_wait3A_18 : memref<80x128xi32, #tpu.memory_space<hbm>>) dst(%arg6 : memref<80x128xi32, #tpu.memory_space<vmem>>)
      tpu.yield
    }) : () -> ()
    "tpu.region"() ({
      %run_scoped3A = tpu.sem_alloc : memref<!tpu.dma_semaphore, #tpu.memory_space<semaphore_mem>>
      tpu.enqueue_dma source(%arg4 : memref<128x16xf32, #tpu.memory_space<hbm>>) target(%arg7 : memref<128x16xf32, #tpu.memory_space<vmem>>) target_semaphore(%run_scoped3A : memref<!tpu.dma_semaphore, #tpu.memory_space<semaphore_mem>>)
      tpu.wait_dma2 semaphore(%run_scoped3A : memref<!tpu.dma_semaphore, #tpu.memory_space<semaphore_mem>>) src(%arg4 : memref<128x16xf32, #tpu.memory_space<hbm>>) dst(%arg7 : memref<128x16xf32, #tpu.memory_space<vmem>>)
      tpu.yield
    }) : () -> ()
    %mul3A_1 = arith.constant 632 : i32
    %mul3A_2 = arith.muli %arg1, %mul3A_1 : i32
    "tpu.region"() ({
      %run_scoped3A = tpu.sem_alloc : memref<!tpu.dma_semaphore, #tpu.memory_space<semaphore_mem>>
      %dma_start3A = arith.constant 0 : i32
      %dma_start3A_9 = tpu.memref_slice %arg8[%mul3A_2, %dma_start3A] : memref<10112x16xf32, #tpu.memory_space<vmem_shared>> -> memref<632x16xf32, #tpu.memory_space<vmem_shared>>
      tpu.enqueue_dma source(%arg3 : memref<632x16xf32, #tpu.memory_space<hbm>>) target(%dma_start3A_9 : memref<632x16xf32, #tpu.memory_space<vmem_shared>>) target_semaphore(%run_scoped3A : memref<!tpu.dma_semaphore, #tpu.memory_space<semaphore_mem>>)
      %dma_wait3A = arith.constant 0 : i32
      %dma_wait3A_10 = tpu.memref_slice %arg8[%mul3A_2, %dma_wait3A] : memref<10112x16xf32, #tpu.memory_space<vmem_shared>> -> memref<632x16xf32, #tpu.memory_space<vmem_shared>>
      tpu.wait_dma2 semaphore(%run_scoped3A : memref<!tpu.dma_semaphore, #tpu.memory_space<semaphore_mem>>) src(%arg3 : memref<632x16xf32, #tpu.memory_space<hbm>>) dst(%dma_wait3A_10 : memref<632x16xf32, #tpu.memory_space<vmem_shared>>)
      tpu.yield
    }) : () -> ()
    %barrier3A = arith.constant 0 : index
    tpu.barrier barrier_id(%barrier3A)
    %scan3A = arith.constant 0 : i32
    %scan3A_3 = arith.constant 0 : i32
    %scan3A_4 = arith.constant 80 : i32
    %scan3A_5 = arith.addi %scan3A_3, %scan3A_4 : i32
    %scan3A_6 = arith.constant 1 : i32
    scf.for %scan3A_9 = %scan3A_3 to %scan3A_5 step %scan3A_6  : i32 {
      "tpu.region"() ({
        %run_scoped3A = tpu.sem_alloc : memref<!tpu.dma_semaphore, #tpu.memory_space<semaphore_mem>>
        %dma_start3A = arith.constant 0 : i32
        %dma_start3A_10 = tpu.memref_slice %arg6[%scan3A_9, %dma_start3A] : memref<80x128xi32, #tpu.memory_space<vmem>> -> memref<1x128xi32, #tpu.memory_space<vmem>>
        %dma_start3A_11 = tpu.memref_squeeze %dma_start3A_10 : memref<1x128xi32, #tpu.memory_space<vmem>> -> memref<128xi32, #tpu.memory_space<vmem>>
        %dma_start3A_12 = arith.constant 0 : i32
        %dma_start3A_13 = arith.constant 0 : i32
        %dma_start3A_14 = tpu.memref_slice %arg8[%dma_start3A_12, %dma_start3A_13] : memref<10112x16xf32, #tpu.memory_space<vmem_shared>> -> memref<10112x16xf32, #tpu.memory_space<vmem_shared>>
        tpu.enqueue_indirect_dma source(%arg7 : memref<128x16xf32, #tpu.memory_space<vmem>>) target(%dma_start3A_14 : memref<10112x16xf32, #tpu.memory_space<vmem_shared>>) offsets(%dma_start3A_11 : memref<128xi32, #tpu.memory_space<vmem>>) semaphore(%run_scoped3A : memref<!tpu.dma_semaphore, #tpu.memory_space<semaphore_mem>>) {add = true}
        %dma_wait3A = arith.constant 0 : i32
        %dma_wait3A_15 = tpu.memref_slice %arg6[%scan3A_9, %dma_wait3A] : memref<80x128xi32, #tpu.memory_space<vmem>> -> memref<1x128xi32, #tpu.memory_space<vmem>>
        %dma_wait3A_16 = tpu.memref_squeeze %dma_wait3A_15 : memref<1x128xi32, #tpu.memory_space<vmem>> -> memref<128xi32, #tpu.memory_space<vmem>>
        %dma_wait3A_17 = arith.constant 0 : i32
        %dma_wait3A_18 = arith.constant 0 : i32
        %dma_wait3A_19 = tpu.memref_slice %arg8[%dma_wait3A_17, %dma_wait3A_18] : memref<10112x16xf32, #tpu.memory_space<vmem_shared>> -> memref<10112x16xf32, #tpu.memory_space<vmem_shared>>
        tpu.wait_indirect_dma semaphore(%run_scoped3A : memref<!tpu.dma_semaphore, #tpu.memory_space<semaphore_mem>>) src(%arg7 : memref<128x16xf32, #tpu.memory_space<vmem>>) dst(%dma_wait3A_19 : memref<10112x16xf32, #tpu.memory_space<vmem_shared>>)
        tpu.yield
      }) : () -> ()
    }
    %scan3A_7 = arith.constant 80 : i32
    %barrier3A_8 = arith.constant 0 : index
    tpu.barrier barrier_id(%barrier3A_8)
    "tpu.region"() ({
      %run_scoped3A = tpu.sem_alloc : memref<!tpu.dma_semaphore, #tpu.memory_space<semaphore_mem>>
      %dma_start3A = arith.constant 0 : i32
      %dma_start3A_9 = tpu.memref_slice %arg5[%arg0, %mul3A_2, %dma_start3A] : memref<2x10112x16xf32, #tpu.memory_space<hbm>> -> memref<1x632x16xf32, #tpu.memory_space<hbm>>
      %dma_start3A_10 = tpu.memref_squeeze %dma_start3A_9 : memref<1x632x16xf32, #tpu.memory_space<hbm>> -> memref<632x16xf32, #tpu.memory_space<hbm>>
      %dma_start3A_11 = arith.constant 0 : i32
      %dma_start3A_12 = tpu.memref_slice %arg8[%mul3A_2, %dma_start3A_11] : memref<10112x16xf32, #tpu.memory_space<vmem_shared>> -> memref<632x16xf32, #tpu.memory_space<vmem_shared>>
      tpu.enqueue_dma source(%dma_start3A_12 : memref<632x16xf32, #tpu.memory_space<vmem_shared>>) target(%dma_start3A_10 : memref<632x16xf32, #tpu.memory_space<hbm>>) target_semaphore(%run_scoped3A : memref<!tpu.dma_semaphore, #tpu.memory_space<semaphore_mem>>)
      %dma_wait3A = arith.constant 0 : i32
      %dma_wait3A_13 = tpu.memref_slice %arg5[%arg0, %mul3A_2, %dma_wait3A] : memref<2x10112x16xf32, #tpu.memory_space<hbm>> -> memref<1x632x16xf32, #tpu.memory_space<hbm>>
      %dma_wait3A_14 = tpu.memref_squeeze %dma_wait3A_13 : memref<1x632x16xf32, #tpu.memory_space<hbm>> -> memref<632x16xf32, #tpu.memory_space<hbm>>
      %dma_wait3A_15 = arith.constant 0 : i32
      %dma_wait3A_16 = tpu.memref_slice %arg8[%mul3A_2, %dma_wait3A_15] : memref<10112x16xf32, #tpu.memory_space<vmem_shared>> -> memref<632x16xf32, #tpu.memory_space<vmem_shared>>
      tpu.wait_dma2 semaphore(%run_scoped3A : memref<!tpu.dma_semaphore, #tpu.memory_space<semaphore_mem>>) src(%dma_wait3A_16 : memref<632x16xf32, #tpu.memory_space<vmem_shared>>) dst(%dma_wait3A_14 : memref<632x16xf32, #tpu.memory_space<hbm>>)
      tpu.yield
    }) : () -> ()
    return
  }
}

#map = affine_map<(d0, d1) -> (0, 0, 0)>
#map1 = affine_map<(d0, d1) -> (0, 0, 0, 0)>
#map2 = affine_map<(d0, d1) -> (0, 0)>
module attributes {stable_mosaic.version = 14 : i64} {
  func.func @body(%arg0: i32, %arg1: i32, %arg2: memref<2x10000x64xbf16, #tpu.memory_space<hbm>>, %arg3: memref<16x160x2x128xi32, #tpu.memory_space<hbm>>, %arg4: memref<632x64xbf16, #tpu.memory_space<hbm>>, %arg5: memref<2x10112x64xbf16, #tpu.memory_space<hbm>>, %arg6: memref<80x2x128xi32, #tpu.memory_space<vmem>>, %arg7: memref<2x128x64xbf16, #tpu.memory_space<vmem>>, %arg8: memref<10000x64xbf16, #tpu.memory_space<vmem_shared>>, %arg9: memref<10112x64xbf16, #tpu.memory_space<vmem_shared>>, %arg10: memref<!tpu.dma_semaphore, #tpu.memory_space<semaphore_mem>>, %arg11: memref<!tpu.dma_semaphore, #tpu.memory_space<semaphore_mem>>) attributes {dimension_semantics = [#tpu.dimension_semantics<core_parallel>, #tpu.dimension_semantics<subcore_parallel>], iteration_bounds = array<i64: 2, 16>, scalar_prefetch = 0 : i64, scratch_operands = 6 : i64, tpu.core_type = #tpu.core_type<sc_vector_subcore>, window_params = [{transform_indices = #map}, {transform_indices = #map1}, {transform_indices = #map2}, {transform_indices = #map}]} {
    %mul3A = arith.constant 632 : i32
    %mul3A_0 = arith.muli %arg1, %mul3A : i32
    "tpu.region"() ({
      %run_scoped3A_128 = tpu.sem_alloc : memref<!tpu.dma_semaphore, #tpu.memory_space<semaphore_mem>>
      %dma_start3A_129 = arith.constant 0 : i32
      %dma_start3A_130 = tpu.memref_slice %arg9[%mul3A_0, %dma_start3A_129] : memref<10112x64xbf16, #tpu.memory_space<vmem_shared>> -> memref<632x64xbf16, #tpu.memory_space<vmem_shared>>
      tpu.enqueue_dma source(%arg4 : memref<632x64xbf16, #tpu.memory_space<hbm>>) target(%dma_start3A_130 : memref<632x64xbf16, #tpu.memory_space<vmem_shared>>) target_semaphore(%run_scoped3A_128 : memref<!tpu.dma_semaphore, #tpu.memory_space<semaphore_mem>>)
      %dma_wait3A_131 = arith.constant 0 : i32
      %dma_wait3A_132 = tpu.memref_slice %arg9[%mul3A_0, %dma_wait3A_131] : memref<10112x64xbf16, #tpu.memory_space<vmem_shared>> -> memref<632x64xbf16, #tpu.memory_space<vmem_shared>>
      tpu.wait_dma2 semaphore(%run_scoped3A_128 : memref<!tpu.dma_semaphore, #tpu.memory_space<semaphore_mem>>) src(%arg4 : memref<632x64xbf16, #tpu.memory_space<hbm>>) dst(%dma_wait3A_132 : memref<632x64xbf16, #tpu.memory_space<vmem_shared>>)
      tpu.yield
    }) : () -> ()
    %eq3A = arith.constant 0 : i32
    %eq3A_1 = arith.cmpi eq, %arg1, %eq3A : i32
    %convert_element_type3A = arith.extui %eq3A_1 : i1 to i32
    %cond3A = arith.constant 0 : i32
    %cond3A_2 = arith.cmpi ne, %convert_element_type3A, %cond3A : i32
    scf.if %cond3A_2 {
      "tpu.region"() ({
        %run_scoped3A_128 = tpu.sem_alloc : memref<!tpu.dma_semaphore, #tpu.memory_space<semaphore_mem>>
        %dma_start3A_129 = arith.constant 0 : i32
        %dma_start3A_130 = arith.constant 0 : i32
        %dma_start3A_131 = tpu.memref_slice %arg2[%arg0, %dma_start3A_129, %dma_start3A_130] : memref<2x10000x64xbf16, #tpu.memory_space<hbm>> -> memref<1x10000x64xbf16, #tpu.memory_space<hbm>>
        %dma_start3A_132 = tpu.memref_squeeze %dma_start3A_131 : memref<1x10000x64xbf16, #tpu.memory_space<hbm>> -> memref<10000x64xbf16, #tpu.memory_space<hbm>>
        tpu.enqueue_dma source(%dma_start3A_132 : memref<10000x64xbf16, #tpu.memory_space<hbm>>) target(%arg8 : memref<10000x64xbf16, #tpu.memory_space<vmem_shared>>) target_semaphore(%run_scoped3A_128 : memref<!tpu.dma_semaphore, #tpu.memory_space<semaphore_mem>>)
        %dma_wait3A_133 = arith.constant 0 : i32
        %dma_wait3A_134 = arith.constant 0 : i32
        %dma_wait3A_135 = tpu.memref_slice %arg2[%arg0, %dma_wait3A_133, %dma_wait3A_134] : memref<2x10000x64xbf16, #tpu.memory_space<hbm>> -> memref<1x10000x64xbf16, #tpu.memory_space<hbm>>
        %dma_wait3A_136 = tpu.memref_squeeze %dma_wait3A_135 : memref<1x10000x64xbf16, #tpu.memory_space<hbm>> -> memref<10000x64xbf16, #tpu.memory_space<hbm>>
        tpu.wait_dma2 semaphore(%run_scoped3A_128 : memref<!tpu.dma_semaphore, #tpu.memory_space<semaphore_mem>>) src(%dma_wait3A_136 : memref<10000x64xbf16, #tpu.memory_space<hbm>>) dst(%arg8 : memref<10000x64xbf16, #tpu.memory_space<vmem_shared>>)
        tpu.yield
      }) : () -> ()
    } else {
    }
    %barrier3A = arith.constant 0 : index
    tpu.barrier barrier_id(%barrier3A)
    "tpu.region"() ({
      %run_scoped3A_128 = tpu.sem_alloc : memref<!tpu.dma_semaphore, #tpu.memory_space<semaphore_mem>>
      %dma_start3A_129 = arith.constant 0 : i32
      %dma_start3A_130 = arith.constant 0 : i32
      %dma_start3A_131 = arith.constant 0 : i32
      %dma_start3A_132 = tpu.memref_slice %arg3[%arg1, %dma_start3A_129, %dma_start3A_130, %dma_start3A_131] : memref<16x160x2x128xi32, #tpu.memory_space<hbm>> -> memref<1x80x2x128xi32, #tpu.memory_space<hbm>>
      %dma_start3A_133 = tpu.memref_squeeze %dma_start3A_132 : memref<1x80x2x128xi32, #tpu.memory_space<hbm>> -> memref<80x2x128xi32, #tpu.memory_space<hbm>>
      %dma_start3A_134 = arith.constant 0 : i32
      %dma_start3A_135 = arith.constant 0 : i32
      %dma_start3A_136 = arith.constant 0 : i32
      %dma_start3A_137 = tpu.memref_slice %arg3[%arg1, %dma_start3A_134, %dma_start3A_135, %dma_start3A_136] : memref<16x160x2x128xi32, #tpu.memory_space<hbm>> -> memref<1x80x2x128xi32, #tpu.memory_space<hbm>>
      %dma_start3A_138 = tpu.memref_squeeze %dma_start3A_137 : memref<1x80x2x128xi32, #tpu.memory_space<hbm>> -> memref<80x2x128xi32, #tpu.memory_space<hbm>>
      tpu.enqueue_dma source(%dma_start3A_138 : memref<80x2x128xi32, #tpu.memory_space<hbm>>) target(%arg6 : memref<80x2x128xi32, #tpu.memory_space<vmem>>) target_semaphore(%run_scoped3A_128 : memref<!tpu.dma_semaphore, #tpu.memory_space<semaphore_mem>>)
      %dma_wait3A_139 = arith.constant 0 : i32
      %dma_wait3A_140 = arith.constant 0 : i32
      %dma_wait3A_141 = arith.constant 0 : i32
      %dma_wait3A_142 = tpu.memref_slice %arg3[%arg1, %dma_wait3A_139, %dma_wait3A_140, %dma_wait3A_141] : memref<16x160x2x128xi32, #tpu.memory_space<hbm>> -> memref<1x80x2x128xi32, #tpu.memory_space<hbm>>
      %dma_wait3A_143 = tpu.memref_squeeze %dma_wait3A_142 : memref<1x80x2x128xi32, #tpu.memory_space<hbm>> -> memref<80x2x128xi32, #tpu.memory_space<hbm>>
      %dma_wait3A_144 = arith.constant 0 : i32
      %dma_wait3A_145 = arith.constant 0 : i32
      %dma_wait3A_146 = arith.constant 0 : i32
      %dma_wait3A_147 = tpu.memref_slice %arg3[%arg1, %dma_wait3A_144, %dma_wait3A_145, %dma_wait3A_146] : memref<16x160x2x128xi32, #tpu.memory_space<hbm>> -> memref<1x80x2x128xi32, #tpu.memory_space<hbm>>
      %dma_wait3A_148 = tpu.memref_squeeze %dma_wait3A_147 : memref<1x80x2x128xi32, #tpu.memory_space<hbm>> -> memref<80x2x128xi32, #tpu.memory_space<hbm>>
      tpu.wait_dma2 semaphore(%run_scoped3A_128 : memref<!tpu.dma_semaphore, #tpu.memory_space<semaphore_mem>>) src(%dma_wait3A_148 : memref<80x2x128xi32, #tpu.memory_space<hbm>>) dst(%arg6 : memref<80x2x128xi32, #tpu.memory_space<vmem>>)
      tpu.yield
    }) : () -> ()
    %dma_start3A = arith.constant 0 : i32
    %dma_start3A_3 = arith.constant 0 : i32
    %dma_start3A_4 = arith.constant 0 : i32
    %dma_start3A_5 = arith.constant 0 : i32
    %dma_start3A_6 = arith.constant 0 : i32
    %dma_start3A_7 = tpu.memref_slice %arg7[%dma_start3A_4, %dma_start3A_5, %dma_start3A_6] : memref<2x128x64xbf16, #tpu.memory_space<vmem>> -> memref<1x128x64xbf16, #tpu.memory_space<vmem>>
    %dma_start3A_8 = tpu.memref_squeeze %dma_start3A_7 : memref<1x128x64xbf16, #tpu.memory_space<vmem>> -> memref<128x64xbf16, #tpu.memory_space<vmem>>
    %dma_start3A_9 = arith.constant 0 : i32
    %dma_start3A_10 = tpu.memref_slice %arg6[%dma_start3A, %dma_start3A_3, %dma_start3A_9] : memref<80x2x128xi32, #tpu.memory_space<vmem>> -> memref<1x1x128xi32, #tpu.memory_space<vmem>>
    %dma_start3A_11 = tpu.memref_squeeze %dma_start3A_10 : memref<1x1x128xi32, #tpu.memory_space<vmem>> -> memref<128xi32, #tpu.memory_space<vmem>>
    %dma_start3A_12 = arith.constant 0 : i32
    %dma_start3A_13 = arith.constant 0 : i32
    %dma_start3A_14 = tpu.memref_slice %arg8[%dma_start3A_12, %dma_start3A_13] : memref<10000x64xbf16, #tpu.memory_space<vmem_shared>> -> memref<10000x64xbf16, #tpu.memory_space<vmem_shared>>
    tpu.enqueue_indirect_dma source(%dma_start3A_14 : memref<10000x64xbf16, #tpu.memory_space<vmem_shared>>) target(%dma_start3A_8 : memref<128x64xbf16, #tpu.memory_space<vmem>>) offsets(%dma_start3A_11 : memref<128xi32, #tpu.memory_space<vmem>>) semaphore(%arg10 : memref<!tpu.dma_semaphore, #tpu.memory_space<semaphore_mem>>)
    %scan3A = arith.constant 0 : i32
    %scan3A_15 = arith.constant 0 : i32
    %scan3A_16 = arith.constant 39 : i32
    %scan3A_17 = arith.addi %scan3A_15, %scan3A_16 : i32
    %scan3A_18 = arith.constant 1 : i32
    scf.for %scan3A_128 = %scan3A_15 to %scan3A_17 step %scan3A_18  : i32 {
      %mul3A_129 = arith.constant 2 : i32
      %mul3A_130 = arith.muli %scan3A_128, %mul3A_129 : i32
      %add3A = arith.constant 0 : i32
      %add3A_131 = arith.addi %mul3A_130, %add3A : i32
      %dma_wait3A_132 = arith.constant 0 : i32
      %dma_wait3A_133 = arith.constant 0 : i32
      %dma_wait3A_134 = arith.constant 0 : i32
      %dma_wait3A_135 = arith.constant 0 : i32
      %dma_wait3A_136 = tpu.memref_slice %arg7[%dma_wait3A_133, %dma_wait3A_134, %dma_wait3A_135] : memref<2x128x64xbf16, #tpu.memory_space<vmem>> -> memref<1x128x64xbf16, #tpu.memory_space<vmem>>
      %dma_wait3A_137 = tpu.memref_squeeze %dma_wait3A_136 : memref<1x128x64xbf16, #tpu.memory_space<vmem>> -> memref<128x64xbf16, #tpu.memory_space<vmem>>
      %dma_wait3A_138 = arith.constant 0 : i32
      %dma_wait3A_139 = tpu.memref_slice %arg6[%add3A_131, %dma_wait3A_132, %dma_wait3A_138] : memref<80x2x128xi32, #tpu.memory_space<vmem>> -> memref<1x1x128xi32, #tpu.memory_space<vmem>>
      %dma_wait3A_140 = tpu.memref_squeeze %dma_wait3A_139 : memref<1x1x128xi32, #tpu.memory_space<vmem>> -> memref<128xi32, #tpu.memory_space<vmem>>
      %dma_wait3A_141 = arith.constant 0 : i32
      %dma_wait3A_142 = arith.constant 0 : i32
      %dma_wait3A_143 = tpu.memref_slice %arg8[%dma_wait3A_141, %dma_wait3A_142] : memref<10000x64xbf16, #tpu.memory_space<vmem_shared>> -> memref<10000x64xbf16, #tpu.memory_space<vmem_shared>>
      tpu.wait_indirect_dma semaphore(%arg10 : memref<!tpu.dma_semaphore, #tpu.memory_space<semaphore_mem>>) src(%dma_wait3A_143 : memref<10000x64xbf16, #tpu.memory_space<vmem_shared>>) dst(%dma_wait3A_137 : memref<128x64xbf16, #tpu.memory_space<vmem>>)
      %add3A_144 = arith.constant 2 : i32
      %add3A_145 = arith.addi %add3A_131, %add3A_144 : i32
      %sub3A = arith.constant 1 : i32
      %sub3A_146 = arith.subi %add3A_145, %sub3A : i32
      %dma_start3A_147 = arith.constant 0 : i32
      %dma_start3A_148 = arith.constant 1 : i32
      %dma_start3A_149 = arith.constant 0 : i32
      %dma_start3A_150 = arith.constant 0 : i32
      %dma_start3A_151 = tpu.memref_slice %arg7[%dma_start3A_148, %dma_start3A_149, %dma_start3A_150] : memref<2x128x64xbf16, #tpu.memory_space<vmem>> -> memref<1x128x64xbf16, #tpu.memory_space<vmem>>
      %dma_start3A_152 = tpu.memref_squeeze %dma_start3A_151 : memref<1x128x64xbf16, #tpu.memory_space<vmem>> -> memref<128x64xbf16, #tpu.memory_space<vmem>>
      %dma_start3A_153 = arith.constant 0 : i32
      %dma_start3A_154 = tpu.memref_slice %arg6[%sub3A_146, %dma_start3A_147, %dma_start3A_153] : memref<80x2x128xi32, #tpu.memory_space<vmem>> -> memref<1x1x128xi32, #tpu.memory_space<vmem>>
      %dma_start3A_155 = tpu.memref_squeeze %dma_start3A_154 : memref<1x1x128xi32, #tpu.memory_space<vmem>> -> memref<128xi32, #tpu.memory_space<vmem>>
      %dma_start3A_156 = arith.constant 0 : i32
      %dma_start3A_157 = arith.constant 0 : i32
      %dma_start3A_158 = tpu.memref_slice %arg8[%dma_start3A_156, %dma_start3A_157] : memref<10000x64xbf16, #tpu.memory_space<vmem_shared>> -> memref<10000x64xbf16, #tpu.memory_space<vmem_shared>>
      tpu.enqueue_indirect_dma source(%dma_start3A_158 : memref<10000x64xbf16, #tpu.memory_space<vmem_shared>>) target(%dma_start3A_152 : memref<128x64xbf16, #tpu.memory_space<vmem>>) offsets(%dma_start3A_155 : memref<128xi32, #tpu.memory_space<vmem>>) semaphore(%arg11 : memref<!tpu.dma_semaphore, #tpu.memory_space<semaphore_mem>>)
      %run_scoped3A_159 = arith.constant 0 : i32
      %run_scoped3A_160 = arith.constant 1 : i32
      "tpu.region"() ({
        %run_scoped3A_195 = tpu.sem_alloc : memref<!tpu.dma_semaphore, #tpu.memory_space<semaphore_mem>>
        %dma_start3A_196 = arith.constant 0 : i32
        %dma_start3A_197 = arith.constant 0 : i32
        %dma_start3A_198 = tpu.memref_slice %arg7[%run_scoped3A_159, %dma_start3A_196, %dma_start3A_197] : memref<2x128x64xbf16, #tpu.memory_space<vmem>> -> memref<1x128x64xbf16, #tpu.memory_space<vmem>>
        %dma_start3A_199 = tpu.memref_squeeze %dma_start3A_198 : memref<1x128x64xbf16, #tpu.memory_space<vmem>> -> memref<128x64xbf16, #tpu.memory_space<vmem>>
        %dma_start3A_200 = arith.constant 0 : i32
        %dma_start3A_201 = tpu.memref_slice %arg6[%add3A_131, %run_scoped3A_160, %dma_start3A_200] : memref<80x2x128xi32, #tpu.memory_space<vmem>> -> memref<1x1x128xi32, #tpu.memory_space<vmem>>
        %dma_start3A_202 = tpu.memref_squeeze %dma_start3A_201 : memref<1x1x128xi32, #tpu.memory_space<vmem>> -> memref<128xi32, #tpu.memory_space<vmem>>
        %dma_start3A_203 = arith.constant 0 : i32
        %dma_start3A_204 = arith.constant 0 : i32
        %dma_start3A_205 = tpu.memref_slice %arg9[%dma_start3A_203, %dma_start3A_204] : memref<10112x64xbf16, #tpu.memory_space<vmem_shared>> -> memref<10112x64xbf16, #tpu.memory_space<vmem_shared>>
        tpu.enqueue_indirect_dma source(%dma_start3A_199 : memref<128x64xbf16, #tpu.memory_space<vmem>>) target(%dma_start3A_205 : memref<10112x64xbf16, #tpu.memory_space<vmem_shared>>) offsets(%dma_start3A_202 : memref<128xi32, #tpu.memory_space<vmem>>) semaphore(%run_scoped3A_195 : memref<!tpu.dma_semaphore, #tpu.memory_space<semaphore_mem>>) {add = true}
        %dma_wait3A_206 = arith.constant 0 : i32
        %dma_wait3A_207 = arith.constant 0 : i32
        %dma_wait3A_208 = tpu.memref_slice %arg7[%run_scoped3A_159, %dma_wait3A_206, %dma_wait3A_207] : memref<2x128x64xbf16, #tpu.memory_space<vmem>> -> memref<1x128x64xbf16, #tpu.memory_space<vmem>>
        %dma_wait3A_209 = tpu.memref_squeeze %dma_wait3A_208 : memref<1x128x64xbf16, #tpu.memory_space<vmem>> -> memref<128x64xbf16, #tpu.memory_space<vmem>>
        %dma_wait3A_210 = arith.constant 0 : i32
        %dma_wait3A_211 = tpu.memref_slice %arg6[%add3A_131, %run_scoped3A_160, %dma_wait3A_210] : memref<80x2x128xi32, #tpu.memory_space<vmem>> -> memref<1x1x128xi32, #tpu.memory_space<vmem>>
        %dma_wait3A_212 = tpu.memref_squeeze %dma_wait3A_211 : memref<1x1x128xi32, #tpu.memory_space<vmem>> -> memref<128xi32, #tpu.memory_space<vmem>>
        %dma_wait3A_213 = arith.constant 0 : i32
        %dma_wait3A_214 = arith.constant 0 : i32
        %dma_wait3A_215 = tpu.memref_slice %arg9[%dma_wait3A_213, %dma_wait3A_214] : memref<10112x64xbf16, #tpu.memory_space<vmem_shared>> -> memref<10112x64xbf16, #tpu.memory_space<vmem_shared>>
        tpu.wait_indirect_dma semaphore(%run_scoped3A_195 : memref<!tpu.dma_semaphore, #tpu.memory_space<semaphore_mem>>) src(%dma_wait3A_209 : memref<128x64xbf16, #tpu.memory_space<vmem>>) dst(%dma_wait3A_215 : memref<10112x64xbf16, #tpu.memory_space<vmem_shared>>)
        tpu.yield
      }) : () -> ()
      %mul3A_161 = arith.constant 2 : i32
      %mul3A_162 = arith.muli %scan3A_128, %mul3A_161 : i32
      %add3A_163 = arith.constant 1 : i32
      %add3A_164 = arith.addi %mul3A_162, %add3A_163 : i32
      %dma_wait3A_165 = arith.constant 0 : i32
      %dma_wait3A_166 = arith.constant 1 : i32
      %dma_wait3A_167 = arith.constant 0 : i32
      %dma_wait3A_168 = arith.constant 0 : i32
      %dma_wait3A_169 = tpu.memref_slice %arg7[%dma_wait3A_166, %dma_wait3A_167, %dma_wait3A_168] : memref<2x128x64xbf16, #tpu.memory_space<vmem>> -> memref<1x128x64xbf16, #tpu.memory_space<vmem>>
      %dma_wait3A_170 = tpu.memref_squeeze %dma_wait3A_169 : memref<1x128x64xbf16, #tpu.memory_space<vmem>> -> memref<128x64xbf16, #tpu.memory_space<vmem>>
      %dma_wait3A_171 = arith.constant 0 : i32
      %dma_wait3A_172 = tpu.memref_slice %arg6[%add3A_164, %dma_wait3A_165, %dma_wait3A_171] : memref<80x2x128xi32, #tpu.memory_space<vmem>> -> memref<1x1x128xi32, #tpu.memory_space<vmem>>
      %dma_wait3A_173 = tpu.memref_squeeze %dma_wait3A_172 : memref<1x1x128xi32, #tpu.memory_space<vmem>> -> memref<128xi32, #tpu.memory_space<vmem>>
      %dma_wait3A_174 = arith.constant 0 : i32
      %dma_wait3A_175 = arith.constant 0 : i32
      %dma_wait3A_176 = tpu.memref_slice %arg8[%dma_wait3A_174, %dma_wait3A_175] : memref<10000x64xbf16, #tpu.memory_space<vmem_shared>> -> memref<10000x64xbf16, #tpu.memory_space<vmem_shared>>
      tpu.wait_indirect_dma semaphore(%arg11 : memref<!tpu.dma_semaphore, #tpu.memory_space<semaphore_mem>>) src(%dma_wait3A_176 : memref<10000x64xbf16, #tpu.memory_space<vmem_shared>>) dst(%dma_wait3A_170 : memref<128x64xbf16, #tpu.memory_space<vmem>>)
      %add3A_177 = arith.constant 2 : i32
      %add3A_178 = arith.addi %add3A_164, %add3A_177 : i32
      %sub3A_179 = arith.constant 1 : i32
      %sub3A_180 = arith.subi %add3A_178, %sub3A_179 : i32
      %dma_start3A_181 = arith.constant 0 : i32
      %dma_start3A_182 = arith.constant 0 : i32
      %dma_start3A_183 = arith.constant 0 : i32
      %dma_start3A_184 = arith.constant 0 : i32
      %dma_start3A_185 = tpu.memref_slice %arg7[%dma_start3A_182, %dma_start3A_183, %dma_start3A_184] : memref<2x128x64xbf16, #tpu.memory_space<vmem>> -> memref<1x128x64xbf16, #tpu.memory_space<vmem>>
      %dma_start3A_186 = tpu.memref_squeeze %dma_start3A_185 : memref<1x128x64xbf16, #tpu.memory_space<vmem>> -> memref<128x64xbf16, #tpu.memory_space<vmem>>
      %dma_start3A_187 = arith.constant 0 : i32
      %dma_start3A_188 = tpu.memref_slice %arg6[%sub3A_180, %dma_start3A_181, %dma_start3A_187] : memref<80x2x128xi32, #tpu.memory_space<vmem>> -> memref<1x1x128xi32, #tpu.memory_space<vmem>>
      %dma_start3A_189 = tpu.memref_squeeze %dma_start3A_188 : memref<1x1x128xi32, #tpu.memory_space<vmem>> -> memref<128xi32, #tpu.memory_space<vmem>>
      %dma_start3A_190 = arith.constant 0 : i32
      %dma_start3A_191 = arith.constant 0 : i32
      %dma_start3A_192 = tpu.memref_slice %arg8[%dma_start3A_190, %dma_start3A_191] : memref<10000x64xbf16, #tpu.memory_space<vmem_shared>> -> memref<10000x64xbf16, #tpu.memory_space<vmem_shared>>
      tpu.enqueue_indirect_dma source(%dma_start3A_192 : memref<10000x64xbf16, #tpu.memory_space<vmem_shared>>) target(%dma_start3A_186 : memref<128x64xbf16, #tpu.memory_space<vmem>>) offsets(%dma_start3A_189 : memref<128xi32, #tpu.memory_space<vmem>>) semaphore(%arg10 : memref<!tpu.dma_semaphore, #tpu.memory_space<semaphore_mem>>)
      %run_scoped3A_193 = arith.constant 1 : i32
      %run_scoped3A_194 = arith.constant 1 : i32
      "tpu.region"() ({
        %run_scoped3A_195 = tpu.sem_alloc : memref<!tpu.dma_semaphore, #tpu.memory_space<semaphore_mem>>
        %dma_start3A_196 = arith.constant 0 : i32
        %dma_start3A_197 = arith.constant 0 : i32
        %dma_start3A_198 = tpu.memref_slice %arg7[%run_scoped3A_193, %dma_start3A_196, %dma_start3A_197] : memref<2x128x64xbf16, #tpu.memory_space<vmem>> -> memref<1x128x64xbf16, #tpu.memory_space<vmem>>
        %dma_start3A_199 = tpu.memref_squeeze %dma_start3A_198 : memref<1x128x64xbf16, #tpu.memory_space<vmem>> -> memref<128x64xbf16, #tpu.memory_space<vmem>>
        %dma_start3A_200 = arith.constant 0 : i32
        %dma_start3A_201 = tpu.memref_slice %arg6[%add3A_164, %run_scoped3A_194, %dma_start3A_200] : memref<80x2x128xi32, #tpu.memory_space<vmem>> -> memref<1x1x128xi32, #tpu.memory_space<vmem>>
        %dma_start3A_202 = tpu.memref_squeeze %dma_start3A_201 : memref<1x1x128xi32, #tpu.memory_space<vmem>> -> memref<128xi32, #tpu.memory_space<vmem>>
        %dma_start3A_203 = arith.constant 0 : i32
        %dma_start3A_204 = arith.constant 0 : i32
        %dma_start3A_205 = tpu.memref_slice %arg9[%dma_start3A_203, %dma_start3A_204] : memref<10112x64xbf16, #tpu.memory_space<vmem_shared>> -> memref<10112x64xbf16, #tpu.memory_space<vmem_shared>>
        tpu.enqueue_indirect_dma source(%dma_start3A_199 : memref<128x64xbf16, #tpu.memory_space<vmem>>) target(%dma_start3A_205 : memref<10112x64xbf16, #tpu.memory_space<vmem_shared>>) offsets(%dma_start3A_202 : memref<128xi32, #tpu.memory_space<vmem>>) semaphore(%run_scoped3A_195 : memref<!tpu.dma_semaphore, #tpu.memory_space<semaphore_mem>>) {add = true}
        %dma_wait3A_206 = arith.constant 0 : i32
        %dma_wait3A_207 = arith.constant 0 : i32
        %dma_wait3A_208 = tpu.memref_slice %arg7[%run_scoped3A_193, %dma_wait3A_206, %dma_wait3A_207] : memref<2x128x64xbf16, #tpu.memory_space<vmem>> -> memref<1x128x64xbf16, #tpu.memory_space<vmem>>
        %dma_wait3A_209 = tpu.memref_squeeze %dma_wait3A_208 : memref<1x128x64xbf16, #tpu.memory_space<vmem>> -> memref<128x64xbf16, #tpu.memory_space<vmem>>
        %dma_wait3A_210 = arith.constant 0 : i32
        %dma_wait3A_211 = tpu.memref_slice %arg6[%add3A_164, %run_scoped3A_194, %dma_wait3A_210] : memref<80x2x128xi32, #tpu.memory_space<vmem>> -> memref<1x1x128xi32, #tpu.memory_space<vmem>>
        %dma_wait3A_212 = tpu.memref_squeeze %dma_wait3A_211 : memref<1x1x128xi32, #tpu.memory_space<vmem>> -> memref<128xi32, #tpu.memory_space<vmem>>
        %dma_wait3A_213 = arith.constant 0 : i32
        %dma_wait3A_214 = arith.constant 0 : i32
        %dma_wait3A_215 = tpu.memref_slice %arg9[%dma_wait3A_213, %dma_wait3A_214] : memref<10112x64xbf16, #tpu.memory_space<vmem_shared>> -> memref<10112x64xbf16, #tpu.memory_space<vmem_shared>>
        tpu.wait_indirect_dma semaphore(%run_scoped3A_195 : memref<!tpu.dma_semaphore, #tpu.memory_space<semaphore_mem>>) src(%dma_wait3A_209 : memref<128x64xbf16, #tpu.memory_space<vmem>>) dst(%dma_wait3A_215 : memref<10112x64xbf16, #tpu.memory_space<vmem_shared>>)
        tpu.yield
      }) : () -> ()
    }
    %scan3A_19 = arith.constant 39 : i32
    %dma_wait3A = arith.constant 78 : i32
    %dma_wait3A_20 = arith.constant 0 : i32
    %dma_wait3A_21 = arith.constant 0 : i32
    %dma_wait3A_22 = arith.constant 0 : i32
    %dma_wait3A_23 = arith.constant 0 : i32
    %dma_wait3A_24 = tpu.memref_slice %arg7[%dma_wait3A_21, %dma_wait3A_22, %dma_wait3A_23] : memref<2x128x64xbf16, #tpu.memory_space<vmem>> -> memref<1x128x64xbf16, #tpu.memory_space<vmem>>
    %dma_wait3A_25 = tpu.memref_squeeze %dma_wait3A_24 : memref<1x128x64xbf16, #tpu.memory_space<vmem>> -> memref<128x64xbf16, #tpu.memory_space<vmem>>
    %dma_wait3A_26 = arith.constant 0 : i32
    %dma_wait3A_27 = tpu.memref_slice %arg6[%dma_wait3A, %dma_wait3A_20, %dma_wait3A_26] : memref<80x2x128xi32, #tpu.memory_space<vmem>> -> memref<1x1x128xi32, #tpu.memory_space<vmem>>
    %dma_wait3A_28 = tpu.memref_squeeze %dma_wait3A_27 : memref<1x1x128xi32, #tpu.memory_space<vmem>> -> memref<128xi32, #tpu.memory_space<vmem>>
    %dma_wait3A_29 = arith.constant 0 : i32
    %dma_wait3A_30 = arith.constant 0 : i32
    %dma_wait3A_31 = tpu.memref_slice %arg8[%dma_wait3A_29, %dma_wait3A_30] : memref<10000x64xbf16, #tpu.memory_space<vmem_shared>> -> memref<10000x64xbf16, #tpu.memory_space<vmem_shared>>
    tpu.wait_indirect_dma semaphore(%arg10 : memref<!tpu.dma_semaphore, #tpu.memory_space<semaphore_mem>>) src(%dma_wait3A_31 : memref<10000x64xbf16, #tpu.memory_space<vmem_shared>>) dst(%dma_wait3A_25 : memref<128x64xbf16, #tpu.memory_space<vmem>>)
    %dma_start3A_32 = arith.constant 79 : i32
    %dma_start3A_33 = arith.constant 0 : i32
    %dma_start3A_34 = arith.constant 1 : i32
    %dma_start3A_35 = arith.constant 0 : i32
    %dma_start3A_36 = arith.constant 0 : i32
    %dma_start3A_37 = tpu.memref_slice %arg7[%dma_start3A_34, %dma_start3A_35, %dma_start3A_36] : memref<2x128x64xbf16, #tpu.memory_space<vmem>> -> memref<1x128x64xbf16, #tpu.memory_space<vmem>>
    %dma_start3A_38 = tpu.memref_squeeze %dma_start3A_37 : memref<1x128x64xbf16, #tpu.memory_space<vmem>> -> memref<128x64xbf16, #tpu.memory_space<vmem>>
    %dma_start3A_39 = arith.constant 0 : i32
    %dma_start3A_40 = tpu.memref_slice %arg6[%dma_start3A_32, %dma_start3A_33, %dma_start3A_39] : memref<80x2x128xi32, #tpu.memory_space<vmem>> -> memref<1x1x128xi32, #tpu.memory_space<vmem>>
    %dma_start3A_41 = tpu.memref_squeeze %dma_start3A_40 : memref<1x1x128xi32, #tpu.memory_space<vmem>> -> memref<128xi32, #tpu.memory_space<vmem>>
    %dma_start3A_42 = arith.constant 0 : i32
    %dma_start3A_43 = arith.constant 0 : i32
    %dma_start3A_44 = tpu.memref_slice %arg8[%dma_start3A_42, %dma_start3A_43] : memref<10000x64xbf16, #tpu.memory_space<vmem_shared>> -> memref<10000x64xbf16, #tpu.memory_space<vmem_shared>>
    tpu.enqueue_indirect_dma source(%dma_start3A_44 : memref<10000x64xbf16, #tpu.memory_space<vmem_shared>>) target(%dma_start3A_38 : memref<128x64xbf16, #tpu.memory_space<vmem>>) offsets(%dma_start3A_41 : memref<128xi32, #tpu.memory_space<vmem>>) semaphore(%arg11 : memref<!tpu.dma_semaphore, #tpu.memory_space<semaphore_mem>>)
    %run_scoped3A = arith.constant 0 : i32
    %run_scoped3A_45 = arith.constant 78 : i32
    %run_scoped3A_46 = arith.constant 1 : i32
    "tpu.region"() ({
      %run_scoped3A_128 = tpu.sem_alloc : memref<!tpu.dma_semaphore, #tpu.memory_space<semaphore_mem>>
      %dma_start3A_129 = arith.constant 0 : i32
      %dma_start3A_130 = arith.constant 0 : i32
      %dma_start3A_131 = tpu.memref_slice %arg7[%run_scoped3A, %dma_start3A_129, %dma_start3A_130] : memref<2x128x64xbf16, #tpu.memory_space<vmem>> -> memref<1x128x64xbf16, #tpu.memory_space<vmem>>
      %dma_start3A_132 = tpu.memref_squeeze %dma_start3A_131 : memref<1x128x64xbf16, #tpu.memory_space<vmem>> -> memref<128x64xbf16, #tpu.memory_space<vmem>>
      %dma_start3A_133 = arith.constant 0 : i32
      %dma_start3A_134 = tpu.memref_slice %arg6[%run_scoped3A_45, %run_scoped3A_46, %dma_start3A_133] : memref<80x2x128xi32, #tpu.memory_space<vmem>> -> memref<1x1x128xi32, #tpu.memory_space<vmem>>
      %dma_start3A_135 = tpu.memref_squeeze %dma_start3A_134 : memref<1x1x128xi32, #tpu.memory_space<vmem>> -> memref<128xi32, #tpu.memory_space<vmem>>
      %dma_start3A_136 = arith.constant 0 : i32
      %dma_start3A_137 = arith.constant 0 : i32
      %dma_start3A_138 = tpu.memref_slice %arg9[%dma_start3A_136, %dma_start3A_137] : memref<10112x64xbf16, #tpu.memory_space<vmem_shared>> -> memref<10112x64xbf16, #tpu.memory_space<vmem_shared>>
      tpu.enqueue_indirect_dma source(%dma_start3A_132 : memref<128x64xbf16, #tpu.memory_space<vmem>>) target(%dma_start3A_138 : memref<10112x64xbf16, #tpu.memory_space<vmem_shared>>) offsets(%dma_start3A_135 : memref<128xi32, #tpu.memory_space<vmem>>) semaphore(%run_scoped3A_128 : memref<!tpu.dma_semaphore, #tpu.memory_space<semaphore_mem>>) {add = true}
      %dma_wait3A_139 = arith.constant 0 : i32
      %dma_wait3A_140 = arith.constant 0 : i32
      %dma_wait3A_141 = tpu.memref_slice %arg7[%run_scoped3A, %dma_wait3A_139, %dma_wait3A_140] : memref<2x128x64xbf16, #tpu.memory_space<vmem>> -> memref<1x128x64xbf16, #tpu.memory_space<vmem>>
      %dma_wait3A_142 = tpu.memref_squeeze %dma_wait3A_141 : memref<1x128x64xbf16, #tpu.memory_space<vmem>> -> memref<128x64xbf16, #tpu.memory_space<vmem>>
      %dma_wait3A_143 = arith.constant 0 : i32
      %dma_wait3A_144 = tpu.memref_slice %arg6[%run_scoped3A_45, %run_scoped3A_46, %dma_wait3A_143] : memref<80x2x128xi32, #tpu.memory_space<vmem>> -> memref<1x1x128xi32, #tpu.memory_space<vmem>>
      %dma_wait3A_145 = tpu.memref_squeeze %dma_wait3A_144 : memref<1x1x128xi32, #tpu.memory_space<vmem>> -> memref<128xi32, #tpu.memory_space<vmem>>
      %dma_wait3A_146 = arith.constant 0 : i32
      %dma_wait3A_147 = arith.constant 0 : i32
      %dma_wait3A_148 = tpu.memref_slice %arg9[%dma_wait3A_146, %dma_wait3A_147] : memref<10112x64xbf16, #tpu.memory_space<vmem_shared>> -> memref<10112x64xbf16, #tpu.memory_space<vmem_shared>>
      tpu.wait_indirect_dma semaphore(%run_scoped3A_128 : memref<!tpu.dma_semaphore, #tpu.memory_space<semaphore_mem>>) src(%dma_wait3A_142 : memref<128x64xbf16, #tpu.memory_space<vmem>>) dst(%dma_wait3A_148 : memref<10112x64xbf16, #tpu.memory_space<vmem_shared>>)
      tpu.yield
    }) : () -> ()
    %dma_wait3A_47 = arith.constant 79 : i32
    %dma_wait3A_48 = arith.constant 0 : i32
    %dma_wait3A_49 = arith.constant 1 : i32
    %dma_wait3A_50 = arith.constant 0 : i32
    %dma_wait3A_51 = arith.constant 0 : i32
    %dma_wait3A_52 = tpu.memref_slice %arg7[%dma_wait3A_49, %dma_wait3A_50, %dma_wait3A_51] : memref<2x128x64xbf16, #tpu.memory_space<vmem>> -> memref<1x128x64xbf16, #tpu.memory_space<vmem>>
    %dma_wait3A_53 = tpu.memref_squeeze %dma_wait3A_52 : memref<1x128x64xbf16, #tpu.memory_space<vmem>> -> memref<128x64xbf16, #tpu.memory_space<vmem>>
    %dma_wait3A_54 = arith.constant 0 : i32
    %dma_wait3A_55 = tpu.memref_slice %arg6[%dma_wait3A_47, %dma_wait3A_48, %dma_wait3A_54] : memref<80x2x128xi32, #tpu.memory_space<vmem>> -> memref<1x1x128xi32, #tpu.memory_space<vmem>>
    %dma_wait3A_56 = tpu.memref_squeeze %dma_wait3A_55 : memref<1x1x128xi32, #tpu.memory_space<vmem>> -> memref<128xi32, #tpu.memory_space<vmem>>
    %dma_wait3A_57 = arith.constant 0 : i32
    %dma_wait3A_58 = arith.constant 0 : i32
    %dma_wait3A_59 = tpu.memref_slice %arg8[%dma_wait3A_57, %dma_wait3A_58] : memref<10000x64xbf16, #tpu.memory_space<vmem_shared>> -> memref<10000x64xbf16, #tpu.memory_space<vmem_shared>>
    tpu.wait_indirect_dma semaphore(%arg11 : memref<!tpu.dma_semaphore, #tpu.memory_space<semaphore_mem>>) src(%dma_wait3A_59 : memref<10000x64xbf16, #tpu.memory_space<vmem_shared>>) dst(%dma_wait3A_53 : memref<128x64xbf16, #tpu.memory_space<vmem>>)
    %run_scoped3A_60 = arith.constant 1 : i32
    %run_scoped3A_61 = arith.constant 79 : i32
    %run_scoped3A_62 = arith.constant 1 : i32
    "tpu.region"() ({
      %run_scoped3A_128 = tpu.sem_alloc : memref<!tpu.dma_semaphore, #tpu.memory_space<semaphore_mem>>
      %dma_start3A_129 = arith.constant 0 : i32
      %dma_start3A_130 = arith.constant 0 : i32
      %dma_start3A_131 = tpu.memref_slice %arg7[%run_scoped3A_60, %dma_start3A_129, %dma_start3A_130] : memref<2x128x64xbf16, #tpu.memory_space<vmem>> -> memref<1x128x64xbf16, #tpu.memory_space<vmem>>
      %dma_start3A_132 = tpu.memref_squeeze %dma_start3A_131 : memref<1x128x64xbf16, #tpu.memory_space<vmem>> -> memref<128x64xbf16, #tpu.memory_space<vmem>>
      %dma_start3A_133 = arith.constant 0 : i32
      %dma_start3A_134 = tpu.memref_slice %arg6[%run_scoped3A_61, %run_scoped3A_62, %dma_start3A_133] : memref<80x2x128xi32, #tpu.memory_space<vmem>> -> memref<1x1x128xi32, #tpu.memory_space<vmem>>
      %dma_start3A_135 = tpu.memref_squeeze %dma_start3A_134 : memref<1x1x128xi32, #tpu.memory_space<vmem>> -> memref<128xi32, #tpu.memory_space<vmem>>
      %dma_start3A_136 = arith.constant 0 : i32
      %dma_start3A_137 = arith.constant 0 : i32
      %dma_start3A_138 = tpu.memref_slice %arg9[%dma_start3A_136, %dma_start3A_137] : memref<10112x64xbf16, #tpu.memory_space<vmem_shared>> -> memref<10112x64xbf16, #tpu.memory_space<vmem_shared>>
      tpu.enqueue_indirect_dma source(%dma_start3A_132 : memref<128x64xbf16, #tpu.memory_space<vmem>>) target(%dma_start3A_138 : memref<10112x64xbf16, #tpu.memory_space<vmem_shared>>) offsets(%dma_start3A_135 : memref<128xi32, #tpu.memory_space<vmem>>) semaphore(%run_scoped3A_128 : memref<!tpu.dma_semaphore, #tpu.memory_space<semaphore_mem>>) {add = true}
      %dma_wait3A_139 = arith.constant 0 : i32
      %dma_wait3A_140 = arith.constant 0 : i32
      %dma_wait3A_141 = tpu.memref_slice %arg7[%run_scoped3A_60, %dma_wait3A_139, %dma_wait3A_140] : memref<2x128x64xbf16, #tpu.memory_space<vmem>> -> memref<1x128x64xbf16, #tpu.memory_space<vmem>>
      %dma_wait3A_142 = tpu.memref_squeeze %dma_wait3A_141 : memref<1x128x64xbf16, #tpu.memory_space<vmem>> -> memref<128x64xbf16, #tpu.memory_space<vmem>>
      %dma_wait3A_143 = arith.constant 0 : i32
      %dma_wait3A_144 = tpu.memref_slice %arg6[%run_scoped3A_61, %run_scoped3A_62, %dma_wait3A_143] : memref<80x2x128xi32, #tpu.memory_space<vmem>> -> memref<1x1x128xi32, #tpu.memory_space<vmem>>
      %dma_wait3A_145 = tpu.memref_squeeze %dma_wait3A_144 : memref<1x1x128xi32, #tpu.memory_space<vmem>> -> memref<128xi32, #tpu.memory_space<vmem>>
      %dma_wait3A_146 = arith.constant 0 : i32
      %dma_wait3A_147 = arith.constant 0 : i32
      %dma_wait3A_148 = tpu.memref_slice %arg9[%dma_wait3A_146, %dma_wait3A_147] : memref<10112x64xbf16, #tpu.memory_space<vmem_shared>> -> memref<10112x64xbf16, #tpu.memory_space<vmem_shared>>
      tpu.wait_indirect_dma semaphore(%run_scoped3A_128 : memref<!tpu.dma_semaphore, #tpu.memory_space<semaphore_mem>>) src(%dma_wait3A_142 : memref<128x64xbf16, #tpu.memory_space<vmem>>) dst(%dma_wait3A_148 : memref<10112x64xbf16, #tpu.memory_space<vmem_shared>>)
      tpu.yield
    }) : () -> ()
    "tpu.region"() ({
      %run_scoped3A_128 = tpu.sem_alloc : memref<!tpu.dma_semaphore, #tpu.memory_space<semaphore_mem>>
      %dma_start3A_129 = arith.constant 80 : i32
      %dma_start3A_130 = arith.constant 0 : i32
      %dma_start3A_131 = arith.constant 0 : i32
      %dma_start3A_132 = tpu.memref_slice %arg3[%arg1, %dma_start3A_129, %dma_start3A_130, %dma_start3A_131] : memref<16x160x2x128xi32, #tpu.memory_space<hbm>> -> memref<1x80x2x128xi32, #tpu.memory_space<hbm>>
      %dma_start3A_133 = tpu.memref_squeeze %dma_start3A_132 : memref<1x80x2x128xi32, #tpu.memory_space<hbm>> -> memref<80x2x128xi32, #tpu.memory_space<hbm>>
      %dma_start3A_134 = arith.constant 80 : i32
      %dma_start3A_135 = arith.constant 0 : i32
      %dma_start3A_136 = arith.constant 0 : i32
      %dma_start3A_137 = tpu.memref_slice %arg3[%arg1, %dma_start3A_134, %dma_start3A_135, %dma_start3A_136] : memref<16x160x2x128xi32, #tpu.memory_space<hbm>> -> memref<1x80x2x128xi32, #tpu.memory_space<hbm>>
      %dma_start3A_138 = tpu.memref_squeeze %dma_start3A_137 : memref<1x80x2x128xi32, #tpu.memory_space<hbm>> -> memref<80x2x128xi32, #tpu.memory_space<hbm>>
      tpu.enqueue_dma source(%dma_start3A_138 : memref<80x2x128xi32, #tpu.memory_space<hbm>>) target(%arg6 : memref<80x2x128xi32, #tpu.memory_space<vmem>>) target_semaphore(%run_scoped3A_128 : memref<!tpu.dma_semaphore, #tpu.memory_space<semaphore_mem>>)
      %dma_wait3A_139 = arith.constant 80 : i32
      %dma_wait3A_140 = arith.constant 0 : i32
      %dma_wait3A_141 = arith.constant 0 : i32
      %dma_wait3A_142 = tpu.memref_slice %arg3[%arg1, %dma_wait3A_139, %dma_wait3A_140, %dma_wait3A_141] : memref<16x160x2x128xi32, #tpu.memory_space<hbm>> -> memref<1x80x2x128xi32, #tpu.memory_space<hbm>>
      %dma_wait3A_143 = tpu.memref_squeeze %dma_wait3A_142 : memref<1x80x2x128xi32, #tpu.memory_space<hbm>> -> memref<80x2x128xi32, #tpu.memory_space<hbm>>
      %dma_wait3A_144 = arith.constant 80 : i32
      %dma_wait3A_145 = arith.constant 0 : i32
      %dma_wait3A_146 = arith.constant 0 : i32
      %dma_wait3A_147 = tpu.memref_slice %arg3[%arg1, %dma_wait3A_144, %dma_wait3A_145, %dma_wait3A_146] : memref<16x160x2x128xi32, #tpu.memory_space<hbm>> -> memref<1x80x2x128xi32, #tpu.memory_space<hbm>>
      %dma_wait3A_148 = tpu.memref_squeeze %dma_wait3A_147 : memref<1x80x2x128xi32, #tpu.memory_space<hbm>> -> memref<80x2x128xi32, #tpu.memory_space<hbm>>
      tpu.wait_dma2 semaphore(%run_scoped3A_128 : memref<!tpu.dma_semaphore, #tpu.memory_space<semaphore_mem>>) src(%dma_wait3A_148 : memref<80x2x128xi32, #tpu.memory_space<hbm>>) dst(%arg6 : memref<80x2x128xi32, #tpu.memory_space<vmem>>)
      tpu.yield
    }) : () -> ()
    %dma_start3A_63 = arith.constant 0 : i32
    %dma_start3A_64 = arith.constant 0 : i32
    %dma_start3A_65 = arith.constant 0 : i32
    %dma_start3A_66 = arith.constant 0 : i32
    %dma_start3A_67 = arith.constant 0 : i32
    %dma_start3A_68 = tpu.memref_slice %arg7[%dma_start3A_65, %dma_start3A_66, %dma_start3A_67] : memref<2x128x64xbf16, #tpu.memory_space<vmem>> -> memref<1x128x64xbf16, #tpu.memory_space<vmem>>
    %dma_start3A_69 = tpu.memref_squeeze %dma_start3A_68 : memref<1x128x64xbf16, #tpu.memory_space<vmem>> -> memref<128x64xbf16, #tpu.memory_space<vmem>>
    %dma_start3A_70 = arith.constant 0 : i32
    %dma_start3A_71 = tpu.memref_slice %arg6[%dma_start3A_63, %dma_start3A_64, %dma_start3A_70] : memref<80x2x128xi32, #tpu.memory_space<vmem>> -> memref<1x1x128xi32, #tpu.memory_space<vmem>>
    %dma_start3A_72 = tpu.memref_squeeze %dma_start3A_71 : memref<1x1x128xi32, #tpu.memory_space<vmem>> -> memref<128xi32, #tpu.memory_space<vmem>>
    %dma_start3A_73 = arith.constant 0 : i32
    %dma_start3A_74 = arith.constant 0 : i32
    %dma_start3A_75 = tpu.memref_slice %arg8[%dma_start3A_73, %dma_start3A_74] : memref<10000x64xbf16, #tpu.memory_space<vmem_shared>> -> memref<10000x64xbf16, #tpu.memory_space<vmem_shared>>
    tpu.enqueue_indirect_dma source(%dma_start3A_75 : memref<10000x64xbf16, #tpu.memory_space<vmem_shared>>) target(%dma_start3A_69 : memref<128x64xbf16, #tpu.memory_space<vmem>>) offsets(%dma_start3A_72 : memref<128xi32, #tpu.memory_space<vmem>>) semaphore(%arg10 : memref<!tpu.dma_semaphore, #tpu.memory_space<semaphore_mem>>)
    %scan3A_76 = arith.constant 0 : i32
    %scan3A_77 = arith.constant 0 : i32
    %scan3A_78 = arith.constant 39 : i32
    %scan3A_79 = arith.addi %scan3A_77, %scan3A_78 : i32
    %scan3A_80 = arith.constant 1 : i32
    scf.for %scan3A_128 = %scan3A_77 to %scan3A_79 step %scan3A_80  : i32 {
      %mul3A_129 = arith.constant 2 : i32
      %mul3A_130 = arith.muli %scan3A_128, %mul3A_129 : i32
      %add3A = arith.constant 0 : i32
      %add3A_131 = arith.addi %mul3A_130, %add3A : i32
      %dma_wait3A_132 = arith.constant 0 : i32
      %dma_wait3A_133 = arith.constant 0 : i32
      %dma_wait3A_134 = arith.constant 0 : i32
      %dma_wait3A_135 = arith.constant 0 : i32
      %dma_wait3A_136 = tpu.memref_slice %arg7[%dma_wait3A_133, %dma_wait3A_134, %dma_wait3A_135] : memref<2x128x64xbf16, #tpu.memory_space<vmem>> -> memref<1x128x64xbf16, #tpu.memory_space<vmem>>
      %dma_wait3A_137 = tpu.memref_squeeze %dma_wait3A_136 : memref<1x128x64xbf16, #tpu.memory_space<vmem>> -> memref<128x64xbf16, #tpu.memory_space<vmem>>
      %dma_wait3A_138 = arith.constant 0 : i32
      %dma_wait3A_139 = tpu.memref_slice %arg6[%add3A_131, %dma_wait3A_132, %dma_wait3A_138] : memref<80x2x128xi32, #tpu.memory_space<vmem>> -> memref<1x1x128xi32, #tpu.memory_space<vmem>>
      %dma_wait3A_140 = tpu.memref_squeeze %dma_wait3A_139 : memref<1x1x128xi32, #tpu.memory_space<vmem>> -> memref<128xi32, #tpu.memory_space<vmem>>
      %dma_wait3A_141 = arith.constant 0 : i32
      %dma_wait3A_142 = arith.constant 0 : i32
      %dma_wait3A_143 = tpu.memref_slice %arg8[%dma_wait3A_141, %dma_wait3A_142] : memref<10000x64xbf16, #tpu.memory_space<vmem_shared>> -> memref<10000x64xbf16, #tpu.memory_space<vmem_shared>>
      tpu.wait_indirect_dma semaphore(%arg10 : memref<!tpu.dma_semaphore, #tpu.memory_space<semaphore_mem>>) src(%dma_wait3A_143 : memref<10000x64xbf16, #tpu.memory_space<vmem_shared>>) dst(%dma_wait3A_137 : memref<128x64xbf16, #tpu.memory_space<vmem>>)
      %add3A_144 = arith.constant 2 : i32
      %add3A_145 = arith.addi %add3A_131, %add3A_144 : i32
      %sub3A = arith.constant 1 : i32
      %sub3A_146 = arith.subi %add3A_145, %sub3A : i32
      %dma_start3A_147 = arith.constant 0 : i32
      %dma_start3A_148 = arith.constant 1 : i32
      %dma_start3A_149 = arith.constant 0 : i32
      %dma_start3A_150 = arith.constant 0 : i32
      %dma_start3A_151 = tpu.memref_slice %arg7[%dma_start3A_148, %dma_start3A_149, %dma_start3A_150] : memref<2x128x64xbf16, #tpu.memory_space<vmem>> -> memref<1x128x64xbf16, #tpu.memory_space<vmem>>
      %dma_start3A_152 = tpu.memref_squeeze %dma_start3A_151 : memref<1x128x64xbf16, #tpu.memory_space<vmem>> -> memref<128x64xbf16, #tpu.memory_space<vmem>>
      %dma_start3A_153 = arith.constant 0 : i32
      %dma_start3A_154 = tpu.memref_slice %arg6[%sub3A_146, %dma_start3A_147, %dma_start3A_153] : memref<80x2x128xi32, #tpu.memory_space<vmem>> -> memref<1x1x128xi32, #tpu.memory_space<vmem>>
      %dma_start3A_155 = tpu.memref_squeeze %dma_start3A_154 : memref<1x1x128xi32, #tpu.memory_space<vmem>> -> memref<128xi32, #tpu.memory_space<vmem>>
      %dma_start3A_156 = arith.constant 0 : i32
      %dma_start3A_157 = arith.constant 0 : i32
      %dma_start3A_158 = tpu.memref_slice %arg8[%dma_start3A_156, %dma_start3A_157] : memref<10000x64xbf16, #tpu.memory_space<vmem_shared>> -> memref<10000x64xbf16, #tpu.memory_space<vmem_shared>>
      tpu.enqueue_indirect_dma source(%dma_start3A_158 : memref<10000x64xbf16, #tpu.memory_space<vmem_shared>>) target(%dma_start3A_152 : memref<128x64xbf16, #tpu.memory_space<vmem>>) offsets(%dma_start3A_155 : memref<128xi32, #tpu.memory_space<vmem>>) semaphore(%arg11 : memref<!tpu.dma_semaphore, #tpu.memory_space<semaphore_mem>>)
      %run_scoped3A_159 = arith.constant 0 : i32
      %run_scoped3A_160 = arith.constant 1 : i32
      "tpu.region"() ({
        %run_scoped3A_195 = tpu.sem_alloc : memref<!tpu.dma_semaphore, #tpu.memory_space<semaphore_mem>>
        %dma_start3A_196 = arith.constant 0 : i32
        %dma_start3A_197 = arith.constant 0 : i32
        %dma_start3A_198 = tpu.memref_slice %arg7[%run_scoped3A_159, %dma_start3A_196, %dma_start3A_197] : memref<2x128x64xbf16, #tpu.memory_space<vmem>> -> memref<1x128x64xbf16, #tpu.memory_space<vmem>>
        %dma_start3A_199 = tpu.memref_squeeze %dma_start3A_198 : memref<1x128x64xbf16, #tpu.memory_space<vmem>> -> memref<128x64xbf16, #tpu.memory_space<vmem>>
        %dma_start3A_200 = arith.constant 0 : i32
        %dma_start3A_201 = tpu.memref_slice %arg6[%add3A_131, %run_scoped3A_160, %dma_start3A_200] : memref<80x2x128xi32, #tpu.memory_space<vmem>> -> memref<1x1x128xi32, #tpu.memory_space<vmem>>
        %dma_start3A_202 = tpu.memref_squeeze %dma_start3A_201 : memref<1x1x128xi32, #tpu.memory_space<vmem>> -> memref<128xi32, #tpu.memory_space<vmem>>
        %dma_start3A_203 = arith.constant 0 : i32
        %dma_start3A_204 = arith.constant 0 : i32
        %dma_start3A_205 = tpu.memref_slice %arg9[%dma_start3A_203, %dma_start3A_204] : memref<10112x64xbf16, #tpu.memory_space<vmem_shared>> -> memref<10112x64xbf16, #tpu.memory_space<vmem_shared>>
        tpu.enqueue_indirect_dma source(%dma_start3A_199 : memref<128x64xbf16, #tpu.memory_space<vmem>>) target(%dma_start3A_205 : memref<10112x64xbf16, #tpu.memory_space<vmem_shared>>) offsets(%dma_start3A_202 : memref<128xi32, #tpu.memory_space<vmem>>) semaphore(%run_scoped3A_195 : memref<!tpu.dma_semaphore, #tpu.memory_space<semaphore_mem>>) {add = true}
        %dma_wait3A_206 = arith.constant 0 : i32
        %dma_wait3A_207 = arith.constant 0 : i32
        %dma_wait3A_208 = tpu.memref_slice %arg7[%run_scoped3A_159, %dma_wait3A_206, %dma_wait3A_207] : memref<2x128x64xbf16, #tpu.memory_space<vmem>> -> memref<1x128x64xbf16, #tpu.memory_space<vmem>>
        %dma_wait3A_209 = tpu.memref_squeeze %dma_wait3A_208 : memref<1x128x64xbf16, #tpu.memory_space<vmem>> -> memref<128x64xbf16, #tpu.memory_space<vmem>>
        %dma_wait3A_210 = arith.constant 0 : i32
        %dma_wait3A_211 = tpu.memref_slice %arg6[%add3A_131, %run_scoped3A_160, %dma_wait3A_210] : memref<80x2x128xi32, #tpu.memory_space<vmem>> -> memref<1x1x128xi32, #tpu.memory_space<vmem>>
        %dma_wait3A_212 = tpu.memref_squeeze %dma_wait3A_211 : memref<1x1x128xi32, #tpu.memory_space<vmem>> -> memref<128xi32, #tpu.memory_space<vmem>>
        %dma_wait3A_213 = arith.constant 0 : i32
        %dma_wait3A_214 = arith.constant 0 : i32
        %dma_wait3A_215 = tpu.memref_slice %arg9[%dma_wait3A_213, %dma_wait3A_214] : memref<10112x64xbf16, #tpu.memory_space<vmem_shared>> -> memref<10112x64xbf16, #tpu.memory_space<vmem_shared>>
        tpu.wait_indirect_dma semaphore(%run_scoped3A_195 : memref<!tpu.dma_semaphore, #tpu.memory_space<semaphore_mem>>) src(%dma_wait3A_209 : memref<128x64xbf16, #tpu.memory_space<vmem>>) dst(%dma_wait3A_215 : memref<10112x64xbf16, #tpu.memory_space<vmem_shared>>)
        tpu.yield
      }) : () -> ()
      %mul3A_161 = arith.constant 2 : i32
      %mul3A_162 = arith.muli %scan3A_128, %mul3A_161 : i32
      %add3A_163 = arith.constant 1 : i32
      %add3A_164 = arith.addi %mul3A_162, %add3A_163 : i32
      %dma_wait3A_165 = arith.constant 0 : i32
      %dma_wait3A_166 = arith.constant 1 : i32
      %dma_wait3A_167 = arith.constant 0 : i32
      %dma_wait3A_168 = arith.constant 0 : i32
      %dma_wait3A_169 = tpu.memref_slice %arg7[%dma_wait3A_166, %dma_wait3A_167, %dma_wait3A_168] : memref<2x128x64xbf16, #tpu.memory_space<vmem>> -> memref<1x128x64xbf16, #tpu.memory_space<vmem>>
      %dma_wait3A_170 = tpu.memref_squeeze %dma_wait3A_169 : memref<1x128x64xbf16, #tpu.memory_space<vmem>> -> memref<128x64xbf16, #tpu.memory_space<vmem>>
      %dma_wait3A_171 = arith.constant 0 : i32
      %dma_wait3A_172 = tpu.memref_slice %arg6[%add3A_164, %dma_wait3A_165, %dma_wait3A_171] : memref<80x2x128xi32, #tpu.memory_space<vmem>> -> memref<1x1x128xi32, #tpu.memory_space<vmem>>
      %dma_wait3A_173 = tpu.memref_squeeze %dma_wait3A_172 : memref<1x1x128xi32, #tpu.memory_space<vmem>> -> memref<128xi32, #tpu.memory_space<vmem>>
      %dma_wait3A_174 = arith.constant 0 : i32
      %dma_wait3A_175 = arith.constant 0 : i32
      %dma_wait3A_176 = tpu.memref_slice %arg8[%dma_wait3A_174, %dma_wait3A_175] : memref<10000x64xbf16, #tpu.memory_space<vmem_shared>> -> memref<10000x64xbf16, #tpu.memory_space<vmem_shared>>
      tpu.wait_indirect_dma semaphore(%arg11 : memref<!tpu.dma_semaphore, #tpu.memory_space<semaphore_mem>>) src(%dma_wait3A_176 : memref<10000x64xbf16, #tpu.memory_space<vmem_shared>>) dst(%dma_wait3A_170 : memref<128x64xbf16, #tpu.memory_space<vmem>>)
      %add3A_177 = arith.constant 2 : i32
      %add3A_178 = arith.addi %add3A_164, %add3A_177 : i32
      %sub3A_179 = arith.constant 1 : i32
      %sub3A_180 = arith.subi %add3A_178, %sub3A_179 : i32
      %dma_start3A_181 = arith.constant 0 : i32
      %dma_start3A_182 = arith.constant 0 : i32
      %dma_start3A_183 = arith.constant 0 : i32
      %dma_start3A_184 = arith.constant 0 : i32
      %dma_start3A_185 = tpu.memref_slice %arg7[%dma_start3A_182, %dma_start3A_183, %dma_start3A_184] : memref<2x128x64xbf16, #tpu.memory_space<vmem>> -> memref<1x128x64xbf16, #tpu.memory_space<vmem>>
      %dma_start3A_186 = tpu.memref_squeeze %dma_start3A_185 : memref<1x128x64xbf16, #tpu.memory_space<vmem>> -> memref<128x64xbf16, #tpu.memory_space<vmem>>
      %dma_start3A_187 = arith.constant 0 : i32
      %dma_start3A_188 = tpu.memref_slice %arg6[%sub3A_180, %dma_start3A_181, %dma_start3A_187] : memref<80x2x128xi32, #tpu.memory_space<vmem>> -> memref<1x1x128xi32, #tpu.memory_space<vmem>>
      %dma_start3A_189 = tpu.memref_squeeze %dma_start3A_188 : memref<1x1x128xi32, #tpu.memory_space<vmem>> -> memref<128xi32, #tpu.memory_space<vmem>>
      %dma_start3A_190 = arith.constant 0 : i32
      %dma_start3A_191 = arith.constant 0 : i32
      %dma_start3A_192 = tpu.memref_slice %arg8[%dma_start3A_190, %dma_start3A_191] : memref<10000x64xbf16, #tpu.memory_space<vmem_shared>> -> memref<10000x64xbf16, #tpu.memory_space<vmem_shared>>
      tpu.enqueue_indirect_dma source(%dma_start3A_192 : memref<10000x64xbf16, #tpu.memory_space<vmem_shared>>) target(%dma_start3A_186 : memref<128x64xbf16, #tpu.memory_space<vmem>>) offsets(%dma_start3A_189 : memref<128xi32, #tpu.memory_space<vmem>>) semaphore(%arg10 : memref<!tpu.dma_semaphore, #tpu.memory_space<semaphore_mem>>)
      %run_scoped3A_193 = arith.constant 1 : i32
      %run_scoped3A_194 = arith.constant 1 : i32
      "tpu.region"() ({
        %run_scoped3A_195 = tpu.sem_alloc : memref<!tpu.dma_semaphore, #tpu.memory_space<semaphore_mem>>
        %dma_start3A_196 = arith.constant 0 : i32
        %dma_start3A_197 = arith.constant 0 : i32
        %dma_start3A_198 = tpu.memref_slice %arg7[%run_scoped3A_193, %dma_start3A_196, %dma_start3A_197] : memref<2x128x64xbf16, #tpu.memory_space<vmem>> -> memref<1x128x64xbf16, #tpu.memory_space<vmem>>
        %dma_start3A_199 = tpu.memref_squeeze %dma_start3A_198 : memref<1x128x64xbf16, #tpu.memory_space<vmem>> -> memref<128x64xbf16, #tpu.memory_space<vmem>>
        %dma_start3A_200 = arith.constant 0 : i32
        %dma_start3A_201 = tpu.memref_slice %arg6[%add3A_164, %run_scoped3A_194, %dma_start3A_200] : memref<80x2x128xi32, #tpu.memory_space<vmem>> -> memref<1x1x128xi32, #tpu.memory_space<vmem>>
        %dma_start3A_202 = tpu.memref_squeeze %dma_start3A_201 : memref<1x1x128xi32, #tpu.memory_space<vmem>> -> memref<128xi32, #tpu.memory_space<vmem>>
        %dma_start3A_203 = arith.constant 0 : i32
        %dma_start3A_204 = arith.constant 0 : i32
        %dma_start3A_205 = tpu.memref_slice %arg9[%dma_start3A_203, %dma_start3A_204] : memref<10112x64xbf16, #tpu.memory_space<vmem_shared>> -> memref<10112x64xbf16, #tpu.memory_space<vmem_shared>>
        tpu.enqueue_indirect_dma source(%dma_start3A_199 : memref<128x64xbf16, #tpu.memory_space<vmem>>) target(%dma_start3A_205 : memref<10112x64xbf16, #tpu.memory_space<vmem_shared>>) offsets(%dma_start3A_202 : memref<128xi32, #tpu.memory_space<vmem>>) semaphore(%run_scoped3A_195 : memref<!tpu.dma_semaphore, #tpu.memory_space<semaphore_mem>>) {add = true}
        %dma_wait3A_206 = arith.constant 0 : i32
        %dma_wait3A_207 = arith.constant 0 : i32
        %dma_wait3A_208 = tpu.memref_slice %arg7[%run_scoped3A_193, %dma_wait3A_206, %dma_wait3A_207] : memref<2x128x64xbf16, #tpu.memory_space<vmem>> -> memref<1x128x64xbf16, #tpu.memory_space<vmem>>
        %dma_wait3A_209 = tpu.memref_squeeze %dma_wait3A_208 : memref<1x128x64xbf16, #tpu.memory_space<vmem>> -> memref<128x64xbf16, #tpu.memory_space<vmem>>
        %dma_wait3A_210 = arith.constant 0 : i32
        %dma_wait3A_211 = tpu.memref_slice %arg6[%add3A_164, %run_scoped3A_194, %dma_wait3A_210] : memref<80x2x128xi32, #tpu.memory_space<vmem>> -> memref<1x1x128xi32, #tpu.memory_space<vmem>>
        %dma_wait3A_212 = tpu.memref_squeeze %dma_wait3A_211 : memref<1x1x128xi32, #tpu.memory_space<vmem>> -> memref<128xi32, #tpu.memory_space<vmem>>
        %dma_wait3A_213 = arith.constant 0 : i32
        %dma_wait3A_214 = arith.constant 0 : i32
        %dma_wait3A_215 = tpu.memref_slice %arg9[%dma_wait3A_213, %dma_wait3A_214] : memref<10112x64xbf16, #tpu.memory_space<vmem_shared>> -> memref<10112x64xbf16, #tpu.memory_space<vmem_shared>>
        tpu.wait_indirect_dma semaphore(%run_scoped3A_195 : memref<!tpu.dma_semaphore, #tpu.memory_space<semaphore_mem>>) src(%dma_wait3A_209 : memref<128x64xbf16, #tpu.memory_space<vmem>>) dst(%dma_wait3A_215 : memref<10112x64xbf16, #tpu.memory_space<vmem_shared>>)
        tpu.yield
      }) : () -> ()
    }
    %scan3A_81 = arith.constant 39 : i32
    %dma_wait3A_82 = arith.constant 78 : i32
    %dma_wait3A_83 = arith.constant 0 : i32
    %dma_wait3A_84 = arith.constant 0 : i32
    %dma_wait3A_85 = arith.constant 0 : i32
    %dma_wait3A_86 = arith.constant 0 : i32
    %dma_wait3A_87 = tpu.memref_slice %arg7[%dma_wait3A_84, %dma_wait3A_85, %dma_wait3A_86] : memref<2x128x64xbf16, #tpu.memory_space<vmem>> -> memref<1x128x64xbf16, #tpu.memory_space<vmem>>
    %dma_wait3A_88 = tpu.memref_squeeze %dma_wait3A_87 : memref<1x128x64xbf16, #tpu.memory_space<vmem>> -> memref<128x64xbf16, #tpu.memory_space<vmem>>
    %dma_wait3A_89 = arith.constant 0 : i32
    %dma_wait3A_90 = tpu.memref_slice %arg6[%dma_wait3A_82, %dma_wait3A_83, %dma_wait3A_89] : memref<80x2x128xi32, #tpu.memory_space<vmem>> -> memref<1x1x128xi32, #tpu.memory_space<vmem>>
    %dma_wait3A_91 = tpu.memref_squeeze %dma_wait3A_90 : memref<1x1x128xi32, #tpu.memory_space<vmem>> -> memref<128xi32, #tpu.memory_space<vmem>>
    %dma_wait3A_92 = arith.constant 0 : i32
    %dma_wait3A_93 = arith.constant 0 : i32
    %dma_wait3A_94 = tpu.memref_slice %arg8[%dma_wait3A_92, %dma_wait3A_93] : memref<10000x64xbf16, #tpu.memory_space<vmem_shared>> -> memref<10000x64xbf16, #tpu.memory_space<vmem_shared>>
    tpu.wait_indirect_dma semaphore(%arg10 : memref<!tpu.dma_semaphore, #tpu.memory_space<semaphore_mem>>) src(%dma_wait3A_94 : memref<10000x64xbf16, #tpu.memory_space<vmem_shared>>) dst(%dma_wait3A_88 : memref<128x64xbf16, #tpu.memory_space<vmem>>)
    %dma_start3A_95 = arith.constant 79 : i32
    %dma_start3A_96 = arith.constant 0 : i32
    %dma_start3A_97 = arith.constant 1 : i32
    %dma_start3A_98 = arith.constant 0 : i32
    %dma_start3A_99 = arith.constant 0 : i32
    %dma_start3A_100 = tpu.memref_slice %arg7[%dma_start3A_97, %dma_start3A_98, %dma_start3A_99] : memref<2x128x64xbf16, #tpu.memory_space<vmem>> -> memref<1x128x64xbf16, #tpu.memory_space<vmem>>
    %dma_start3A_101 = tpu.memref_squeeze %dma_start3A_100 : memref<1x128x64xbf16, #tpu.memory_space<vmem>> -> memref<128x64xbf16, #tpu.memory_space<vmem>>
    %dma_start3A_102 = arith.constant 0 : i32
    %dma_start3A_103 = tpu.memref_slice %arg6[%dma_start3A_95, %dma_start3A_96, %dma_start3A_102] : memref<80x2x128xi32, #tpu.memory_space<vmem>> -> memref<1x1x128xi32, #tpu.memory_space<vmem>>
    %dma_start3A_104 = tpu.memref_squeeze %dma_start3A_103 : memref<1x1x128xi32, #tpu.memory_space<vmem>> -> memref<128xi32, #tpu.memory_space<vmem>>
    %dma_start3A_105 = arith.constant 0 : i32
    %dma_start3A_106 = arith.constant 0 : i32
    %dma_start3A_107 = tpu.memref_slice %arg8[%dma_start3A_105, %dma_start3A_106] : memref<10000x64xbf16, #tpu.memory_space<vmem_shared>> -> memref<10000x64xbf16, #tpu.memory_space<vmem_shared>>
    tpu.enqueue_indirect_dma source(%dma_start3A_107 : memref<10000x64xbf16, #tpu.memory_space<vmem_shared>>) target(%dma_start3A_101 : memref<128x64xbf16, #tpu.memory_space<vmem>>) offsets(%dma_start3A_104 : memref<128xi32, #tpu.memory_space<vmem>>) semaphore(%arg11 : memref<!tpu.dma_semaphore, #tpu.memory_space<semaphore_mem>>)
    %run_scoped3A_108 = arith.constant 0 : i32
    %run_scoped3A_109 = arith.constant 78 : i32
    %run_scoped3A_110 = arith.constant 1 : i32
    "tpu.region"() ({
      %run_scoped3A_128 = tpu.sem_alloc : memref<!tpu.dma_semaphore, #tpu.memory_space<semaphore_mem>>
      %dma_start3A_129 = arith.constant 0 : i32
      %dma_start3A_130 = arith.constant 0 : i32
      %dma_start3A_131 = tpu.memref_slice %arg7[%run_scoped3A_108, %dma_start3A_129, %dma_start3A_130] : memref<2x128x64xbf16, #tpu.memory_space<vmem>> -> memref<1x128x64xbf16, #tpu.memory_space<vmem>>
      %dma_start3A_132 = tpu.memref_squeeze %dma_start3A_131 : memref<1x128x64xbf16, #tpu.memory_space<vmem>> -> memref<128x64xbf16, #tpu.memory_space<vmem>>
      %dma_start3A_133 = arith.constant 0 : i32
      %dma_start3A_134 = tpu.memref_slice %arg6[%run_scoped3A_109, %run_scoped3A_110, %dma_start3A_133] : memref<80x2x128xi32, #tpu.memory_space<vmem>> -> memref<1x1x128xi32, #tpu.memory_space<vmem>>
      %dma_start3A_135 = tpu.memref_squeeze %dma_start3A_134 : memref<1x1x128xi32, #tpu.memory_space<vmem>> -> memref<128xi32, #tpu.memory_space<vmem>>
      %dma_start3A_136 = arith.constant 0 : i32
      %dma_start3A_137 = arith.constant 0 : i32
      %dma_start3A_138 = tpu.memref_slice %arg9[%dma_start3A_136, %dma_start3A_137] : memref<10112x64xbf16, #tpu.memory_space<vmem_shared>> -> memref<10112x64xbf16, #tpu.memory_space<vmem_shared>>
      tpu.enqueue_indirect_dma source(%dma_start3A_132 : memref<128x64xbf16, #tpu.memory_space<vmem>>) target(%dma_start3A_138 : memref<10112x64xbf16, #tpu.memory_space<vmem_shared>>) offsets(%dma_start3A_135 : memref<128xi32, #tpu.memory_space<vmem>>) semaphore(%run_scoped3A_128 : memref<!tpu.dma_semaphore, #tpu.memory_space<semaphore_mem>>) {add = true}
      %dma_wait3A_139 = arith.constant 0 : i32
      %dma_wait3A_140 = arith.constant 0 : i32
      %dma_wait3A_141 = tpu.memref_slice %arg7[%run_scoped3A_108, %dma_wait3A_139, %dma_wait3A_140] : memref<2x128x64xbf16, #tpu.memory_space<vmem>> -> memref<1x128x64xbf16, #tpu.memory_space<vmem>>
      %dma_wait3A_142 = tpu.memref_squeeze %dma_wait3A_141 : memref<1x128x64xbf16, #tpu.memory_space<vmem>> -> memref<128x64xbf16, #tpu.memory_space<vmem>>
      %dma_wait3A_143 = arith.constant 0 : i32
      %dma_wait3A_144 = tpu.memref_slice %arg6[%run_scoped3A_109, %run_scoped3A_110, %dma_wait3A_143] : memref<80x2x128xi32, #tpu.memory_space<vmem>> -> memref<1x1x128xi32, #tpu.memory_space<vmem>>
      %dma_wait3A_145 = tpu.memref_squeeze %dma_wait3A_144 : memref<1x1x128xi32, #tpu.memory_space<vmem>> -> memref<128xi32, #tpu.memory_space<vmem>>
      %dma_wait3A_146 = arith.constant 0 : i32
      %dma_wait3A_147 = arith.constant 0 : i32
      %dma_wait3A_148 = tpu.memref_slice %arg9[%dma_wait3A_146, %dma_wait3A_147] : memref<10112x64xbf16, #tpu.memory_space<vmem_shared>> -> memref<10112x64xbf16, #tpu.memory_space<vmem_shared>>
      tpu.wait_indirect_dma semaphore(%run_scoped3A_128 : memref<!tpu.dma_semaphore, #tpu.memory_space<semaphore_mem>>) src(%dma_wait3A_142 : memref<128x64xbf16, #tpu.memory_space<vmem>>) dst(%dma_wait3A_148 : memref<10112x64xbf16, #tpu.memory_space<vmem_shared>>)
      tpu.yield
    }) : () -> ()
    %dma_wait3A_111 = arith.constant 79 : i32
    %dma_wait3A_112 = arith.constant 0 : i32
    %dma_wait3A_113 = arith.constant 1 : i32
    %dma_wait3A_114 = arith.constant 0 : i32
    %dma_wait3A_115 = arith.constant 0 : i32
    %dma_wait3A_116 = tpu.memref_slice %arg7[%dma_wait3A_113, %dma_wait3A_114, %dma_wait3A_115] : memref<2x128x64xbf16, #tpu.memory_space<vmem>> -> memref<1x128x64xbf16, #tpu.memory_space<vmem>>
    %dma_wait3A_117 = tpu.memref_squeeze %dma_wait3A_116 : memref<1x128x64xbf16, #tpu.memory_space<vmem>> -> memref<128x64xbf16, #tpu.memory_space<vmem>>
    %dma_wait3A_118 = arith.constant 0 : i32
    %dma_wait3A_119 = tpu.memref_slice %arg6[%dma_wait3A_111, %dma_wait3A_112, %dma_wait3A_118] : memref<80x2x128xi32, #tpu.memory_space<vmem>> -> memref<1x1x128xi32, #tpu.memory_space<vmem>>
    %dma_wait3A_120 = tpu.memref_squeeze %dma_wait3A_119 : memref<1x1x128xi32, #tpu.memory_space<vmem>> -> memref<128xi32, #tpu.memory_space<vmem>>
    %dma_wait3A_121 = arith.constant 0 : i32
    %dma_wait3A_122 = arith.constant 0 : i32
    %dma_wait3A_123 = tpu.memref_slice %arg8[%dma_wait3A_121, %dma_wait3A_122] : memref<10000x64xbf16, #tpu.memory_space<vmem_shared>> -> memref<10000x64xbf16, #tpu.memory_space<vmem_shared>>
    tpu.wait_indirect_dma semaphore(%arg11 : memref<!tpu.dma_semaphore, #tpu.memory_space<semaphore_mem>>) src(%dma_wait3A_123 : memref<10000x64xbf16, #tpu.memory_space<vmem_shared>>) dst(%dma_wait3A_117 : memref<128x64xbf16, #tpu.memory_space<vmem>>)
    %run_scoped3A_124 = arith.constant 1 : i32
    %run_scoped3A_125 = arith.constant 79 : i32
    %run_scoped3A_126 = arith.constant 1 : i32
    "tpu.region"() ({
      %run_scoped3A_128 = tpu.sem_alloc : memref<!tpu.dma_semaphore, #tpu.memory_space<semaphore_mem>>
      %dma_start3A_129 = arith.constant 0 : i32
      %dma_start3A_130 = arith.constant 0 : i32
      %dma_start3A_131 = tpu.memref_slice %arg7[%run_scoped3A_124, %dma_start3A_129, %dma_start3A_130] : memref<2x128x64xbf16, #tpu.memory_space<vmem>> -> memref<1x128x64xbf16, #tpu.memory_space<vmem>>
      %dma_start3A_132 = tpu.memref_squeeze %dma_start3A_131 : memref<1x128x64xbf16, #tpu.memory_space<vmem>> -> memref<128x64xbf16, #tpu.memory_space<vmem>>
      %dma_start3A_133 = arith.constant 0 : i32
      %dma_start3A_134 = tpu.memref_slice %arg6[%run_scoped3A_125, %run_scoped3A_126, %dma_start3A_133] : memref<80x2x128xi32, #tpu.memory_space<vmem>> -> memref<1x1x128xi32, #tpu.memory_space<vmem>>
      %dma_start3A_135 = tpu.memref_squeeze %dma_start3A_134 : memref<1x1x128xi32, #tpu.memory_space<vmem>> -> memref<128xi32, #tpu.memory_space<vmem>>
      %dma_start3A_136 = arith.constant 0 : i32
      %dma_start3A_137 = arith.constant 0 : i32
      %dma_start3A_138 = tpu.memref_slice %arg9[%dma_start3A_136, %dma_start3A_137] : memref<10112x64xbf16, #tpu.memory_space<vmem_shared>> -> memref<10112x64xbf16, #tpu.memory_space<vmem_shared>>
      tpu.enqueue_indirect_dma source(%dma_start3A_132 : memref<128x64xbf16, #tpu.memory_space<vmem>>) target(%dma_start3A_138 : memref<10112x64xbf16, #tpu.memory_space<vmem_shared>>) offsets(%dma_start3A_135 : memref<128xi32, #tpu.memory_space<vmem>>) semaphore(%run_scoped3A_128 : memref<!tpu.dma_semaphore, #tpu.memory_space<semaphore_mem>>) {add = true}
      %dma_wait3A_139 = arith.constant 0 : i32
      %dma_wait3A_140 = arith.constant 0 : i32
      %dma_wait3A_141 = tpu.memref_slice %arg7[%run_scoped3A_124, %dma_wait3A_139, %dma_wait3A_140] : memref<2x128x64xbf16, #tpu.memory_space<vmem>> -> memref<1x128x64xbf16, #tpu.memory_space<vmem>>
      %dma_wait3A_142 = tpu.memref_squeeze %dma_wait3A_141 : memref<1x128x64xbf16, #tpu.memory_space<vmem>> -> memref<128x64xbf16, #tpu.memory_space<vmem>>
      %dma_wait3A_143 = arith.constant 0 : i32
      %dma_wait3A_144 = tpu.memref_slice %arg6[%run_scoped3A_125, %run_scoped3A_126, %dma_wait3A_143] : memref<80x2x128xi32, #tpu.memory_space<vmem>> -> memref<1x1x128xi32, #tpu.memory_space<vmem>>
      %dma_wait3A_145 = tpu.memref_squeeze %dma_wait3A_144 : memref<1x1x128xi32, #tpu.memory_space<vmem>> -> memref<128xi32, #tpu.memory_space<vmem>>
      %dma_wait3A_146 = arith.constant 0 : i32
      %dma_wait3A_147 = arith.constant 0 : i32
      %dma_wait3A_148 = tpu.memref_slice %arg9[%dma_wait3A_146, %dma_wait3A_147] : memref<10112x64xbf16, #tpu.memory_space<vmem_shared>> -> memref<10112x64xbf16, #tpu.memory_space<vmem_shared>>
      tpu.wait_indirect_dma semaphore(%run_scoped3A_128 : memref<!tpu.dma_semaphore, #tpu.memory_space<semaphore_mem>>) src(%dma_wait3A_142 : memref<128x64xbf16, #tpu.memory_space<vmem>>) dst(%dma_wait3A_148 : memref<10112x64xbf16, #tpu.memory_space<vmem_shared>>)
      tpu.yield
    }) : () -> ()
    %barrier3A_127 = arith.constant 0 : index
    tpu.barrier barrier_id(%barrier3A_127)
    "tpu.region"() ({
      %run_scoped3A_128 = tpu.sem_alloc : memref<!tpu.dma_semaphore, #tpu.memory_space<semaphore_mem>>
      %dma_start3A_129 = arith.constant 0 : i32
      %dma_start3A_130 = tpu.memref_slice %arg5[%arg0, %mul3A_0, %dma_start3A_129] : memref<2x10112x64xbf16, #tpu.memory_space<hbm>> -> memref<1x632x64xbf16, #tpu.memory_space<hbm>>
      %dma_start3A_131 = tpu.memref_squeeze %dma_start3A_130 : memref<1x632x64xbf16, #tpu.memory_space<hbm>> -> memref<632x64xbf16, #tpu.memory_space<hbm>>
      %dma_start3A_132 = arith.constant 0 : i32
      %dma_start3A_133 = tpu.memref_slice %arg9[%mul3A_0, %dma_start3A_132] : memref<10112x64xbf16, #tpu.memory_space<vmem_shared>> -> memref<632x64xbf16, #tpu.memory_space<vmem_shared>>
      tpu.enqueue_dma source(%dma_start3A_133 : memref<632x64xbf16, #tpu.memory_space<vmem_shared>>) target(%dma_start3A_131 : memref<632x64xbf16, #tpu.memory_space<hbm>>) target_semaphore(%run_scoped3A_128 : memref<!tpu.dma_semaphore, #tpu.memory_space<semaphore_mem>>)
      %dma_wait3A_134 = arith.constant 0 : i32
      %dma_wait3A_135 = tpu.memref_slice %arg5[%arg0, %mul3A_0, %dma_wait3A_134] : memref<2x10112x64xbf16, #tpu.memory_space<hbm>> -> memref<1x632x64xbf16, #tpu.memory_space<hbm>>
      %dma_wait3A_136 = tpu.memref_squeeze %dma_wait3A_135 : memref<1x632x64xbf16, #tpu.memory_space<hbm>> -> memref<632x64xbf16, #tpu.memory_space<hbm>>
      %dma_wait3A_137 = arith.constant 0 : i32
      %dma_wait3A_138 = tpu.memref_slice %arg9[%mul3A_0, %dma_wait3A_137] : memref<10112x64xbf16, #tpu.memory_space<vmem_shared>> -> memref<632x64xbf16, #tpu.memory_space<vmem_shared>>
      tpu.wait_dma2 semaphore(%run_scoped3A_128 : memref<!tpu.dma_semaphore, #tpu.memory_space<semaphore_mem>>) src(%dma_wait3A_138 : memref<632x64xbf16, #tpu.memory_space<vmem_shared>>) dst(%dma_wait3A_136 : memref<632x64xbf16, #tpu.memory_space<hbm>>)
      tpu.yield
    }) : () -> ()
    return
  }
}

#map = affine_map<(d0, d1) -> (0, 0, 0)>
#map1 = affine_map<(d0, d1) -> (0, 0, 0, 0)>
#map2 = affine_map<(d0, d1) -> (0, 0)>
module attributes {stable_mosaic.version = 14 : i64} {
  func.func @body(%arg0: i32, %arg1: i32, %arg2: memref<2x10000x64xbf16, #tpu.memory_space<hbm>>, %arg3: memref<16x160x2x128xi32, #tpu.memory_space<hbm>>, %arg4: memref<632x64xbf16, #tpu.memory_space<hbm>>, %arg5: memref<2x10112x64xbf16, #tpu.memory_space<hbm>>, %arg6: memref<80x2x128xi32, #tpu.memory_space<vmem>>, %arg7: memref<2x128x64xbf16, #tpu.memory_space<vmem>>, %arg8: memref<10000x64xbf16, #tpu.memory_space<vmem_shared>>, %arg9: memref<10112x64xbf16, #tpu.memory_space<vmem_shared>>, %arg10: memref<!tpu.dma_semaphore, #tpu.memory_space<semaphore_mem>>, %arg11: memref<!tpu.dma_semaphore, #tpu.memory_space<semaphore_mem>>) attributes {dimension_semantics = [#tpu.dimension_semantics<core_parallel>, #tpu.dimension_semantics<subcore_parallel>], iteration_bounds = array<i64: 2, 16>, scalar_prefetch = 0 : i64, scratch_operands = 6 : i64, tpu.core_type = #tpu.core_type<sc_vector_subcore>, window_params = [{transform_indices = #map}, {transform_indices = #map1}, {transform_indices = #map2}, {transform_indices = #map}]} {
    %mul3A = arith.constant 632 : i32
    %mul3A_0 = arith.muli %arg1, %mul3A : i32
    "tpu.region"() ({
      %run_scoped3A_128 = tpu.sem_alloc : memref<!tpu.dma_semaphore, #tpu.memory_space<semaphore_mem>>
      %dma_start3A_129 = arith.constant 0 : i32
      %dma_start3A_130 = tpu.memref_slice %arg9[%mul3A_0, %dma_start3A_129] : memref<10112x64xbf16, #tpu.memory_space<vmem_shared>> -> memref<632x64xbf16, #tpu.memory_space<vmem_shared>>
      tpu.enqueue_dma source(%arg4 : memref<632x64xbf16, #tpu.memory_space<hbm>>) target(%dma_start3A_130 : memref<632x64xbf16, #tpu.memory_space<vmem_shared>>) target_semaphore(%run_scoped3A_128 : memref<!tpu.dma_semaphore, #tpu.memory_space<semaphore_mem>>)
      %dma_wait3A_131 = arith.constant 0 : i32
      %dma_wait3A_132 = tpu.memref_slice %arg9[%mul3A_0, %dma_wait3A_131] : memref<10112x64xbf16, #tpu.memory_space<vmem_shared>> -> memref<632x64xbf16, #tpu.memory_space<vmem_shared>>
      tpu.wait_dma2 semaphore(%run_scoped3A_128 : memref<!tpu.dma_semaphore, #tpu.memory_space<semaphore_mem>>) src(%arg4 : memref<632x64xbf16, #tpu.memory_space<hbm>>) dst(%dma_wait3A_132 : memref<632x64xbf16, #tpu.memory_space<vmem_shared>>)
      tpu.yield
    }) : () -> ()
    %eq3A = arith.constant 0 : i32
    %eq3A_1 = arith.cmpi eq, %arg1, %eq3A : i32
    %convert_element_type3A = arith.extui %eq3A_1 : i1 to i32
    %cond3A = arith.constant 0 : i32
    %cond3A_2 = arith.cmpi ne, %convert_element_type3A, %cond3A : i32
    scf.if %cond3A_2 {
      "tpu.region"() ({
        %run_scoped3A_128 = tpu.sem_alloc : memref<!tpu.dma_semaphore, #tpu.memory_space<semaphore_mem>>
        %dma_start3A_129 = arith.constant 0 : i32
        %dma_start3A_130 = arith.constant 0 : i32
        %dma_start3A_131 = tpu.memref_slice %arg2[%arg0, %dma_start3A_129, %dma_start3A_130] : memref<2x10000x64xbf16, #tpu.memory_space<hbm>> -> memref<1x10000x64xbf16, #tpu.memory_space<hbm>>
        %dma_start3A_132 = tpu.memref_squeeze %dma_start3A_131 : memref<1x10000x64xbf16, #tpu.memory_space<hbm>> -> memref<10000x64xbf16, #tpu.memory_space<hbm>>
        tpu.enqueue_dma source(%dma_start3A_132 : memref<10000x64xbf16, #tpu.memory_space<hbm>>) target(%arg8 : memref<10000x64xbf16, #tpu.memory_space<vmem_shared>>) target_semaphore(%run_scoped3A_128 : memref<!tpu.dma_semaphore, #tpu.memory_space<semaphore_mem>>)
        %dma_wait3A_133 = arith.constant 0 : i32
        %dma_wait3A_134 = arith.constant 0 : i32
        %dma_wait3A_135 = tpu.memref_slice %arg2[%arg0, %dma_wait3A_133, %dma_wait3A_134] : memref<2x10000x64xbf16, #tpu.memory_space<hbm>> -> memref<1x10000x64xbf16, #tpu.memory_space<hbm>>
        %dma_wait3A_136 = tpu.memref_squeeze %dma_wait3A_135 : memref<1x10000x64xbf16, #tpu.memory_space<hbm>> -> memref<10000x64xbf16, #tpu.memory_space<hbm>>
        tpu.wait_dma2 semaphore(%run_scoped3A_128 : memref<!tpu.dma_semaphore, #tpu.memory_space<semaphore_mem>>) src(%dma_wait3A_136 : memref<10000x64xbf16, #tpu.memory_space<hbm>>) dst(%arg8 : memref<10000x64xbf16, #tpu.memory_space<vmem_shared>>)
        tpu.yield
      }) : () -> ()
    } else {
    }
    %barrier3A = arith.constant 0 : index
    tpu.barrier barrier_id(%barrier3A)
    "tpu.region"() ({
      %run_scoped3A_128 = tpu.sem_alloc : memref<!tpu.dma_semaphore, #tpu.memory_space<semaphore_mem>>
      %dma_start3A_129 = arith.constant 0 : i32
      %dma_start3A_130 = arith.constant 0 : i32
      %dma_start3A_131 = arith.constant 0 : i32
      %dma_start3A_132 = tpu.memref_slice %arg3[%arg1, %dma_start3A_129, %dma_start3A_130, %dma_start3A_131] : memref<16x160x2x128xi32, #tpu.memory_space<hbm>> -> memref<1x80x2x128xi32, #tpu.memory_space<hbm>>
      %dma_start3A_133 = tpu.memref_squeeze %dma_start3A_132 : memref<1x80x2x128xi32, #tpu.memory_space<hbm>> -> memref<80x2x128xi32, #tpu.memory_space<hbm>>
      %dma_start3A_134 = arith.constant 0 : i32
      %dma_start3A_135 = arith.constant 0 : i32
      %dma_start3A_136 = arith.constant 0 : i32
      %dma_start3A_137 = tpu.memref_slice %arg3[%arg1, %dma_start3A_134, %dma_start3A_135, %dma_start3A_136] : memref<16x160x2x128xi32, #tpu.memory_space<hbm>> -> memref<1x80x2x128xi32, #tpu.memory_space<hbm>>
      %dma_start3A_138 = tpu.memref_squeeze %dma_start3A_137 : memref<1x80x2x128xi32, #tpu.memory_space<hbm>> -> memref<80x2x128xi32, #tpu.memory_space<hbm>>
      tpu.enqueue_dma source(%dma_start3A_138 : memref<80x2x128xi32, #tpu.memory_space<hbm>>) target(%arg6 : memref<80x2x128xi32, #tpu.memory_space<vmem>>) target_semaphore(%run_scoped3A_128 : memref<!tpu.dma_semaphore, #tpu.memory_space<semaphore_mem>>)
      %dma_wait3A_139 = arith.constant 0 : i32
      %dma_wait3A_140 = arith.constant 0 : i32
      %dma_wait3A_141 = arith.constant 0 : i32
      %dma_wait3A_142 = tpu.memref_slice %arg3[%arg1, %dma_wait3A_139, %dma_wait3A_140, %dma_wait3A_141] : memref<16x160x2x128xi32, #tpu.memory_space<hbm>> -> memref<1x80x2x128xi32, #tpu.memory_space<hbm>>
      %dma_wait3A_143 = tpu.memref_squeeze %dma_wait3A_142 : memref<1x80x2x128xi32, #tpu.memory_space<hbm>> -> memref<80x2x128xi32, #tpu.memory_space<hbm>>
      %dma_wait3A_144 = arith.constant 0 : i32
      %dma_wait3A_145 = arith.constant 0 : i32
      %dma_wait3A_146 = arith.constant 0 : i32
      %dma_wait3A_147 = tpu.memref_slice %arg3[%arg1, %dma_wait3A_144, %dma_wait3A_145, %dma_wait3A_146] : memref<16x160x2x128xi32, #tpu.memory_space<hbm>> -> memref<1x80x2x128xi32, #tpu.memory_space<hbm>>
      %dma_wait3A_148 = tpu.memref_squeeze %dma_wait3A_147 : memref<1x80x2x128xi32, #tpu.memory_space<hbm>> -> memref<80x2x128xi32, #tpu.memory_space<hbm>>
      tpu.wait_dma2 semaphore(%run_scoped3A_128 : memref<!tpu.dma_semaphore, #tpu.memory_space<semaphore_mem>>) src(%dma_wait3A_148 : memref<80x2x128xi32, #tpu.memory_space<hbm>>) dst(%arg6 : memref<80x2x128xi32, #tpu.memory_space<vmem>>)
      tpu.yield
    }) : () -> ()
    %dma_start3A = arith.constant 0 : i32
    %dma_start3A_3 = arith.constant 0 : i32
    %dma_start3A_4 = arith.constant 0 : i32
    %dma_start3A_5 = arith.constant 0 : i32
    %dma_start3A_6 = arith.constant 0 : i32
    %dma_start3A_7 = tpu.memref_slice %arg7[%dma_start3A_4, %dma_start3A_5, %dma_start3A_6] : memref<2x128x64xbf16, #tpu.memory_space<vmem>> -> memref<1x128x64xbf16, #tpu.memory_space<vmem>>
    %dma_start3A_8 = tpu.memref_squeeze %dma_start3A_7 : memref<1x128x64xbf16, #tpu.memory_space<vmem>> -> memref<128x64xbf16, #tpu.memory_space<vmem>>
    %dma_start3A_9 = arith.constant 0 : i32
    %dma_start3A_10 = tpu.memref_slice %arg6[%dma_start3A, %dma_start3A_3, %dma_start3A_9] : memref<80x2x128xi32, #tpu.memory_space<vmem>> -> memref<1x1x128xi32, #tpu.memory_space<vmem>>
    %dma_start3A_11 = tpu.memref_squeeze %dma_start3A_10 : memref<1x1x128xi32, #tpu.memory_space<vmem>> -> memref<128xi32, #tpu.memory_space<vmem>>
    %dma_start3A_12 = arith.constant 0 : i32
    %dma_start3A_13 = arith.constant 0 : i32
    %dma_start3A_14 = tpu.memref_slice %arg8[%dma_start3A_12, %dma_start3A_13] : memref<10000x64xbf16, #tpu.memory_space<vmem_shared>> -> memref<10000x64xbf16, #tpu.memory_space<vmem_shared>>
    tpu.enqueue_indirect_dma source(%dma_start3A_14 : memref<10000x64xbf16, #tpu.memory_space<vmem_shared>>) target(%dma_start3A_8 : memref<128x64xbf16, #tpu.memory_space<vmem>>) offsets(%dma_start3A_11 : memref<128xi32, #tpu.memory_space<vmem>>) semaphore(%arg10 : memref<!tpu.dma_semaphore, #tpu.memory_space<semaphore_mem>>)
    %scan3A = arith.constant 0 : i32
    %scan3A_15 = arith.constant 0 : i32
    %scan3A_16 = arith.constant 39 : i32
    %scan3A_17 = arith.addi %scan3A_15, %scan3A_16 : i32
    %scan3A_18 = arith.constant 1 : i32
    scf.for %scan3A_128 = %scan3A_15 to %scan3A_17 step %scan3A_18  : i32 {
      %mul3A_129 = arith.constant 2 : i32
      %mul3A_130 = arith.muli %scan3A_128, %mul3A_129 : i32
      %add3A = arith.constant 0 : i32
      %add3A_131 = arith.addi %mul3A_130, %add3A : i32
      %dma_wait3A_132 = arith.constant 0 : i32
      %dma_wait3A_133 = arith.constant 0 : i32
      %dma_wait3A_134 = arith.constant 0 : i32
      %dma_wait3A_135 = arith.constant 0 : i32
      %dma_wait3A_136 = tpu.memref_slice %arg7[%dma_wait3A_133, %dma_wait3A_134, %dma_wait3A_135] : memref<2x128x64xbf16, #tpu.memory_space<vmem>> -> memref<1x128x64xbf16, #tpu.memory_space<vmem>>
      %dma_wait3A_137 = tpu.memref_squeeze %dma_wait3A_136 : memref<1x128x64xbf16, #tpu.memory_space<vmem>> -> memref<128x64xbf16, #tpu.memory_space<vmem>>
      %dma_wait3A_138 = arith.constant 0 : i32
      %dma_wait3A_139 = tpu.memref_slice %arg6[%add3A_131, %dma_wait3A_132, %dma_wait3A_138] : memref<80x2x128xi32, #tpu.memory_space<vmem>> -> memref<1x1x128xi32, #tpu.memory_space<vmem>>
      %dma_wait3A_140 = tpu.memref_squeeze %dma_wait3A_139 : memref<1x1x128xi32, #tpu.memory_space<vmem>> -> memref<128xi32, #tpu.memory_space<vmem>>
      %dma_wait3A_141 = arith.constant 0 : i32
      %dma_wait3A_142 = arith.constant 0 : i32
      %dma_wait3A_143 = tpu.memref_slice %arg8[%dma_wait3A_141, %dma_wait3A_142] : memref<10000x64xbf16, #tpu.memory_space<vmem_shared>> -> memref<10000x64xbf16, #tpu.memory_space<vmem_shared>>
      tpu.wait_indirect_dma semaphore(%arg10 : memref<!tpu.dma_semaphore, #tpu.memory_space<semaphore_mem>>) src(%dma_wait3A_143 : memref<10000x64xbf16, #tpu.memory_space<vmem_shared>>) dst(%dma_wait3A_137 : memref<128x64xbf16, #tpu.memory_space<vmem>>)
      %add3A_144 = arith.constant 2 : i32
      %add3A_145 = arith.addi %add3A_131, %add3A_144 : i32
      %sub3A = arith.constant 1 : i32
      %sub3A_146 = arith.subi %add3A_145, %sub3A : i32
      %dma_start3A_147 = arith.constant 0 : i32
      %dma_start3A_148 = arith.constant 1 : i32
      %dma_start3A_149 = arith.constant 0 : i32
      %dma_start3A_150 = arith.constant 0 : i32
      %dma_start3A_151 = tpu.memref_slice %arg7[%dma_start3A_148, %dma_start3A_149, %dma_start3A_150] : memref<2x128x64xbf16, #tpu.memory_space<vmem>> -> memref<1x128x64xbf16, #tpu.memory_space<vmem>>
      %dma_start3A_152 = tpu.memref_squeeze %dma_start3A_151 : memref<1x128x64xbf16, #tpu.memory_space<vmem>> -> memref<128x64xbf16, #tpu.memory_space<vmem>>
      %dma_start3A_153 = arith.constant 0 : i32
      %dma_start3A_154 = tpu.memref_slice %arg6[%sub3A_146, %dma_start3A_147, %dma_start3A_153] : memref<80x2x128xi32, #tpu.memory_space<vmem>> -> memref<1x1x128xi32, #tpu.memory_space<vmem>>
      %dma_start3A_155 = tpu.memref_squeeze %dma_start3A_154 : memref<1x1x128xi32, #tpu.memory_space<vmem>> -> memref<128xi32, #tpu.memory_space<vmem>>
      %dma_start3A_156 = arith.constant 0 : i32
      %dma_start3A_157 = arith.constant 0 : i32
      %dma_start3A_158 = tpu.memref_slice %arg8[%dma_start3A_156, %dma_start3A_157] : memref<10000x64xbf16, #tpu.memory_space<vmem_shared>> -> memref<10000x64xbf16, #tpu.memory_space<vmem_shared>>
      tpu.enqueue_indirect_dma source(%dma_start3A_158 : memref<10000x64xbf16, #tpu.memory_space<vmem_shared>>) target(%dma_start3A_152 : memref<128x64xbf16, #tpu.memory_space<vmem>>) offsets(%dma_start3A_155 : memref<128xi32, #tpu.memory_space<vmem>>) semaphore(%arg11 : memref<!tpu.dma_semaphore, #tpu.memory_space<semaphore_mem>>)
      %run_scoped3A_159 = arith.constant 0 : i32
      %run_scoped3A_160 = arith.constant 1 : i32
      "tpu.region"() ({
        %run_scoped3A_195 = tpu.sem_alloc : memref<!tpu.dma_semaphore, #tpu.memory_space<semaphore_mem>>
        %dma_start3A_196 = arith.constant 0 : i32
        %dma_start3A_197 = arith.constant 0 : i32
        %dma_start3A_198 = tpu.memref_slice %arg7[%run_scoped3A_159, %dma_start3A_196, %dma_start3A_197] : memref<2x128x64xbf16, #tpu.memory_space<vmem>> -> memref<1x128x64xbf16, #tpu.memory_space<vmem>>
        %dma_start3A_199 = tpu.memref_squeeze %dma_start3A_198 : memref<1x128x64xbf16, #tpu.memory_space<vmem>> -> memref<128x64xbf16, #tpu.memory_space<vmem>>
        %dma_start3A_200 = arith.constant 0 : i32
        %dma_start3A_201 = tpu.memref_slice %arg6[%add3A_131, %run_scoped3A_160, %dma_start3A_200] : memref<80x2x128xi32, #tpu.memory_space<vmem>> -> memref<1x1x128xi32, #tpu.memory_space<vmem>>
        %dma_start3A_202 = tpu.memref_squeeze %dma_start3A_201 : memref<1x1x128xi32, #tpu.memory_space<vmem>> -> memref<128xi32, #tpu.memory_space<vmem>>
        %dma_start3A_203 = arith.constant 0 : i32
        %dma_start3A_204 = arith.constant 0 : i32
        %dma_start3A_205 = tpu.memref_slice %arg9[%dma_start3A_203, %dma_start3A_204] : memref<10112x64xbf16, #tpu.memory_space<vmem_shared>> -> memref<10112x64xbf16, #tpu.memory_space<vmem_shared>>
        tpu.enqueue_indirect_dma source(%dma_start3A_199 : memref<128x64xbf16, #tpu.memory_space<vmem>>) target(%dma_start3A_205 : memref<10112x64xbf16, #tpu.memory_space<vmem_shared>>) offsets(%dma_start3A_202 : memref<128xi32, #tpu.memory_space<vmem>>) semaphore(%run_scoped3A_195 : memref<!tpu.dma_semaphore, #tpu.memory_space<semaphore_mem>>) {add = true}
        %dma_wait3A_206 = arith.constant 0 : i32
        %dma_wait3A_207 = arith.constant 0 : i32
        %dma_wait3A_208 = tpu.memref_slice %arg7[%run_scoped3A_159, %dma_wait3A_206, %dma_wait3A_207] : memref<2x128x64xbf16, #tpu.memory_space<vmem>> -> memref<1x128x64xbf16, #tpu.memory_space<vmem>>
        %dma_wait3A_209 = tpu.memref_squeeze %dma_wait3A_208 : memref<1x128x64xbf16, #tpu.memory_space<vmem>> -> memref<128x64xbf16, #tpu.memory_space<vmem>>
        %dma_wait3A_210 = arith.constant 0 : i32
        %dma_wait3A_211 = tpu.memref_slice %arg6[%add3A_131, %run_scoped3A_160, %dma_wait3A_210] : memref<80x2x128xi32, #tpu.memory_space<vmem>> -> memref<1x1x128xi32, #tpu.memory_space<vmem>>
        %dma_wait3A_212 = tpu.memref_squeeze %dma_wait3A_211 : memref<1x1x128xi32, #tpu.memory_space<vmem>> -> memref<128xi32, #tpu.memory_space<vmem>>
        %dma_wait3A_213 = arith.constant 0 : i32
        %dma_wait3A_214 = arith.constant 0 : i32
        %dma_wait3A_215 = tpu.memref_slice %arg9[%dma_wait3A_213, %dma_wait3A_214] : memref<10112x64xbf16, #tpu.memory_space<vmem_shared>> -> memref<10112x64xbf16, #tpu.memory_space<vmem_shared>>
        tpu.wait_indirect_dma semaphore(%run_scoped3A_195 : memref<!tpu.dma_semaphore, #tpu.memory_space<semaphore_mem>>) src(%dma_wait3A_209 : memref<128x64xbf16, #tpu.memory_space<vmem>>) dst(%dma_wait3A_215 : memref<10112x64xbf16, #tpu.memory_space<vmem_shared>>)
        tpu.yield
      }) : () -> ()
      %mul3A_161 = arith.constant 2 : i32
      %mul3A_162 = arith.muli %scan3A_128, %mul3A_161 : i32
      %add3A_163 = arith.constant 1 : i32
      %add3A_164 = arith.addi %mul3A_162, %add3A_163 : i32
      %dma_wait3A_165 = arith.constant 0 : i32
      %dma_wait3A_166 = arith.constant 1 : i32
      %dma_wait3A_167 = arith.constant 0 : i32
      %dma_wait3A_168 = arith.constant 0 : i32
      %dma_wait3A_169 = tpu.memref_slice %arg7[%dma_wait3A_166, %dma_wait3A_167, %dma_wait3A_168] : memref<2x128x64xbf16, #tpu.memory_space<vmem>> -> memref<1x128x64xbf16, #tpu.memory_space<vmem>>
      %dma_wait3A_170 = tpu.memref_squeeze %dma_wait3A_169 : memref<1x128x64xbf16, #tpu.memory_space<vmem>> -> memref<128x64xbf16, #tpu.memory_space<vmem>>
      %dma_wait3A_171 = arith.constant 0 : i32
      %dma_wait3A_172 = tpu.memref_slice %arg6[%add3A_164, %dma_wait3A_165, %dma_wait3A_171] : memref<80x2x128xi32, #tpu.memory_space<vmem>> -> memref<1x1x128xi32, #tpu.memory_space<vmem>>
      %dma_wait3A_173 = tpu.memref_squeeze %dma_wait3A_172 : memref<1x1x128xi32, #tpu.memory_space<vmem>> -> memref<128xi32, #tpu.memory_space<vmem>>
      %dma_wait3A_174 = arith.constant 0 : i32
      %dma_wait3A_175 = arith.constant 0 : i32
      %dma_wait3A_176 = tpu.memref_slice %arg8[%dma_wait3A_174, %dma_wait3A_175] : memref<10000x64xbf16, #tpu.memory_space<vmem_shared>> -> memref<10000x64xbf16, #tpu.memory_space<vmem_shared>>
      tpu.wait_indirect_dma semaphore(%arg11 : memref<!tpu.dma_semaphore, #tpu.memory_space<semaphore_mem>>) src(%dma_wait3A_176 : memref<10000x64xbf16, #tpu.memory_space<vmem_shared>>) dst(%dma_wait3A_170 : memref<128x64xbf16, #tpu.memory_space<vmem>>)
      %add3A_177 = arith.constant 2 : i32
      %add3A_178 = arith.addi %add3A_164, %add3A_177 : i32
      %sub3A_179 = arith.constant 1 : i32
      %sub3A_180 = arith.subi %add3A_178, %sub3A_179 : i32
      %dma_start3A_181 = arith.constant 0 : i32
      %dma_start3A_182 = arith.constant 0 : i32
      %dma_start3A_183 = arith.constant 0 : i32
      %dma_start3A_184 = arith.constant 0 : i32
      %dma_start3A_185 = tpu.memref_slice %arg7[%dma_start3A_182, %dma_start3A_183, %dma_start3A_184] : memref<2x128x64xbf16, #tpu.memory_space<vmem>> -> memref<1x128x64xbf16, #tpu.memory_space<vmem>>
      %dma_start3A_186 = tpu.memref_squeeze %dma_start3A_185 : memref<1x128x64xbf16, #tpu.memory_space<vmem>> -> memref<128x64xbf16, #tpu.memory_space<vmem>>
      %dma_start3A_187 = arith.constant 0 : i32
      %dma_start3A_188 = tpu.memref_slice %arg6[%sub3A_180, %dma_start3A_181, %dma_start3A_187] : memref<80x2x128xi32, #tpu.memory_space<vmem>> -> memref<1x1x128xi32, #tpu.memory_space<vmem>>
      %dma_start3A_189 = tpu.memref_squeeze %dma_start3A_188 : memref<1x1x128xi32, #tpu.memory_space<vmem>> -> memref<128xi32, #tpu.memory_space<vmem>>
      %dma_start3A_190 = arith.constant 0 : i32
      %dma_start3A_191 = arith.constant 0 : i32
      %dma_start3A_192 = tpu.memref_slice %arg8[%dma_start3A_190, %dma_start3A_191] : memref<10000x64xbf16, #tpu.memory_space<vmem_shared>> -> memref<10000x64xbf16, #tpu.memory_space<vmem_shared>>
      tpu.enqueue_indirect_dma source(%dma_start3A_192 : memref<10000x64xbf16, #tpu.memory_space<vmem_shared>>) target(%dma_start3A_186 : memref<128x64xbf16, #tpu.memory_space<vmem>>) offsets(%dma_start3A_189 : memref<128xi32, #tpu.memory_space<vmem>>) semaphore(%arg10 : memref<!tpu.dma_semaphore, #tpu.memory_space<semaphore_mem>>)
      %run_scoped3A_193 = arith.constant 1 : i32
      %run_scoped3A_194 = arith.constant 1 : i32
      "tpu.region"() ({
        %run_scoped3A_195 = tpu.sem_alloc : memref<!tpu.dma_semaphore, #tpu.memory_space<semaphore_mem>>
        %dma_start3A_196 = arith.constant 0 : i32
        %dma_start3A_197 = arith.constant 0 : i32
        %dma_start3A_198 = tpu.memref_slice %arg7[%run_scoped3A_193, %dma_start3A_196, %dma_start3A_197] : memref<2x128x64xbf16, #tpu.memory_space<vmem>> -> memref<1x128x64xbf16, #tpu.memory_space<vmem>>
        %dma_start3A_199 = tpu.memref_squeeze %dma_start3A_198 : memref<1x128x64xbf16, #tpu.memory_space<vmem>> -> memref<128x64xbf16, #tpu.memory_space<vmem>>
        %dma_start3A_200 = arith.constant 0 : i32
        %dma_start3A_201 = tpu.memref_slice %arg6[%add3A_164, %run_scoped3A_194, %dma_start3A_200] : memref<80x2x128xi32, #tpu.memory_space<vmem>> -> memref<1x1x128xi32, #tpu.memory_space<vmem>>
        %dma_start3A_202 = tpu.memref_squeeze %dma_start3A_201 : memref<1x1x128xi32, #tpu.memory_space<vmem>> -> memref<128xi32, #tpu.memory_space<vmem>>
        %dma_start3A_203 = arith.constant 0 : i32
        %dma_start3A_204 = arith.constant 0 : i32
        %dma_start3A_205 = tpu.memref_slice %arg9[%dma_start3A_203, %dma_start3A_204] : memref<10112x64xbf16, #tpu.memory_space<vmem_shared>> -> memref<10112x64xbf16, #tpu.memory_space<vmem_shared>>
        tpu.enqueue_indirect_dma source(%dma_start3A_199 : memref<128x64xbf16, #tpu.memory_space<vmem>>) target(%dma_start3A_205 : memref<10112x64xbf16, #tpu.memory_space<vmem_shared>>) offsets(%dma_start3A_202 : memref<128xi32, #tpu.memory_space<vmem>>) semaphore(%run_scoped3A_195 : memref<!tpu.dma_semaphore, #tpu.memory_space<semaphore_mem>>) {add = true}
        %dma_wait3A_206 = arith.constant 0 : i32
        %dma_wait3A_207 = arith.constant 0 : i32
        %dma_wait3A_208 = tpu.memref_slice %arg7[%run_scoped3A_193, %dma_wait3A_206, %dma_wait3A_207] : memref<2x128x64xbf16, #tpu.memory_space<vmem>> -> memref<1x128x64xbf16, #tpu.memory_space<vmem>>
        %dma_wait3A_209 = tpu.memref_squeeze %dma_wait3A_208 : memref<1x128x64xbf16, #tpu.memory_space<vmem>> -> memref<128x64xbf16, #tpu.memory_space<vmem>>
        %dma_wait3A_210 = arith.constant 0 : i32
        %dma_wait3A_211 = tpu.memref_slice %arg6[%add3A_164, %run_scoped3A_194, %dma_wait3A_210] : memref<80x2x128xi32, #tpu.memory_space<vmem>> -> memref<1x1x128xi32, #tpu.memory_space<vmem>>
        %dma_wait3A_212 = tpu.memref_squeeze %dma_wait3A_211 : memref<1x1x128xi32, #tpu.memory_space<vmem>> -> memref<128xi32, #tpu.memory_space<vmem>>
        %dma_wait3A_213 = arith.constant 0 : i32
        %dma_wait3A_214 = arith.constant 0 : i32
        %dma_wait3A_215 = tpu.memref_slice %arg9[%dma_wait3A_213, %dma_wait3A_214] : memref<10112x64xbf16, #tpu.memory_space<vmem_shared>> -> memref<10112x64xbf16, #tpu.memory_space<vmem_shared>>
        tpu.wait_indirect_dma semaphore(%run_scoped3A_195 : memref<!tpu.dma_semaphore, #tpu.memory_space<semaphore_mem>>) src(%dma_wait3A_209 : memref<128x64xbf16, #tpu.memory_space<vmem>>) dst(%dma_wait3A_215 : memref<10112x64xbf16, #tpu.memory_space<vmem_shared>>)
        tpu.yield
      }) : () -> ()
    }
    %scan3A_19 = arith.constant 39 : i32
    %dma_wait3A = arith.constant 78 : i32
    %dma_wait3A_20 = arith.constant 0 : i32
    %dma_wait3A_21 = arith.constant 0 : i32
    %dma_wait3A_22 = arith.constant 0 : i32
    %dma_wait3A_23 = arith.constant 0 : i32
    %dma_wait3A_24 = tpu.memref_slice %arg7[%dma_wait3A_21, %dma_wait3A_22, %dma_wait3A_23] : memref<2x128x64xbf16, #tpu.memory_space<vmem>> -> memref<1x128x64xbf16, #tpu.memory_space<vmem>>
    %dma_wait3A_25 = tpu.memref_squeeze %dma_wait3A_24 : memref<1x128x64xbf16, #tpu.memory_space<vmem>> -> memref<128x64xbf16, #tpu.memory_space<vmem>>
    %dma_wait3A_26 = arith.constant 0 : i32
    %dma_wait3A_27 = tpu.memref_slice %arg6[%dma_wait3A, %dma_wait3A_20, %dma_wait3A_26] : memref<80x2x128xi32, #tpu.memory_space<vmem>> -> memref<1x1x128xi32, #tpu.memory_space<vmem>>
    %dma_wait3A_28 = tpu.memref_squeeze %dma_wait3A_27 : memref<1x1x128xi32, #tpu.memory_space<vmem>> -> memref<128xi32, #tpu.memory_space<vmem>>
    %dma_wait3A_29 = arith.constant 0 : i32
    %dma_wait3A_30 = arith.constant 0 : i32
    %dma_wait3A_31 = tpu.memref_slice %arg8[%dma_wait3A_29, %dma_wait3A_30] : memref<10000x64xbf16, #tpu.memory_space<vmem_shared>> -> memref<10000x64xbf16, #tpu.memory_space<vmem_shared>>
    tpu.wait_indirect_dma semaphore(%arg10 : memref<!tpu.dma_semaphore, #tpu.memory_space<semaphore_mem>>) src(%dma_wait3A_31 : memref<10000x64xbf16, #tpu.memory_space<vmem_shared>>) dst(%dma_wait3A_25 : memref<128x64xbf16, #tpu.memory_space<vmem>>)
    %dma_start3A_32 = arith.constant 79 : i32
    %dma_start3A_33 = arith.constant 0 : i32
    %dma_start3A_34 = arith.constant 1 : i32
    %dma_start3A_35 = arith.constant 0 : i32
    %dma_start3A_36 = arith.constant 0 : i32
    %dma_start3A_37 = tpu.memref_slice %arg7[%dma_start3A_34, %dma_start3A_35, %dma_start3A_36] : memref<2x128x64xbf16, #tpu.memory_space<vmem>> -> memref<1x128x64xbf16, #tpu.memory_space<vmem>>
    %dma_start3A_38 = tpu.memref_squeeze %dma_start3A_37 : memref<1x128x64xbf16, #tpu.memory_space<vmem>> -> memref<128x64xbf16, #tpu.memory_space<vmem>>
    %dma_start3A_39 = arith.constant 0 : i32
    %dma_start3A_40 = tpu.memref_slice %arg6[%dma_start3A_32, %dma_start3A_33, %dma_start3A_39] : memref<80x2x128xi32, #tpu.memory_space<vmem>> -> memref<1x1x128xi32, #tpu.memory_space<vmem>>
    %dma_start3A_41 = tpu.memref_squeeze %dma_start3A_40 : memref<1x1x128xi32, #tpu.memory_space<vmem>> -> memref<128xi32, #tpu.memory_space<vmem>>
    %dma_start3A_42 = arith.constant 0 : i32
    %dma_start3A_43 = arith.constant 0 : i32
    %dma_start3A_44 = tpu.memref_slice %arg8[%dma_start3A_42, %dma_start3A_43] : memref<10000x64xbf16, #tpu.memory_space<vmem_shared>> -> memref<10000x64xbf16, #tpu.memory_space<vmem_shared>>
    tpu.enqueue_indirect_dma source(%dma_start3A_44 : memref<10000x64xbf16, #tpu.memory_space<vmem_shared>>) target(%dma_start3A_38 : memref<128x64xbf16, #tpu.memory_space<vmem>>) offsets(%dma_start3A_41 : memref<128xi32, #tpu.memory_space<vmem>>) semaphore(%arg11 : memref<!tpu.dma_semaphore, #tpu.memory_space<semaphore_mem>>)
    %run_scoped3A = arith.constant 0 : i32
    %run_scoped3A_45 = arith.constant 78 : i32
    %run_scoped3A_46 = arith.constant 1 : i32
    "tpu.region"() ({
      %run_scoped3A_128 = tpu.sem_alloc : memref<!tpu.dma_semaphore, #tpu.memory_space<semaphore_mem>>
      %dma_start3A_129 = arith.constant 0 : i32
      %dma_start3A_130 = arith.constant 0 : i32
      %dma_start3A_131 = tpu.memref_slice %arg7[%run_scoped3A, %dma_start3A_129, %dma_start3A_130] : memref<2x128x64xbf16, #tpu.memory_space<vmem>> -> memref<1x128x64xbf16, #tpu.memory_space<vmem>>
      %dma_start3A_132 = tpu.memref_squeeze %dma_start3A_131 : memref<1x128x64xbf16, #tpu.memory_space<vmem>> -> memref<128x64xbf16, #tpu.memory_space<vmem>>
      %dma_start3A_133 = arith.constant 0 : i32
      %dma_start3A_134 = tpu.memref_slice %arg6[%run_scoped3A_45, %run_scoped3A_46, %dma_start3A_133] : memref<80x2x128xi32, #tpu.memory_space<vmem>> -> memref<1x1x128xi32, #tpu.memory_space<vmem>>
      %dma_start3A_135 = tpu.memref_squeeze %dma_start3A_134 : memref<1x1x128xi32, #tpu.memory_space<vmem>> -> memref<128xi32, #tpu.memory_space<vmem>>
      %dma_start3A_136 = arith.constant 0 : i32
      %dma_start3A_137 = arith.constant 0 : i32
      %dma_start3A_138 = tpu.memref_slice %arg9[%dma_start3A_136, %dma_start3A_137] : memref<10112x64xbf16, #tpu.memory_space<vmem_shared>> -> memref<10112x64xbf16, #tpu.memory_space<vmem_shared>>
      tpu.enqueue_indirect_dma source(%dma_start3A_132 : memref<128x64xbf16, #tpu.memory_space<vmem>>) target(%dma_start3A_138 : memref<10112x64xbf16, #tpu.memory_space<vmem_shared>>) offsets(%dma_start3A_135 : memref<128xi32, #tpu.memory_space<vmem>>) semaphore(%run_scoped3A_128 : memref<!tpu.dma_semaphore, #tpu.memory_space<semaphore_mem>>) {add = true}
      %dma_wait3A_139 = arith.constant 0 : i32
      %dma_wait3A_140 = arith.constant 0 : i32
      %dma_wait3A_141 = tpu.memref_slice %arg7[%run_scoped3A, %dma_wait3A_139, %dma_wait3A_140] : memref<2x128x64xbf16, #tpu.memory_space<vmem>> -> memref<1x128x64xbf16, #tpu.memory_space<vmem>>
      %dma_wait3A_142 = tpu.memref_squeeze %dma_wait3A_141 : memref<1x128x64xbf16, #tpu.memory_space<vmem>> -> memref<128x64xbf16, #tpu.memory_space<vmem>>
      %dma_wait3A_143 = arith.constant 0 : i32
      %dma_wait3A_144 = tpu.memref_slice %arg6[%run_scoped3A_45, %run_scoped3A_46, %dma_wait3A_143] : memref<80x2x128xi32, #tpu.memory_space<vmem>> -> memref<1x1x128xi32, #tpu.memory_space<vmem>>
      %dma_wait3A_145 = tpu.memref_squeeze %dma_wait3A_144 : memref<1x1x128xi32, #tpu.memory_space<vmem>> -> memref<128xi32, #tpu.memory_space<vmem>>
      %dma_wait3A_146 = arith.constant 0 : i32
      %dma_wait3A_147 = arith.constant 0 : i32
      %dma_wait3A_148 = tpu.memref_slice %arg9[%dma_wait3A_146, %dma_wait3A_147] : memref<10112x64xbf16, #tpu.memory_space<vmem_shared>> -> memref<10112x64xbf16, #tpu.memory_space<vmem_shared>>
      tpu.wait_indirect_dma semaphore(%run_scoped3A_128 : memref<!tpu.dma_semaphore, #tpu.memory_space<semaphore_mem>>) src(%dma_wait3A_142 : memref<128x64xbf16, #tpu.memory_space<vmem>>) dst(%dma_wait3A_148 : memref<10112x64xbf16, #tpu.memory_space<vmem_shared>>)
      tpu.yield
    }) : () -> ()
    %dma_wait3A_47 = arith.constant 79 : i32
    %dma_wait3A_48 = arith.constant 0 : i32
    %dma_wait3A_49 = arith.constant 1 : i32
    %dma_wait3A_50 = arith.constant 0 : i32
    %dma_wait3A_51 = arith.constant 0 : i32
    %dma_wait3A_52 = tpu.memref_slice %arg7[%dma_wait3A_49, %dma_wait3A_50, %dma_wait3A_51] : memref<2x128x64xbf16, #tpu.memory_space<vmem>> -> memref<1x128x64xbf16, #tpu.memory_space<vmem>>
    %dma_wait3A_53 = tpu.memref_squeeze %dma_wait3A_52 : memref<1x128x64xbf16, #tpu.memory_space<vmem>> -> memref<128x64xbf16, #tpu.memory_space<vmem>>
    %dma_wait3A_54 = arith.constant 0 : i32
    %dma_wait3A_55 = tpu.memref_slice %arg6[%dma_wait3A_47, %dma_wait3A_48, %dma_wait3A_54] : memref<80x2x128xi32, #tpu.memory_space<vmem>> -> memref<1x1x128xi32, #tpu.memory_space<vmem>>
    %dma_wait3A_56 = tpu.memref_squeeze %dma_wait3A_55 : memref<1x1x128xi32, #tpu.memory_space<vmem>> -> memref<128xi32, #tpu.memory_space<vmem>>
    %dma_wait3A_57 = arith.constant 0 : i32
    %dma_wait3A_58 = arith.constant 0 : i32
    %dma_wait3A_59 = tpu.memref_slice %arg8[%dma_wait3A_57, %dma_wait3A_58] : memref<10000x64xbf16, #tpu.memory_space<vmem_shared>> -> memref<10000x64xbf16, #tpu.memory_space<vmem_shared>>
    tpu.wait_indirect_dma semaphore(%arg11 : memref<!tpu.dma_semaphore, #tpu.memory_space<semaphore_mem>>) src(%dma_wait3A_59 : memref<10000x64xbf16, #tpu.memory_space<vmem_shared>>) dst(%dma_wait3A_53 : memref<128x64xbf16, #tpu.memory_space<vmem>>)
    %run_scoped3A_60 = arith.constant 1 : i32
    %run_scoped3A_61 = arith.constant 79 : i32
    %run_scoped3A_62 = arith.constant 1 : i32
    "tpu.region"() ({
      %run_scoped3A_128 = tpu.sem_alloc : memref<!tpu.dma_semaphore, #tpu.memory_space<semaphore_mem>>
      %dma_start3A_129 = arith.constant 0 : i32
      %dma_start3A_130 = arith.constant 0 : i32
      %dma_start3A_131 = tpu.memref_slice %arg7[%run_scoped3A_60, %dma_start3A_129, %dma_start3A_130] : memref<2x128x64xbf16, #tpu.memory_space<vmem>> -> memref<1x128x64xbf16, #tpu.memory_space<vmem>>
      %dma_start3A_132 = tpu.memref_squeeze %dma_start3A_131 : memref<1x128x64xbf16, #tpu.memory_space<vmem>> -> memref<128x64xbf16, #tpu.memory_space<vmem>>
      %dma_start3A_133 = arith.constant 0 : i32
      %dma_start3A_134 = tpu.memref_slice %arg6[%run_scoped3A_61, %run_scoped3A_62, %dma_start3A_133] : memref<80x2x128xi32, #tpu.memory_space<vmem>> -> memref<1x1x128xi32, #tpu.memory_space<vmem>>
      %dma_start3A_135 = tpu.memref_squeeze %dma_start3A_134 : memref<1x1x128xi32, #tpu.memory_space<vmem>> -> memref<128xi32, #tpu.memory_space<vmem>>
      %dma_start3A_136 = arith.constant 0 : i32
      %dma_start3A_137 = arith.constant 0 : i32
      %dma_start3A_138 = tpu.memref_slice %arg9[%dma_start3A_136, %dma_start3A_137] : memref<10112x64xbf16, #tpu.memory_space<vmem_shared>> -> memref<10112x64xbf16, #tpu.memory_space<vmem_shared>>
      tpu.enqueue_indirect_dma source(%dma_start3A_132 : memref<128x64xbf16, #tpu.memory_space<vmem>>) target(%dma_start3A_138 : memref<10112x64xbf16, #tpu.memory_space<vmem_shared>>) offsets(%dma_start3A_135 : memref<128xi32, #tpu.memory_space<vmem>>) semaphore(%run_scoped3A_128 : memref<!tpu.dma_semaphore, #tpu.memory_space<semaphore_mem>>) {add = true}
      %dma_wait3A_139 = arith.constant 0 : i32
      %dma_wait3A_140 = arith.constant 0 : i32
      %dma_wait3A_141 = tpu.memref_slice %arg7[%run_scoped3A_60, %dma_wait3A_139, %dma_wait3A_140] : memref<2x128x64xbf16, #tpu.memory_space<vmem>> -> memref<1x128x64xbf16, #tpu.memory_space<vmem>>
      %dma_wait3A_142 = tpu.memref_squeeze %dma_wait3A_141 : memref<1x128x64xbf16, #tpu.memory_space<vmem>> -> memref<128x64xbf16, #tpu.memory_space<vmem>>
      %dma_wait3A_143 = arith.constant 0 : i32
      %dma_wait3A_144 = tpu.memref_slice %arg6[%run_scoped3A_61, %run_scoped3A_62, %dma_wait3A_143] : memref<80x2x128xi32, #tpu.memory_space<vmem>> -> memref<1x1x128xi32, #tpu.memory_space<vmem>>
      %dma_wait3A_145 = tpu.memref_squeeze %dma_wait3A_144 : memref<1x1x128xi32, #tpu.memory_space<vmem>> -> memref<128xi32, #tpu.memory_space<vmem>>
      %dma_wait3A_146 = arith.constant 0 : i32
      %dma_wait3A_147 = arith.constant 0 : i32
      %dma_wait3A_148 = tpu.memref_slice %arg9[%dma_wait3A_146, %dma_wait3A_147] : memref<10112x64xbf16, #tpu.memory_space<vmem_shared>> -> memref<10112x64xbf16, #tpu.memory_space<vmem_shared>>
      tpu.wait_indirect_dma semaphore(%run_scoped3A_128 : memref<!tpu.dma_semaphore, #tpu.memory_space<semaphore_mem>>) src(%dma_wait3A_142 : memref<128x64xbf16, #tpu.memory_space<vmem>>) dst(%dma_wait3A_148 : memref<10112x64xbf16, #tpu.memory_space<vmem_shared>>)
      tpu.yield
    }) : () -> ()
    "tpu.region"() ({
      %run_scoped3A_128 = tpu.sem_alloc : memref<!tpu.dma_semaphore, #tpu.memory_space<semaphore_mem>>
      %dma_start3A_129 = arith.constant 80 : i32
      %dma_start3A_130 = arith.constant 0 : i32
      %dma_start3A_131 = arith.constant 0 : i32
      %dma_start3A_132 = tpu.memref_slice %arg3[%arg1, %dma_start3A_129, %dma_start3A_130, %dma_start3A_131] : memref<16x160x2x128xi32, #tpu.memory_space<hbm>> -> memref<1x80x2x128xi32, #tpu.memory_space<hbm>>
      %dma_start3A_133 = tpu.memref_squeeze %dma_start3A_132 : memref<1x80x2x128xi32, #tpu.memory_space<hbm>> -> memref<80x2x128xi32, #tpu.memory_space<hbm>>
      %dma_start3A_134 = arith.constant 80 : i32
      %dma_start3A_135 = arith.constant 0 : i32
      %dma_start3A_136 = arith.constant 0 : i32
      %dma_start3A_137 = tpu.memref_slice %arg3[%arg1, %dma_start3A_134, %dma_start3A_135, %dma_start3A_136] : memref<16x160x2x128xi32, #tpu.memory_space<hbm>> -> memref<1x80x2x128xi32, #tpu.memory_space<hbm>>
      %dma_start3A_138 = tpu.memref_squeeze %dma_start3A_137 : memref<1x80x2x128xi32, #tpu.memory_space<hbm>> -> memref<80x2x128xi32, #tpu.memory_space<hbm>>
      tpu.enqueue_dma source(%dma_start3A_138 : memref<80x2x128xi32, #tpu.memory_space<hbm>>) target(%arg6 : memref<80x2x128xi32, #tpu.memory_space<vmem>>) target_semaphore(%run_scoped3A_128 : memref<!tpu.dma_semaphore, #tpu.memory_space<semaphore_mem>>)
      %dma_wait3A_139 = arith.constant 80 : i32
      %dma_wait3A_140 = arith.constant 0 : i32
      %dma_wait3A_141 = arith.constant 0 : i32
      %dma_wait3A_142 = tpu.memref_slice %arg3[%arg1, %dma_wait3A_139, %dma_wait3A_140, %dma_wait3A_141] : memref<16x160x2x128xi32, #tpu.memory_space<hbm>> -> memref<1x80x2x128xi32, #tpu.memory_space<hbm>>
      %dma_wait3A_143 = tpu.memref_squeeze %dma_wait3A_142 : memref<1x80x2x128xi32, #tpu.memory_space<hbm>> -> memref<80x2x128xi32, #tpu.memory_space<hbm>>
      %dma_wait3A_144 = arith.constant 80 : i32
      %dma_wait3A_145 = arith.constant 0 : i32
      %dma_wait3A_146 = arith.constant 0 : i32
      %dma_wait3A_147 = tpu.memref_slice %arg3[%arg1, %dma_wait3A_144, %dma_wait3A_145, %dma_wait3A_146] : memref<16x160x2x128xi32, #tpu.memory_space<hbm>> -> memref<1x80x2x128xi32, #tpu.memory_space<hbm>>
      %dma_wait3A_148 = tpu.memref_squeeze %dma_wait3A_147 : memref<1x80x2x128xi32, #tpu.memory_space<hbm>> -> memref<80x2x128xi32, #tpu.memory_space<hbm>>
      tpu.wait_dma2 semaphore(%run_scoped3A_128 : memref<!tpu.dma_semaphore, #tpu.memory_space<semaphore_mem>>) src(%dma_wait3A_148 : memref<80x2x128xi32, #tpu.memory_space<hbm>>) dst(%arg6 : memref<80x2x128xi32, #tpu.memory_space<vmem>>)
      tpu.yield
    }) : () -> ()
    %dma_start3A_63 = arith.constant 0 : i32
    %dma_start3A_64 = arith.constant 0 : i32
    %dma_start3A_65 = arith.constant 0 : i32
    %dma_start3A_66 = arith.constant 0 : i32
    %dma_start3A_67 = arith.constant 0 : i32
    %dma_start3A_68 = tpu.memref_slice %arg7[%dma_start3A_65, %dma_start3A_66, %dma_start3A_67] : memref<2x128x64xbf16, #tpu.memory_space<vmem>> -> memref<1x128x64xbf16, #tpu.memory_space<vmem>>
    %dma_start3A_69 = tpu.memref_squeeze %dma_start3A_68 : memref<1x128x64xbf16, #tpu.memory_space<vmem>> -> memref<128x64xbf16, #tpu.memory_space<vmem>>
    %dma_start3A_70 = arith.constant 0 : i32
    %dma_start3A_71 = tpu.memref_slice %arg6[%dma_start3A_63, %dma_start3A_64, %dma_start3A_70] : memref<80x2x128xi32, #tpu.memory_space<vmem>> -> memref<1x1x128xi32, #tpu.memory_space<vmem>>
    %dma_start3A_72 = tpu.memref_squeeze %dma_start3A_71 : memref<1x1x128xi32, #tpu.memory_space<vmem>> -> memref<128xi32, #tpu.memory_space<vmem>>
    %dma_start3A_73 = arith.constant 0 : i32
    %dma_start3A_74 = arith.constant 0 : i32
    %dma_start3A_75 = tpu.memref_slice %arg8[%dma_start3A_73, %dma_start3A_74] : memref<10000x64xbf16, #tpu.memory_space<vmem_shared>> -> memref<10000x64xbf16, #tpu.memory_space<vmem_shared>>
    tpu.enqueue_indirect_dma source(%dma_start3A_75 : memref<10000x64xbf16, #tpu.memory_space<vmem_shared>>) target(%dma_start3A_69 : memref<128x64xbf16, #tpu.memory_space<vmem>>) offsets(%dma_start3A_72 : memref<128xi32, #tpu.memory_space<vmem>>) semaphore(%arg10 : memref<!tpu.dma_semaphore, #tpu.memory_space<semaphore_mem>>)
    %scan3A_76 = arith.constant 0 : i32
    %scan3A_77 = arith.constant 0 : i32
    %scan3A_78 = arith.constant 39 : i32
    %scan3A_79 = arith.addi %scan3A_77, %scan3A_78 : i32
    %scan3A_80 = arith.constant 1 : i32
    scf.for %scan3A_128 = %scan3A_77 to %scan3A_79 step %scan3A_80  : i32 {
      %mul3A_129 = arith.constant 2 : i32
      %mul3A_130 = arith.muli %scan3A_128, %mul3A_129 : i32
      %add3A = arith.constant 0 : i32
      %add3A_131 = arith.addi %mul3A_130, %add3A : i32
      %dma_wait3A_132 = arith.constant 0 : i32
      %dma_wait3A_133 = arith.constant 0 : i32
      %dma_wait3A_134 = arith.constant 0 : i32
      %dma_wait3A_135 = arith.constant 0 : i32
      %dma_wait3A_136 = tpu.memref_slice %arg7[%dma_wait3A_133, %dma_wait3A_134, %dma_wait3A_135] : memref<2x128x64xbf16, #tpu.memory_space<vmem>> -> memref<1x128x64xbf16, #tpu.memory_space<vmem>>
      %dma_wait3A_137 = tpu.memref_squeeze %dma_wait3A_136 : memref<1x128x64xbf16, #tpu.memory_space<vmem>> -> memref<128x64xbf16, #tpu.memory_space<vmem>>
      %dma_wait3A_138 = arith.constant 0 : i32
      %dma_wait3A_139 = tpu.memref_slice %arg6[%add3A_131, %dma_wait3A_132, %dma_wait3A_138] : memref<80x2x128xi32, #tpu.memory_space<vmem>> -> memref<1x1x128xi32, #tpu.memory_space<vmem>>
      %dma_wait3A_140 = tpu.memref_squeeze %dma_wait3A_139 : memref<1x1x128xi32, #tpu.memory_space<vmem>> -> memref<128xi32, #tpu.memory_space<vmem>>
      %dma_wait3A_141 = arith.constant 0 : i32
      %dma_wait3A_142 = arith.constant 0 : i32
      %dma_wait3A_143 = tpu.memref_slice %arg8[%dma_wait3A_141, %dma_wait3A_142] : memref<10000x64xbf16, #tpu.memory_space<vmem_shared>> -> memref<10000x64xbf16, #tpu.memory_space<vmem_shared>>
      tpu.wait_indirect_dma semaphore(%arg10 : memref<!tpu.dma_semaphore, #tpu.memory_space<semaphore_mem>>) src(%dma_wait3A_143 : memref<10000x64xbf16, #tpu.memory_space<vmem_shared>>) dst(%dma_wait3A_137 : memref<128x64xbf16, #tpu.memory_space<vmem>>)
      %add3A_144 = arith.constant 2 : i32
      %add3A_145 = arith.addi %add3A_131, %add3A_144 : i32
      %sub3A = arith.constant 1 : i32
      %sub3A_146 = arith.subi %add3A_145, %sub3A : i32
      %dma_start3A_147 = arith.constant 0 : i32
      %dma_start3A_148 = arith.constant 1 : i32
      %dma_start3A_149 = arith.constant 0 : i32
      %dma_start3A_150 = arith.constant 0 : i32
      %dma_start3A_151 = tpu.memref_slice %arg7[%dma_start3A_148, %dma_start3A_149, %dma_start3A_150] : memref<2x128x64xbf16, #tpu.memory_space<vmem>> -> memref<1x128x64xbf16, #tpu.memory_space<vmem>>
      %dma_start3A_152 = tpu.memref_squeeze %dma_start3A_151 : memref<1x128x64xbf16, #tpu.memory_space<vmem>> -> memref<128x64xbf16, #tpu.memory_space<vmem>>
      %dma_start3A_153 = arith.constant 0 : i32
      %dma_start3A_154 = tpu.memref_slice %arg6[%sub3A_146, %dma_start3A_147, %dma_start3A_153] : memref<80x2x128xi32, #tpu.memory_space<vmem>> -> memref<1x1x128xi32, #tpu.memory_space<vmem>>
      %dma_start3A_155 = tpu.memref_squeeze %dma_start3A_154 : memref<1x1x128xi32, #tpu.memory_space<vmem>> -> memref<128xi32, #tpu.memory_space<vmem>>
      %dma_start3A_156 = arith.constant 0 : i32
      %dma_start3A_157 = arith.constant 0 : i32
      %dma_start3A_158 = tpu.memref_slice %arg8[%dma_start3A_156, %dma_start3A_157] : memref<10000x64xbf16, #tpu.memory_space<vmem_shared>> -> memref<10000x64xbf16, #tpu.memory_space<vmem_shared>>
      tpu.enqueue_indirect_dma source(%dma_start3A_158 : memref<10000x64xbf16, #tpu.memory_space<vmem_shared>>) target(%dma_start3A_152 : memref<128x64xbf16, #tpu.memory_space<vmem>>) offsets(%dma_start3A_155 : memref<128xi32, #tpu.memory_space<vmem>>) semaphore(%arg11 : memref<!tpu.dma_semaphore, #tpu.memory_space<semaphore_mem>>)
      %run_scoped3A_159 = arith.constant 0 : i32
      %run_scoped3A_160 = arith.constant 1 : i32
      "tpu.region"() ({
        %run_scoped3A_195 = tpu.sem_alloc : memref<!tpu.dma_semaphore, #tpu.memory_space<semaphore_mem>>
        %dma_start3A_196 = arith.constant 0 : i32
        %dma_start3A_197 = arith.constant 0 : i32
        %dma_start3A_198 = tpu.memref_slice %arg7[%run_scoped3A_159, %dma_start3A_196, %dma_start3A_197] : memref<2x128x64xbf16, #tpu.memory_space<vmem>> -> memref<1x128x64xbf16, #tpu.memory_space<vmem>>
        %dma_start3A_199 = tpu.memref_squeeze %dma_start3A_198 : memref<1x128x64xbf16, #tpu.memory_space<vmem>> -> memref<128x64xbf16, #tpu.memory_space<vmem>>
        %dma_start3A_200 = arith.constant 0 : i32
        %dma_start3A_201 = tpu.memref_slice %arg6[%add3A_131, %run_scoped3A_160, %dma_start3A_200] : memref<80x2x128xi32, #tpu.memory_space<vmem>> -> memref<1x1x128xi32, #tpu.memory_space<vmem>>
        %dma_start3A_202 = tpu.memref_squeeze %dma_start3A_201 : memref<1x1x128xi32, #tpu.memory_space<vmem>> -> memref<128xi32, #tpu.memory_space<vmem>>
        %dma_start3A_203 = arith.constant 0 : i32
        %dma_start3A_204 = arith.constant 0 : i32
        %dma_start3A_205 = tpu.memref_slice %arg9[%dma_start3A_203, %dma_start3A_204] : memref<10112x64xbf16, #tpu.memory_space<vmem_shared>> -> memref<10112x64xbf16, #tpu.memory_space<vmem_shared>>
        tpu.enqueue_indirect_dma source(%dma_start3A_199 : memref<128x64xbf16, #tpu.memory_space<vmem>>) target(%dma_start3A_205 : memref<10112x64xbf16, #tpu.memory_space<vmem_shared>>) offsets(%dma_start3A_202 : memref<128xi32, #tpu.memory_space<vmem>>) semaphore(%run_scoped3A_195 : memref<!tpu.dma_semaphore, #tpu.memory_space<semaphore_mem>>) {add = true}
        %dma_wait3A_206 = arith.constant 0 : i32
        %dma_wait3A_207 = arith.constant 0 : i32
        %dma_wait3A_208 = tpu.memref_slice %arg7[%run_scoped3A_159, %dma_wait3A_206, %dma_wait3A_207] : memref<2x128x64xbf16, #tpu.memory_space<vmem>> -> memref<1x128x64xbf16, #tpu.memory_space<vmem>>
        %dma_wait3A_209 = tpu.memref_squeeze %dma_wait3A_208 : memref<1x128x64xbf16, #tpu.memory_space<vmem>> -> memref<128x64xbf16, #tpu.memory_space<vmem>>
        %dma_wait3A_210 = arith.constant 0 : i32
        %dma_wait3A_211 = tpu.memref_slice %arg6[%add3A_131, %run_scoped3A_160, %dma_wait3A_210] : memref<80x2x128xi32, #tpu.memory_space<vmem>> -> memref<1x1x128xi32, #tpu.memory_space<vmem>>
        %dma_wait3A_212 = tpu.memref_squeeze %dma_wait3A_211 : memref<1x1x128xi32, #tpu.memory_space<vmem>> -> memref<128xi32, #tpu.memory_space<vmem>>
        %dma_wait3A_213 = arith.constant 0 : i32
        %dma_wait3A_214 = arith.constant 0 : i32
        %dma_wait3A_215 = tpu.memref_slice %arg9[%dma_wait3A_213, %dma_wait3A_214] : memref<10112x64xbf16, #tpu.memory_space<vmem_shared>> -> memref<10112x64xbf16, #tpu.memory_space<vmem_shared>>
        tpu.wait_indirect_dma semaphore(%run_scoped3A_195 : memref<!tpu.dma_semaphore, #tpu.memory_space<semaphore_mem>>) src(%dma_wait3A_209 : memref<128x64xbf16, #tpu.memory_space<vmem>>) dst(%dma_wait3A_215 : memref<10112x64xbf16, #tpu.memory_space<vmem_shared>>)
        tpu.yield
      }) : () -> ()
      %mul3A_161 = arith.constant 2 : i32
      %mul3A_162 = arith.muli %scan3A_128, %mul3A_161 : i32
      %add3A_163 = arith.constant 1 : i32
      %add3A_164 = arith.addi %mul3A_162, %add3A_163 : i32
      %dma_wait3A_165 = arith.constant 0 : i32
      %dma_wait3A_166 = arith.constant 1 : i32
      %dma_wait3A_167 = arith.constant 0 : i32
      %dma_wait3A_168 = arith.constant 0 : i32
      %dma_wait3A_169 = tpu.memref_slice %arg7[%dma_wait3A_166, %dma_wait3A_167, %dma_wait3A_168] : memref<2x128x64xbf16, #tpu.memory_space<vmem>> -> memref<1x128x64xbf16, #tpu.memory_space<vmem>>
      %dma_wait3A_170 = tpu.memref_squeeze %dma_wait3A_169 : memref<1x128x64xbf16, #tpu.memory_space<vmem>> -> memref<128x64xbf16, #tpu.memory_space<vmem>>
      %dma_wait3A_171 = arith.constant 0 : i32
      %dma_wait3A_172 = tpu.memref_slice %arg6[%add3A_164, %dma_wait3A_165, %dma_wait3A_171] : memref<80x2x128xi32, #tpu.memory_space<vmem>> -> memref<1x1x128xi32, #tpu.memory_space<vmem>>
      %dma_wait3A_173 = tpu.memref_squeeze %dma_wait3A_172 : memref<1x1x128xi32, #tpu.memory_space<vmem>> -> memref<128xi32, #tpu.memory_space<vmem>>
      %dma_wait3A_174 = arith.constant 0 : i32
      %dma_wait3A_175 = arith.constant 0 : i32
      %dma_wait3A_176 = tpu.memref_slice %arg8[%dma_wait3A_174, %dma_wait3A_175] : memref<10000x64xbf16, #tpu.memory_space<vmem_shared>> -> memref<10000x64xbf16, #tpu.memory_space<vmem_shared>>
      tpu.wait_indirect_dma semaphore(%arg11 : memref<!tpu.dma_semaphore, #tpu.memory_space<semaphore_mem>>) src(%dma_wait3A_176 : memref<10000x64xbf16, #tpu.memory_space<vmem_shared>>) dst(%dma_wait3A_170 : memref<128x64xbf16, #tpu.memory_space<vmem>>)
      %add3A_177 = arith.constant 2 : i32
      %add3A_178 = arith.addi %add3A_164, %add3A_177 : i32
      %sub3A_179 = arith.constant 1 : i32
      %sub3A_180 = arith.subi %add3A_178, %sub3A_179 : i32
      %dma_start3A_181 = arith.constant 0 : i32
      %dma_start3A_182 = arith.constant 0 : i32
      %dma_start3A_183 = arith.constant 0 : i32
      %dma_start3A_184 = arith.constant 0 : i32
      %dma_start3A_185 = tpu.memref_slice %arg7[%dma_start3A_182, %dma_start3A_183, %dma_start3A_184] : memref<2x128x64xbf16, #tpu.memory_space<vmem>> -> memref<1x128x64xbf16, #tpu.memory_space<vmem>>
      %dma_start3A_186 = tpu.memref_squeeze %dma_start3A_185 : memref<1x128x64xbf16, #tpu.memory_space<vmem>> -> memref<128x64xbf16, #tpu.memory_space<vmem>>
      %dma_start3A_187 = arith.constant 0 : i32
      %dma_start3A_188 = tpu.memref_slice %arg6[%sub3A_180, %dma_start3A_181, %dma_start3A_187] : memref<80x2x128xi32, #tpu.memory_space<vmem>> -> memref<1x1x128xi32, #tpu.memory_space<vmem>>
      %dma_start3A_189 = tpu.memref_squeeze %dma_start3A_188 : memref<1x1x128xi32, #tpu.memory_space<vmem>> -> memref<128xi32, #tpu.memory_space<vmem>>
      %dma_start3A_190 = arith.constant 0 : i32
      %dma_start3A_191 = arith.constant 0 : i32
      %dma_start3A_192 = tpu.memref_slice %arg8[%dma_start3A_190, %dma_start3A_191] : memref<10000x64xbf16, #tpu.memory_space<vmem_shared>> -> memref<10000x64xbf16, #tpu.memory_space<vmem_shared>>
      tpu.enqueue_indirect_dma source(%dma_start3A_192 : memref<10000x64xbf16, #tpu.memory_space<vmem_shared>>) target(%dma_start3A_186 : memref<128x64xbf16, #tpu.memory_space<vmem>>) offsets(%dma_start3A_189 : memref<128xi32, #tpu.memory_space<vmem>>) semaphore(%arg10 : memref<!tpu.dma_semaphore, #tpu.memory_space<semaphore_mem>>)
      %run_scoped3A_193 = arith.constant 1 : i32
      %run_scoped3A_194 = arith.constant 1 : i32
      "tpu.region"() ({
        %run_scoped3A_195 = tpu.sem_alloc : memref<!tpu.dma_semaphore, #tpu.memory_space<semaphore_mem>>
        %dma_start3A_196 = arith.constant 0 : i32
        %dma_start3A_197 = arith.constant 0 : i32
        %dma_start3A_198 = tpu.memref_slice %arg7[%run_scoped3A_193, %dma_start3A_196, %dma_start3A_197] : memref<2x128x64xbf16, #tpu.memory_space<vmem>> -> memref<1x128x64xbf16, #tpu.memory_space<vmem>>
        %dma_start3A_199 = tpu.memref_squeeze %dma_start3A_198 : memref<1x128x64xbf16, #tpu.memory_space<vmem>> -> memref<128x64xbf16, #tpu.memory_space<vmem>>
        %dma_start3A_200 = arith.constant 0 : i32
        %dma_start3A_201 = tpu.memref_slice %arg6[%add3A_164, %run_scoped3A_194, %dma_start3A_200] : memref<80x2x128xi32, #tpu.memory_space<vmem>> -> memref<1x1x128xi32, #tpu.memory_space<vmem>>
        %dma_start3A_202 = tpu.memref_squeeze %dma_start3A_201 : memref<1x1x128xi32, #tpu.memory_space<vmem>> -> memref<128xi32, #tpu.memory_space<vmem>>
        %dma_start3A_203 = arith.constant 0 : i32
        %dma_start3A_204 = arith.constant 0 : i32
        %dma_start3A_205 = tpu.memref_slice %arg9[%dma_start3A_203, %dma_start3A_204] : memref<10112x64xbf16, #tpu.memory_space<vmem_shared>> -> memref<10112x64xbf16, #tpu.memory_space<vmem_shared>>
        tpu.enqueue_indirect_dma source(%dma_start3A_199 : memref<128x64xbf16, #tpu.memory_space<vmem>>) target(%dma_start3A_205 : memref<10112x64xbf16, #tpu.memory_space<vmem_shared>>) offsets(%dma_start3A_202 : memref<128xi32, #tpu.memory_space<vmem>>) semaphore(%run_scoped3A_195 : memref<!tpu.dma_semaphore, #tpu.memory_space<semaphore_mem>>) {add = true}
        %dma_wait3A_206 = arith.constant 0 : i32
        %dma_wait3A_207 = arith.constant 0 : i32
        %dma_wait3A_208 = tpu.memref_slice %arg7[%run_scoped3A_193, %dma_wait3A_206, %dma_wait3A_207] : memref<2x128x64xbf16, #tpu.memory_space<vmem>> -> memref<1x128x64xbf16, #tpu.memory_space<vmem>>
        %dma_wait3A_209 = tpu.memref_squeeze %dma_wait3A_208 : memref<1x128x64xbf16, #tpu.memory_space<vmem>> -> memref<128x64xbf16, #tpu.memory_space<vmem>>
        %dma_wait3A_210 = arith.constant 0 : i32
        %dma_wait3A_211 = tpu.memref_slice %arg6[%add3A_164, %run_scoped3A_194, %dma_wait3A_210] : memref<80x2x128xi32, #tpu.memory_space<vmem>> -> memref<1x1x128xi32, #tpu.memory_space<vmem>>
        %dma_wait3A_212 = tpu.memref_squeeze %dma_wait3A_211 : memref<1x1x128xi32, #tpu.memory_space<vmem>> -> memref<128xi32, #tpu.memory_space<vmem>>
        %dma_wait3A_213 = arith.constant 0 : i32
        %dma_wait3A_214 = arith.constant 0 : i32
        %dma_wait3A_215 = tpu.memref_slice %arg9[%dma_wait3A_213, %dma_wait3A_214] : memref<10112x64xbf16, #tpu.memory_space<vmem_shared>> -> memref<10112x64xbf16, #tpu.memory_space<vmem_shared>>
        tpu.wait_indirect_dma semaphore(%run_scoped3A_195 : memref<!tpu.dma_semaphore, #tpu.memory_space<semaphore_mem>>) src(%dma_wait3A_209 : memref<128x64xbf16, #tpu.memory_space<vmem>>) dst(%dma_wait3A_215 : memref<10112x64xbf16, #tpu.memory_space<vmem_shared>>)
        tpu.yield
      }) : () -> ()
    }
    %scan3A_81 = arith.constant 39 : i32
    %dma_wait3A_82 = arith.constant 78 : i32
    %dma_wait3A_83 = arith.constant 0 : i32
    %dma_wait3A_84 = arith.constant 0 : i32
    %dma_wait3A_85 = arith.constant 0 : i32
    %dma_wait3A_86 = arith.constant 0 : i32
    %dma_wait3A_87 = tpu.memref_slice %arg7[%dma_wait3A_84, %dma_wait3A_85, %dma_wait3A_86] : memref<2x128x64xbf16, #tpu.memory_space<vmem>> -> memref<1x128x64xbf16, #tpu.memory_space<vmem>>
    %dma_wait3A_88 = tpu.memref_squeeze %dma_wait3A_87 : memref<1x128x64xbf16, #tpu.memory_space<vmem>> -> memref<128x64xbf16, #tpu.memory_space<vmem>>
    %dma_wait3A_89 = arith.constant 0 : i32
    %dma_wait3A_90 = tpu.memref_slice %arg6[%dma_wait3A_82, %dma_wait3A_83, %dma_wait3A_89] : memref<80x2x128xi32, #tpu.memory_space<vmem>> -> memref<1x1x128xi32, #tpu.memory_space<vmem>>
    %dma_wait3A_91 = tpu.memref_squeeze %dma_wait3A_90 : memref<1x1x128xi32, #tpu.memory_space<vmem>> -> memref<128xi32, #tpu.memory_space<vmem>>
    %dma_wait3A_92 = arith.constant 0 : i32
    %dma_wait3A_93 = arith.constant 0 : i32
    %dma_wait3A_94 = tpu.memref_slice %arg8[%dma_wait3A_92, %dma_wait3A_93] : memref<10000x64xbf16, #tpu.memory_space<vmem_shared>> -> memref<10000x64xbf16, #tpu.memory_space<vmem_shared>>
    tpu.wait_indirect_dma semaphore(%arg10 : memref<!tpu.dma_semaphore, #tpu.memory_space<semaphore_mem>>) src(%dma_wait3A_94 : memref<10000x64xbf16, #tpu.memory_space<vmem_shared>>) dst(%dma_wait3A_88 : memref<128x64xbf16, #tpu.memory_space<vmem>>)
    %dma_start3A_95 = arith.constant 79 : i32
    %dma_start3A_96 = arith.constant 0 : i32
    %dma_start3A_97 = arith.constant 1 : i32
    %dma_start3A_98 = arith.constant 0 : i32
    %dma_start3A_99 = arith.constant 0 : i32
    %dma_start3A_100 = tpu.memref_slice %arg7[%dma_start3A_97, %dma_start3A_98, %dma_start3A_99] : memref<2x128x64xbf16, #tpu.memory_space<vmem>> -> memref<1x128x64xbf16, #tpu.memory_space<vmem>>
    %dma_start3A_101 = tpu.memref_squeeze %dma_start3A_100 : memref<1x128x64xbf16, #tpu.memory_space<vmem>> -> memref<128x64xbf16, #tpu.memory_space<vmem>>
    %dma_start3A_102 = arith.constant 0 : i32
    %dma_start3A_103 = tpu.memref_slice %arg6[%dma_start3A_95, %dma_start3A_96, %dma_start3A_102] : memref<80x2x128xi32, #tpu.memory_space<vmem>> -> memref<1x1x128xi32, #tpu.memory_space<vmem>>
    %dma_start3A_104 = tpu.memref_squeeze %dma_start3A_103 : memref<1x1x128xi32, #tpu.memory_space<vmem>> -> memref<128xi32, #tpu.memory_space<vmem>>
    %dma_start3A_105 = arith.constant 0 : i32
    %dma_start3A_106 = arith.constant 0 : i32
    %dma_start3A_107 = tpu.memref_slice %arg8[%dma_start3A_105, %dma_start3A_106] : memref<10000x64xbf16, #tpu.memory_space<vmem_shared>> -> memref<10000x64xbf16, #tpu.memory_space<vmem_shared>>
    tpu.enqueue_indirect_dma source(%dma_start3A_107 : memref<10000x64xbf16, #tpu.memory_space<vmem_shared>>) target(%dma_start3A_101 : memref<128x64xbf16, #tpu.memory_space<vmem>>) offsets(%dma_start3A_104 : memref<128xi32, #tpu.memory_space<vmem>>) semaphore(%arg11 : memref<!tpu.dma_semaphore, #tpu.memory_space<semaphore_mem>>)
    %run_scoped3A_108 = arith.constant 0 : i32
    %run_scoped3A_109 = arith.constant 78 : i32
    %run_scoped3A_110 = arith.constant 1 : i32
    "tpu.region"() ({
      %run_scoped3A_128 = tpu.sem_alloc : memref<!tpu.dma_semaphore, #tpu.memory_space<semaphore_mem>>
      %dma_start3A_129 = arith.constant 0 : i32
      %dma_start3A_130 = arith.constant 0 : i32
      %dma_start3A_131 = tpu.memref_slice %arg7[%run_scoped3A_108, %dma_start3A_129, %dma_start3A_130] : memref<2x128x64xbf16, #tpu.memory_space<vmem>> -> memref<1x128x64xbf16, #tpu.memory_space<vmem>>
      %dma_start3A_132 = tpu.memref_squeeze %dma_start3A_131 : memref<1x128x64xbf16, #tpu.memory_space<vmem>> -> memref<128x64xbf16, #tpu.memory_space<vmem>>
      %dma_start3A_133 = arith.constant 0 : i32
      %dma_start3A_134 = tpu.memref_slice %arg6[%run_scoped3A_109, %run_scoped3A_110, %dma_start3A_133] : memref<80x2x128xi32, #tpu.memory_space<vmem>> -> memref<1x1x128xi32, #tpu.memory_space<vmem>>
      %dma_start3A_135 = tpu.memref_squeeze %dma_start3A_134 : memref<1x1x128xi32, #tpu.memory_space<vmem>> -> memref<128xi32, #tpu.memory_space<vmem>>
      %dma_start3A_136 = arith.constant 0 : i32
      %dma_start3A_137 = arith.constant 0 : i32
      %dma_start3A_138 = tpu.memref_slice %arg9[%dma_start3A_136, %dma_start3A_137] : memref<10112x64xbf16, #tpu.memory_space<vmem_shared>> -> memref<10112x64xbf16, #tpu.memory_space<vmem_shared>>
      tpu.enqueue_indirect_dma source(%dma_start3A_132 : memref<128x64xbf16, #tpu.memory_space<vmem>>) target(%dma_start3A_138 : memref<10112x64xbf16, #tpu.memory_space<vmem_shared>>) offsets(%dma_start3A_135 : memref<128xi32, #tpu.memory_space<vmem>>) semaphore(%run_scoped3A_128 : memref<!tpu.dma_semaphore, #tpu.memory_space<semaphore_mem>>) {add = true}
      %dma_wait3A_139 = arith.constant 0 : i32
      %dma_wait3A_140 = arith.constant 0 : i32
      %dma_wait3A_141 = tpu.memref_slice %arg7[%run_scoped3A_108, %dma_wait3A_139, %dma_wait3A_140] : memref<2x128x64xbf16, #tpu.memory_space<vmem>> -> memref<1x128x64xbf16, #tpu.memory_space<vmem>>
      %dma_wait3A_142 = tpu.memref_squeeze %dma_wait3A_141 : memref<1x128x64xbf16, #tpu.memory_space<vmem>> -> memref<128x64xbf16, #tpu.memory_space<vmem>>
      %dma_wait3A_143 = arith.constant 0 : i32
      %dma_wait3A_144 = tpu.memref_slice %arg6[%run_scoped3A_109, %run_scoped3A_110, %dma_wait3A_143] : memref<80x2x128xi32, #tpu.memory_space<vmem>> -> memref<1x1x128xi32, #tpu.memory_space<vmem>>
      %dma_wait3A_145 = tpu.memref_squeeze %dma_wait3A_144 : memref<1x1x128xi32, #tpu.memory_space<vmem>> -> memref<128xi32, #tpu.memory_space<vmem>>
      %dma_wait3A_146 = arith.constant 0 : i32
      %dma_wait3A_147 = arith.constant 0 : i32
      %dma_wait3A_148 = tpu.memref_slice %arg9[%dma_wait3A_146, %dma_wait3A_147] : memref<10112x64xbf16, #tpu.memory_space<vmem_shared>> -> memref<10112x64xbf16, #tpu.memory_space<vmem_shared>>
      tpu.wait_indirect_dma semaphore(%run_scoped3A_128 : memref<!tpu.dma_semaphore, #tpu.memory_space<semaphore_mem>>) src(%dma_wait3A_142 : memref<128x64xbf16, #tpu.memory_space<vmem>>) dst(%dma_wait3A_148 : memref<10112x64xbf16, #tpu.memory_space<vmem_shared>>)
      tpu.yield
    }) : () -> ()
    %dma_wait3A_111 = arith.constant 79 : i32
    %dma_wait3A_112 = arith.constant 0 : i32
    %dma_wait3A_113 = arith.constant 1 : i32
    %dma_wait3A_114 = arith.constant 0 : i32
    %dma_wait3A_115 = arith.constant 0 : i32
    %dma_wait3A_116 = tpu.memref_slice %arg7[%dma_wait3A_113, %dma_wait3A_114, %dma_wait3A_115] : memref<2x128x64xbf16, #tpu.memory_space<vmem>> -> memref<1x128x64xbf16, #tpu.memory_space<vmem>>
    %dma_wait3A_117 = tpu.memref_squeeze %dma_wait3A_116 : memref<1x128x64xbf16, #tpu.memory_space<vmem>> -> memref<128x64xbf16, #tpu.memory_space<vmem>>
    %dma_wait3A_118 = arith.constant 0 : i32
    %dma_wait3A_119 = tpu.memref_slice %arg6[%dma_wait3A_111, %dma_wait3A_112, %dma_wait3A_118] : memref<80x2x128xi32, #tpu.memory_space<vmem>> -> memref<1x1x128xi32, #tpu.memory_space<vmem>>
    %dma_wait3A_120 = tpu.memref_squeeze %dma_wait3A_119 : memref<1x1x128xi32, #tpu.memory_space<vmem>> -> memref<128xi32, #tpu.memory_space<vmem>>
    %dma_wait3A_121 = arith.constant 0 : i32
    %dma_wait3A_122 = arith.constant 0 : i32
    %dma_wait3A_123 = tpu.memref_slice %arg8[%dma_wait3A_121, %dma_wait3A_122] : memref<10000x64xbf16, #tpu.memory_space<vmem_shared>> -> memref<10000x64xbf16, #tpu.memory_space<vmem_shared>>
    tpu.wait_indirect_dma semaphore(%arg11 : memref<!tpu.dma_semaphore, #tpu.memory_space<semaphore_mem>>) src(%dma_wait3A_123 : memref<10000x64xbf16, #tpu.memory_space<vmem_shared>>) dst(%dma_wait3A_117 : memref<128x64xbf16, #tpu.memory_space<vmem>>)
    %run_scoped3A_124 = arith.constant 1 : i32
    %run_scoped3A_125 = arith.constant 79 : i32
    %run_scoped3A_126 = arith.constant 1 : i32
    "tpu.region"() ({
      %run_scoped3A_128 = tpu.sem_alloc : memref<!tpu.dma_semaphore, #tpu.memory_space<semaphore_mem>>
      %dma_start3A_129 = arith.constant 0 : i32
      %dma_start3A_130 = arith.constant 0 : i32
      %dma_start3A_131 = tpu.memref_slice %arg7[%run_scoped3A_124, %dma_start3A_129, %dma_start3A_130] : memref<2x128x64xbf16, #tpu.memory_space<vmem>> -> memref<1x128x64xbf16, #tpu.memory_space<vmem>>
      %dma_start3A_132 = tpu.memref_squeeze %dma_start3A_131 : memref<1x128x64xbf16, #tpu.memory_space<vmem>> -> memref<128x64xbf16, #tpu.memory_space<vmem>>
      %dma_start3A_133 = arith.constant 0 : i32
      %dma_start3A_134 = tpu.memref_slice %arg6[%run_scoped3A_125, %run_scoped3A_126, %dma_start3A_133] : memref<80x2x128xi32, #tpu.memory_space<vmem>> -> memref<1x1x128xi32, #tpu.memory_space<vmem>>
      %dma_start3A_135 = tpu.memref_squeeze %dma_start3A_134 : memref<1x1x128xi32, #tpu.memory_space<vmem>> -> memref<128xi32, #tpu.memory_space<vmem>>
      %dma_start3A_136 = arith.constant 0 : i32
      %dma_start3A_137 = arith.constant 0 : i32
      %dma_start3A_138 = tpu.memref_slice %arg9[%dma_start3A_136, %dma_start3A_137] : memref<10112x64xbf16, #tpu.memory_space<vmem_shared>> -> memref<10112x64xbf16, #tpu.memory_space<vmem_shared>>
      tpu.enqueue_indirect_dma source(%dma_start3A_132 : memref<128x64xbf16, #tpu.memory_space<vmem>>) target(%dma_start3A_138 : memref<10112x64xbf16, #tpu.memory_space<vmem_shared>>) offsets(%dma_start3A_135 : memref<128xi32, #tpu.memory_space<vmem>>) semaphore(%run_scoped3A_128 : memref<!tpu.dma_semaphore, #tpu.memory_space<semaphore_mem>>) {add = true}
      %dma_wait3A_139 = arith.constant 0 : i32
      %dma_wait3A_140 = arith.constant 0 : i32
      %dma_wait3A_141 = tpu.memref_slice %arg7[%run_scoped3A_124, %dma_wait3A_139, %dma_wait3A_140] : memref<2x128x64xbf16, #tpu.memory_space<vmem>> -> memref<1x128x64xbf16, #tpu.memory_space<vmem>>
      %dma_wait3A_142 = tpu.memref_squeeze %dma_wait3A_141 : memref<1x128x64xbf16, #tpu.memory_space<vmem>> -> memref<128x64xbf16, #tpu.memory_space<vmem>>
      %dma_wait3A_143 = arith.constant 0 : i32
      %dma_wait3A_144 = tpu.memref_slice %arg6[%run_scoped3A_125, %run_scoped3A_126, %dma_wait3A_143] : memref<80x2x128xi32, #tpu.memory_space<vmem>> -> memref<1x1x128xi32, #tpu.memory_space<vmem>>
      %dma_wait3A_145 = tpu.memref_squeeze %dma_wait3A_144 : memref<1x1x128xi32, #tpu.memory_space<vmem>> -> memref<128xi32, #tpu.memory_space<vmem>>
      %dma_wait3A_146 = arith.constant 0 : i32
      %dma_wait3A_147 = arith.constant 0 : i32
      %dma_wait3A_148 = tpu.memref_slice %arg9[%dma_wait3A_146, %dma_wait3A_147] : memref<10112x64xbf16, #tpu.memory_space<vmem_shared>> -> memref<10112x64xbf16, #tpu.memory_space<vmem_shared>>
      tpu.wait_indirect_dma semaphore(%run_scoped3A_128 : memref<!tpu.dma_semaphore, #tpu.memory_space<semaphore_mem>>) src(%dma_wait3A_142 : memref<128x64xbf16, #tpu.memory_space<vmem>>) dst(%dma_wait3A_148 : memref<10112x64xbf16, #tpu.memory_space<vmem_shared>>)
      tpu.yield
    }) : () -> ()
    %barrier3A_127 = arith.constant 0 : index
    tpu.barrier barrier_id(%barrier3A_127)
    "tpu.region"() ({
      %run_scoped3A_128 = tpu.sem_alloc : memref<!tpu.dma_semaphore, #tpu.memory_space<semaphore_mem>>
      %dma_start3A_129 = arith.constant 0 : i32
      %dma_start3A_130 = tpu.memref_slice %arg5[%arg0, %mul3A_0, %dma_start3A_129] : memref<2x10112x64xbf16, #tpu.memory_space<hbm>> -> memref<1x632x64xbf16, #tpu.memory_space<hbm>>
      %dma_start3A_131 = tpu.memref_squeeze %dma_start3A_130 : memref<1x632x64xbf16, #tpu.memory_space<hbm>> -> memref<632x64xbf16, #tpu.memory_space<hbm>>
      %dma_start3A_132 = arith.constant 0 : i32
      %dma_start3A_133 = tpu.memref_slice %arg9[%mul3A_0, %dma_start3A_132] : memref<10112x64xbf16, #tpu.memory_space<vmem_shared>> -> memref<632x64xbf16, #tpu.memory_space<vmem_shared>>
      tpu.enqueue_dma source(%dma_start3A_133 : memref<632x64xbf16, #tpu.memory_space<vmem_shared>>) target(%dma_start3A_131 : memref<632x64xbf16, #tpu.memory_space<hbm>>) target_semaphore(%run_scoped3A_128 : memref<!tpu.dma_semaphore, #tpu.memory_space<semaphore_mem>>)
      %dma_wait3A_134 = arith.constant 0 : i32
      %dma_wait3A_135 = tpu.memref_slice %arg5[%arg0, %mul3A_0, %dma_wait3A_134] : memref<2x10112x64xbf16, #tpu.memory_space<hbm>> -> memref<1x632x64xbf16, #tpu.memory_space<hbm>>
      %dma_wait3A_136 = tpu.memref_squeeze %dma_wait3A_135 : memref<1x632x64xbf16, #tpu.memory_space<hbm>> -> memref<632x64xbf16, #tpu.memory_space<hbm>>
      %dma_wait3A_137 = arith.constant 0 : i32
      %dma_wait3A_138 = tpu.memref_slice %arg9[%mul3A_0, %dma_wait3A_137] : memref<10112x64xbf16, #tpu.memory_space<vmem_shared>> -> memref<632x64xbf16, #tpu.memory_space<vmem_shared>>
      tpu.wait_dma2 semaphore(%run_scoped3A_128 : memref<!tpu.dma_semaphore, #tpu.memory_space<semaphore_mem>>) src(%dma_wait3A_138 : memref<632x64xbf16, #tpu.memory_space<vmem_shared>>) dst(%dma_wait3A_136 : memref<632x64xbf16, #tpu.memory_space<hbm>>)
      tpu.yield
    }) : () -> ()
    return
  }
}

#map = affine_map<(d0, d1) -> (0, 0, 0)>
#map1 = affine_map<(d0, d1) -> (0, 0, 0, 0)>
#map2 = affine_map<(d0, d1) -> (0, 0)>
module attributes {stable_mosaic.version = 14 : i64} {
  func.func @body(%arg0: i32, %arg1: i32, %arg2: memref<2x10000x64xbf16, #tpu.memory_space<hbm>>, %arg3: memref<16x160x2x128xi32, #tpu.memory_space<hbm>>, %arg4: memref<632x64xbf16, #tpu.memory_space<hbm>>, %arg5: memref<2x10112x64xbf16, #tpu.memory_space<hbm>>, %arg6: memref<80x2x128xi32, #tpu.memory_space<vmem>>, %arg7: memref<2x128x64xbf16, #tpu.memory_space<vmem>>, %arg8: memref<10000x64xbf16, #tpu.memory_space<vmem_shared>>, %arg9: memref<10112x64xbf16, #tpu.memory_space<vmem_shared>>, %arg10: memref<!tpu.dma_semaphore, #tpu.memory_space<semaphore_mem>>, %arg11: memref<!tpu.dma_semaphore, #tpu.memory_space<semaphore_mem>>) attributes {dimension_semantics = [#tpu.dimension_semantics<core_parallel>, #tpu.dimension_semantics<subcore_parallel>], iteration_bounds = array<i64: 2, 16>, scalar_prefetch = 0 : i64, scratch_operands = 6 : i64, tpu.core_type = #tpu.core_type<sc_vector_subcore>, window_params = [{transform_indices = #map}, {transform_indices = #map1}, {transform_indices = #map2}, {transform_indices = #map}]} {
    %mul3A = arith.constant 632 : i32
    %mul3A_0 = arith.muli %arg1, %mul3A : i32
    "tpu.region"() ({
      %run_scoped3A_128 = tpu.sem_alloc : memref<!tpu.dma_semaphore, #tpu.memory_space<semaphore_mem>>
      %dma_start3A_129 = arith.constant 0 : i32
      %dma_start3A_130 = tpu.memref_slice %arg9[%mul3A_0, %dma_start3A_129] : memref<10112x64xbf16, #tpu.memory_space<vmem_shared>> -> memref<632x64xbf16, #tpu.memory_space<vmem_shared>>
      tpu.enqueue_dma source(%arg4 : memref<632x64xbf16, #tpu.memory_space<hbm>>) target(%dma_start3A_130 : memref<632x64xbf16, #tpu.memory_space<vmem_shared>>) target_semaphore(%run_scoped3A_128 : memref<!tpu.dma_semaphore, #tpu.memory_space<semaphore_mem>>)
      %dma_wait3A_131 = arith.constant 0 : i32
      %dma_wait3A_132 = tpu.memref_slice %arg9[%mul3A_0, %dma_wait3A_131] : memref<10112x64xbf16, #tpu.memory_space<vmem_shared>> -> memref<632x64xbf16, #tpu.memory_space<vmem_shared>>
      tpu.wait_dma2 semaphore(%run_scoped3A_128 : memref<!tpu.dma_semaphore, #tpu.memory_space<semaphore_mem>>) src(%arg4 : memref<632x64xbf16, #tpu.memory_space<hbm>>) dst(%dma_wait3A_132 : memref<632x64xbf16, #tpu.memory_space<vmem_shared>>)
      tpu.yield
    }) : () -> ()
    %eq3A = arith.constant 0 : i32
    %eq3A_1 = arith.cmpi eq, %arg1, %eq3A : i32
    %convert_element_type3A = arith.extui %eq3A_1 : i1 to i32
    %cond3A = arith.constant 0 : i32
    %cond3A_2 = arith.cmpi ne, %convert_element_type3A, %cond3A : i32
    scf.if %cond3A_2 {
      "tpu.region"() ({
        %run_scoped3A_128 = tpu.sem_alloc : memref<!tpu.dma_semaphore, #tpu.memory_space<semaphore_mem>>
        %dma_start3A_129 = arith.constant 0 : i32
        %dma_start3A_130 = arith.constant 0 : i32
        %dma_start3A_131 = tpu.memref_slice %arg2[%arg0, %dma_start3A_129, %dma_start3A_130] : memref<2x10000x64xbf16, #tpu.memory_space<hbm>> -> memref<1x10000x64xbf16, #tpu.memory_space<hbm>>
        %dma_start3A_132 = tpu.memref_squeeze %dma_start3A_131 : memref<1x10000x64xbf16, #tpu.memory_space<hbm>> -> memref<10000x64xbf16, #tpu.memory_space<hbm>>
        tpu.enqueue_dma source(%dma_start3A_132 : memref<10000x64xbf16, #tpu.memory_space<hbm>>) target(%arg8 : memref<10000x64xbf16, #tpu.memory_space<vmem_shared>>) target_semaphore(%run_scoped3A_128 : memref<!tpu.dma_semaphore, #tpu.memory_space<semaphore_mem>>)
        %dma_wait3A_133 = arith.constant 0 : i32
        %dma_wait3A_134 = arith.constant 0 : i32
        %dma_wait3A_135 = tpu.memref_slice %arg2[%arg0, %dma_wait3A_133, %dma_wait3A_134] : memref<2x10000x64xbf16, #tpu.memory_space<hbm>> -> memref<1x10000x64xbf16, #tpu.memory_space<hbm>>
        %dma_wait3A_136 = tpu.memref_squeeze %dma_wait3A_135 : memref<1x10000x64xbf16, #tpu.memory_space<hbm>> -> memref<10000x64xbf16, #tpu.memory_space<hbm>>
        tpu.wait_dma2 semaphore(%run_scoped3A_128 : memref<!tpu.dma_semaphore, #tpu.memory_space<semaphore_mem>>) src(%dma_wait3A_136 : memref<10000x64xbf16, #tpu.memory_space<hbm>>) dst(%arg8 : memref<10000x64xbf16, #tpu.memory_space<vmem_shared>>)
        tpu.yield
      }) : () -> ()
    } else {
    }
    %barrier3A = arith.constant 0 : index
    tpu.barrier barrier_id(%barrier3A)
    "tpu.region"() ({
      %run_scoped3A_128 = tpu.sem_alloc : memref<!tpu.dma_semaphore, #tpu.memory_space<semaphore_mem>>
      %dma_start3A_129 = arith.constant 0 : i32
      %dma_start3A_130 = arith.constant 0 : i32
      %dma_start3A_131 = arith.constant 0 : i32
      %dma_start3A_132 = tpu.memref_slice %arg3[%arg1, %dma_start3A_129, %dma_start3A_130, %dma_start3A_131] : memref<16x160x2x128xi32, #tpu.memory_space<hbm>> -> memref<1x80x2x128xi32, #tpu.memory_space<hbm>>
      %dma_start3A_133 = tpu.memref_squeeze %dma_start3A_132 : memref<1x80x2x128xi32, #tpu.memory_space<hbm>> -> memref<80x2x128xi32, #tpu.memory_space<hbm>>
      %dma_start3A_134 = arith.constant 0 : i32
      %dma_start3A_135 = arith.constant 0 : i32
      %dma_start3A_136 = arith.constant 0 : i32
      %dma_start3A_137 = tpu.memref_slice %arg3[%arg1, %dma_start3A_134, %dma_start3A_135, %dma_start3A_136] : memref<16x160x2x128xi32, #tpu.memory_space<hbm>> -> memref<1x80x2x128xi32, #tpu.memory_space<hbm>>
      %dma_start3A_138 = tpu.memref_squeeze %dma_start3A_137 : memref<1x80x2x128xi32, #tpu.memory_space<hbm>> -> memref<80x2x128xi32, #tpu.memory_space<hbm>>
      tpu.enqueue_dma source(%dma_start3A_138 : memref<80x2x128xi32, #tpu.memory_space<hbm>>) target(%arg6 : memref<80x2x128xi32, #tpu.memory_space<vmem>>) target_semaphore(%run_scoped3A_128 : memref<!tpu.dma_semaphore, #tpu.memory_space<semaphore_mem>>)
      %dma_wait3A_139 = arith.constant 0 : i32
      %dma_wait3A_140 = arith.constant 0 : i32
      %dma_wait3A_141 = arith.constant 0 : i32
      %dma_wait3A_142 = tpu.memref_slice %arg3[%arg1, %dma_wait3A_139, %dma_wait3A_140, %dma_wait3A_141] : memref<16x160x2x128xi32, #tpu.memory_space<hbm>> -> memref<1x80x2x128xi32, #tpu.memory_space<hbm>>
      %dma_wait3A_143 = tpu.memref_squeeze %dma_wait3A_142 : memref<1x80x2x128xi32, #tpu.memory_space<hbm>> -> memref<80x2x128xi32, #tpu.memory_space<hbm>>
      %dma_wait3A_144 = arith.constant 0 : i32
      %dma_wait3A_145 = arith.constant 0 : i32
      %dma_wait3A_146 = arith.constant 0 : i32
      %dma_wait3A_147 = tpu.memref_slice %arg3[%arg1, %dma_wait3A_144, %dma_wait3A_145, %dma_wait3A_146] : memref<16x160x2x128xi32, #tpu.memory_space<hbm>> -> memref<1x80x2x128xi32, #tpu.memory_space<hbm>>
      %dma_wait3A_148 = tpu.memref_squeeze %dma_wait3A_147 : memref<1x80x2x128xi32, #tpu.memory_space<hbm>> -> memref<80x2x128xi32, #tpu.memory_space<hbm>>
      tpu.wait_dma2 semaphore(%run_scoped3A_128 : memref<!tpu.dma_semaphore, #tpu.memory_space<semaphore_mem>>) src(%dma_wait3A_148 : memref<80x2x128xi32, #tpu.memory_space<hbm>>) dst(%arg6 : memref<80x2x128xi32, #tpu.memory_space<vmem>>)
      tpu.yield
    }) : () -> ()
    %dma_start3A = arith.constant 0 : i32
    %dma_start3A_3 = arith.constant 0 : i32
    %dma_start3A_4 = arith.constant 0 : i32
    %dma_start3A_5 = arith.constant 0 : i32
    %dma_start3A_6 = arith.constant 0 : i32
    %dma_start3A_7 = tpu.memref_slice %arg7[%dma_start3A_4, %dma_start3A_5, %dma_start3A_6] : memref<2x128x64xbf16, #tpu.memory_space<vmem>> -> memref<1x128x64xbf16, #tpu.memory_space<vmem>>
    %dma_start3A_8 = tpu.memref_squeeze %dma_start3A_7 : memref<1x128x64xbf16, #tpu.memory_space<vmem>> -> memref<128x64xbf16, #tpu.memory_space<vmem>>
    %dma_start3A_9 = arith.constant 0 : i32
    %dma_start3A_10 = tpu.memref_slice %arg6[%dma_start3A, %dma_start3A_3, %dma_start3A_9] : memref<80x2x128xi32, #tpu.memory_space<vmem>> -> memref<1x1x128xi32, #tpu.memory_space<vmem>>
    %dma_start3A_11 = tpu.memref_squeeze %dma_start3A_10 : memref<1x1x128xi32, #tpu.memory_space<vmem>> -> memref<128xi32, #tpu.memory_space<vmem>>
    %dma_start3A_12 = arith.constant 0 : i32
    %dma_start3A_13 = arith.constant 0 : i32
    %dma_start3A_14 = tpu.memref_slice %arg8[%dma_start3A_12, %dma_start3A_13] : memref<10000x64xbf16, #tpu.memory_space<vmem_shared>> -> memref<10000x64xbf16, #tpu.memory_space<vmem_shared>>
    tpu.enqueue_indirect_dma source(%dma_start3A_14 : memref<10000x64xbf16, #tpu.memory_space<vmem_shared>>) target(%dma_start3A_8 : memref<128x64xbf16, #tpu.memory_space<vmem>>) offsets(%dma_start3A_11 : memref<128xi32, #tpu.memory_space<vmem>>) semaphore(%arg10 : memref<!tpu.dma_semaphore, #tpu.memory_space<semaphore_mem>>)
    %scan3A = arith.constant 0 : i32
    %scan3A_15 = arith.constant 0 : i32
    %scan3A_16 = arith.constant 39 : i32
    %scan3A_17 = arith.addi %scan3A_15, %scan3A_16 : i32
    %scan3A_18 = arith.constant 1 : i32
    scf.for %scan3A_128 = %scan3A_15 to %scan3A_17 step %scan3A_18  : i32 {
      %mul3A_129 = arith.constant 2 : i32
      %mul3A_130 = arith.muli %scan3A_128, %mul3A_129 : i32
      %add3A = arith.constant 0 : i32
      %add3A_131 = arith.addi %mul3A_130, %add3A : i32
      %dma_wait3A_132 = arith.constant 0 : i32
      %dma_wait3A_133 = arith.constant 0 : i32
      %dma_wait3A_134 = arith.constant 0 : i32
      %dma_wait3A_135 = arith.constant 0 : i32
      %dma_wait3A_136 = tpu.memref_slice %arg7[%dma_wait3A_133, %dma_wait3A_134, %dma_wait3A_135] : memref<2x128x64xbf16, #tpu.memory_space<vmem>> -> memref<1x128x64xbf16, #tpu.memory_space<vmem>>
      %dma_wait3A_137 = tpu.memref_squeeze %dma_wait3A_136 : memref<1x128x64xbf16, #tpu.memory_space<vmem>> -> memref<128x64xbf16, #tpu.memory_space<vmem>>
      %dma_wait3A_138 = arith.constant 0 : i32
      %dma_wait3A_139 = tpu.memref_slice %arg6[%add3A_131, %dma_wait3A_132, %dma_wait3A_138] : memref<80x2x128xi32, #tpu.memory_space<vmem>> -> memref<1x1x128xi32, #tpu.memory_space<vmem>>
      %dma_wait3A_140 = tpu.memref_squeeze %dma_wait3A_139 : memref<1x1x128xi32, #tpu.memory_space<vmem>> -> memref<128xi32, #tpu.memory_space<vmem>>
      %dma_wait3A_141 = arith.constant 0 : i32
      %dma_wait3A_142 = arith.constant 0 : i32
      %dma_wait3A_143 = tpu.memref_slice %arg8[%dma_wait3A_141, %dma_wait3A_142] : memref<10000x64xbf16, #tpu.memory_space<vmem_shared>> -> memref<10000x64xbf16, #tpu.memory_space<vmem_shared>>
      tpu.wait_indirect_dma semaphore(%arg10 : memref<!tpu.dma_semaphore, #tpu.memory_space<semaphore_mem>>) src(%dma_wait3A_143 : memref<10000x64xbf16, #tpu.memory_space<vmem_shared>>) dst(%dma_wait3A_137 : memref<128x64xbf16, #tpu.memory_space<vmem>>)
      %add3A_144 = arith.constant 2 : i32
      %add3A_145 = arith.addi %add3A_131, %add3A_144 : i32
      %sub3A = arith.constant 1 : i32
      %sub3A_146 = arith.subi %add3A_145, %sub3A : i32
      %dma_start3A_147 = arith.constant 0 : i32
      %dma_start3A_148 = arith.constant 1 : i32
      %dma_start3A_149 = arith.constant 0 : i32
      %dma_start3A_150 = arith.constant 0 : i32
      %dma_start3A_151 = tpu.memref_slice %arg7[%dma_start3A_148, %dma_start3A_149, %dma_start3A_150] : memref<2x128x64xbf16, #tpu.memory_space<vmem>> -> memref<1x128x64xbf16, #tpu.memory_space<vmem>>
      %dma_start3A_152 = tpu.memref_squeeze %dma_start3A_151 : memref<1x128x64xbf16, #tpu.memory_space<vmem>> -> memref<128x64xbf16, #tpu.memory_space<vmem>>
      %dma_start3A_153 = arith.constant 0 : i32
      %dma_start3A_154 = tpu.memref_slice %arg6[%sub3A_146, %dma_start3A_147, %dma_start3A_153] : memref<80x2x128xi32, #tpu.memory_space<vmem>> -> memref<1x1x128xi32, #tpu.memory_space<vmem>>
      %dma_start3A_155 = tpu.memref_squeeze %dma_start3A_154 : memref<1x1x128xi32, #tpu.memory_space<vmem>> -> memref<128xi32, #tpu.memory_space<vmem>>
      %dma_start3A_156 = arith.constant 0 : i32
      %dma_start3A_157 = arith.constant 0 : i32
      %dma_start3A_158 = tpu.memref_slice %arg8[%dma_start3A_156, %dma_start3A_157] : memref<10000x64xbf16, #tpu.memory_space<vmem_shared>> -> memref<10000x64xbf16, #tpu.memory_space<vmem_shared>>
      tpu.enqueue_indirect_dma source(%dma_start3A_158 : memref<10000x64xbf16, #tpu.memory_space<vmem_shared>>) target(%dma_start3A_152 : memref<128x64xbf16, #tpu.memory_space<vmem>>) offsets(%dma_start3A_155 : memref<128xi32, #tpu.memory_space<vmem>>) semaphore(%arg11 : memref<!tpu.dma_semaphore, #tpu.memory_space<semaphore_mem>>)
      %run_scoped3A_159 = arith.constant 0 : i32
      %run_scoped3A_160 = arith.constant 1 : i32
      "tpu.region"() ({
        %run_scoped3A_195 = tpu.sem_alloc : memref<!tpu.dma_semaphore, #tpu.memory_space<semaphore_mem>>
        %dma_start3A_196 = arith.constant 0 : i32
        %dma_start3A_197 = arith.constant 0 : i32
        %dma_start3A_198 = tpu.memref_slice %arg7[%run_scoped3A_159, %dma_start3A_196, %dma_start3A_197] : memref<2x128x64xbf16, #tpu.memory_space<vmem>> -> memref<1x128x64xbf16, #tpu.memory_space<vmem>>
        %dma_start3A_199 = tpu.memref_squeeze %dma_start3A_198 : memref<1x128x64xbf16, #tpu.memory_space<vmem>> -> memref<128x64xbf16, #tpu.memory_space<vmem>>
        %dma_start3A_200 = arith.constant 0 : i32
        %dma_start3A_201 = tpu.memref_slice %arg6[%add3A_131, %run_scoped3A_160, %dma_start3A_200] : memref<80x2x128xi32, #tpu.memory_space<vmem>> -> memref<1x1x128xi32, #tpu.memory_space<vmem>>
        %dma_start3A_202 = tpu.memref_squeeze %dma_start3A_201 : memref<1x1x128xi32, #tpu.memory_space<vmem>> -> memref<128xi32, #tpu.memory_space<vmem>>
        %dma_start3A_203 = arith.constant 0 : i32
        %dma_start3A_204 = arith.constant 0 : i32
        %dma_start3A_205 = tpu.memref_slice %arg9[%dma_start3A_203, %dma_start3A_204] : memref<10112x64xbf16, #tpu.memory_space<vmem_shared>> -> memref<10112x64xbf16, #tpu.memory_space<vmem_shared>>
        tpu.enqueue_indirect_dma source(%dma_start3A_199 : memref<128x64xbf16, #tpu.memory_space<vmem>>) target(%dma_start3A_205 : memref<10112x64xbf16, #tpu.memory_space<vmem_shared>>) offsets(%dma_start3A_202 : memref<128xi32, #tpu.memory_space<vmem>>) semaphore(%run_scoped3A_195 : memref<!tpu.dma_semaphore, #tpu.memory_space<semaphore_mem>>) {add = true}
        %dma_wait3A_206 = arith.constant 0 : i32
        %dma_wait3A_207 = arith.constant 0 : i32
        %dma_wait3A_208 = tpu.memref_slice %arg7[%run_scoped3A_159, %dma_wait3A_206, %dma_wait3A_207] : memref<2x128x64xbf16, #tpu.memory_space<vmem>> -> memref<1x128x64xbf16, #tpu.memory_space<vmem>>
        %dma_wait3A_209 = tpu.memref_squeeze %dma_wait3A_208 : memref<1x128x64xbf16, #tpu.memory_space<vmem>> -> memref<128x64xbf16, #tpu.memory_space<vmem>>
        %dma_wait3A_210 = arith.constant 0 : i32
        %dma_wait3A_211 = tpu.memref_slice %arg6[%add3A_131, %run_scoped3A_160, %dma_wait3A_210] : memref<80x2x128xi32, #tpu.memory_space<vmem>> -> memref<1x1x128xi32, #tpu.memory_space<vmem>>
        %dma_wait3A_212 = tpu.memref_squeeze %dma_wait3A_211 : memref<1x1x128xi32, #tpu.memory_space<vmem>> -> memref<128xi32, #tpu.memory_space<vmem>>
        %dma_wait3A_213 = arith.constant 0 : i32
        %dma_wait3A_214 = arith.constant 0 : i32
        %dma_wait3A_215 = tpu.memref_slice %arg9[%dma_wait3A_213, %dma_wait3A_214] : memref<10112x64xbf16, #tpu.memory_space<vmem_shared>> -> memref<10112x64xbf16, #tpu.memory_space<vmem_shared>>
        tpu.wait_indirect_dma semaphore(%run_scoped3A_195 : memref<!tpu.dma_semaphore, #tpu.memory_space<semaphore_mem>>) src(%dma_wait3A_209 : memref<128x64xbf16, #tpu.memory_space<vmem>>) dst(%dma_wait3A_215 : memref<10112x64xbf16, #tpu.memory_space<vmem_shared>>)
        tpu.yield
      }) : () -> ()
      %mul3A_161 = arith.constant 2 : i32
      %mul3A_162 = arith.muli %scan3A_128, %mul3A_161 : i32
      %add3A_163 = arith.constant 1 : i32
      %add3A_164 = arith.addi %mul3A_162, %add3A_163 : i32
      %dma_wait3A_165 = arith.constant 0 : i32
      %dma_wait3A_166 = arith.constant 1 : i32
      %dma_wait3A_167 = arith.constant 0 : i32
      %dma_wait3A_168 = arith.constant 0 : i32
      %dma_wait3A_169 = tpu.memref_slice %arg7[%dma_wait3A_166, %dma_wait3A_167, %dma_wait3A_168] : memref<2x128x64xbf16, #tpu.memory_space<vmem>> -> memref<1x128x64xbf16, #tpu.memory_space<vmem>>
      %dma_wait3A_170 = tpu.memref_squeeze %dma_wait3A_169 : memref<1x128x64xbf16, #tpu.memory_space<vmem>> -> memref<128x64xbf16, #tpu.memory_space<vmem>>
      %dma_wait3A_171 = arith.constant 0 : i32
      %dma_wait3A_172 = tpu.memref_slice %arg6[%add3A_164, %dma_wait3A_165, %dma_wait3A_171] : memref<80x2x128xi32, #tpu.memory_space<vmem>> -> memref<1x1x128xi32, #tpu.memory_space<vmem>>
      %dma_wait3A_173 = tpu.memref_squeeze %dma_wait3A_172 : memref<1x1x128xi32, #tpu.memory_space<vmem>> -> memref<128xi32, #tpu.memory_space<vmem>>
      %dma_wait3A_174 = arith.constant 0 : i32
      %dma_wait3A_175 = arith.constant 0 : i32
      %dma_wait3A_176 = tpu.memref_slice %arg8[%dma_wait3A_174, %dma_wait3A_175] : memref<10000x64xbf16, #tpu.memory_space<vmem_shared>> -> memref<10000x64xbf16, #tpu.memory_space<vmem_shared>>
      tpu.wait_indirect_dma semaphore(%arg11 : memref<!tpu.dma_semaphore, #tpu.memory_space<semaphore_mem>>) src(%dma_wait3A_176 : memref<10000x64xbf16, #tpu.memory_space<vmem_shared>>) dst(%dma_wait3A_170 : memref<128x64xbf16, #tpu.memory_space<vmem>>)
      %add3A_177 = arith.constant 2 : i32
      %add3A_178 = arith.addi %add3A_164, %add3A_177 : i32
      %sub3A_179 = arith.constant 1 : i32
      %sub3A_180 = arith.subi %add3A_178, %sub3A_179 : i32
      %dma_start3A_181 = arith.constant 0 : i32
      %dma_start3A_182 = arith.constant 0 : i32
      %dma_start3A_183 = arith.constant 0 : i32
      %dma_start3A_184 = arith.constant 0 : i32
      %dma_start3A_185 = tpu.memref_slice %arg7[%dma_start3A_182, %dma_start3A_183, %dma_start3A_184] : memref<2x128x64xbf16, #tpu.memory_space<vmem>> -> memref<1x128x64xbf16, #tpu.memory_space<vmem>>
      %dma_start3A_186 = tpu.memref_squeeze %dma_start3A_185 : memref<1x128x64xbf16, #tpu.memory_space<vmem>> -> memref<128x64xbf16, #tpu.memory_space<vmem>>
      %dma_start3A_187 = arith.constant 0 : i32
      %dma_start3A_188 = tpu.memref_slice %arg6[%sub3A_180, %dma_start3A_181, %dma_start3A_187] : memref<80x2x128xi32, #tpu.memory_space<vmem>> -> memref<1x1x128xi32, #tpu.memory_space<vmem>>
      %dma_start3A_189 = tpu.memref_squeeze %dma_start3A_188 : memref<1x1x128xi32, #tpu.memory_space<vmem>> -> memref<128xi32, #tpu.memory_space<vmem>>
      %dma_start3A_190 = arith.constant 0 : i32
      %dma_start3A_191 = arith.constant 0 : i32
      %dma_start3A_192 = tpu.memref_slice %arg8[%dma_start3A_190, %dma_start3A_191] : memref<10000x64xbf16, #tpu.memory_space<vmem_shared>> -> memref<10000x64xbf16, #tpu.memory_space<vmem_shared>>
      tpu.enqueue_indirect_dma source(%dma_start3A_192 : memref<10000x64xbf16, #tpu.memory_space<vmem_shared>>) target(%dma_start3A_186 : memref<128x64xbf16, #tpu.memory_space<vmem>>) offsets(%dma_start3A_189 : memref<128xi32, #tpu.memory_space<vmem>>) semaphore(%arg10 : memref<!tpu.dma_semaphore, #tpu.memory_space<semaphore_mem>>)
      %run_scoped3A_193 = arith.constant 1 : i32
      %run_scoped3A_194 = arith.constant 1 : i32
      "tpu.region"() ({
        %run_scoped3A_195 = tpu.sem_alloc : memref<!tpu.dma_semaphore, #tpu.memory_space<semaphore_mem>>
        %dma_start3A_196 = arith.constant 0 : i32
        %dma_start3A_197 = arith.constant 0 : i32
        %dma_start3A_198 = tpu.memref_slice %arg7[%run_scoped3A_193, %dma_start3A_196, %dma_start3A_197] : memref<2x128x64xbf16, #tpu.memory_space<vmem>> -> memref<1x128x64xbf16, #tpu.memory_space<vmem>>
        %dma_start3A_199 = tpu.memref_squeeze %dma_start3A_198 : memref<1x128x64xbf16, #tpu.memory_space<vmem>> -> memref<128x64xbf16, #tpu.memory_space<vmem>>
        %dma_start3A_200 = arith.constant 0 : i32
        %dma_start3A_201 = tpu.memref_slice %arg6[%add3A_164, %run_scoped3A_194, %dma_start3A_200] : memref<80x2x128xi32, #tpu.memory_space<vmem>> -> memref<1x1x128xi32, #tpu.memory_space<vmem>>
        %dma_start3A_202 = tpu.memref_squeeze %dma_start3A_201 : memref<1x1x128xi32, #tpu.memory_space<vmem>> -> memref<128xi32, #tpu.memory_space<vmem>>
        %dma_start3A_203 = arith.constant 0 : i32
        %dma_start3A_204 = arith.constant 0 : i32
        %dma_start3A_205 = tpu.memref_slice %arg9[%dma_start3A_203, %dma_start3A_204] : memref<10112x64xbf16, #tpu.memory_space<vmem_shared>> -> memref<10112x64xbf16, #tpu.memory_space<vmem_shared>>
        tpu.enqueue_indirect_dma source(%dma_start3A_199 : memref<128x64xbf16, #tpu.memory_space<vmem>>) target(%dma_start3A_205 : memref<10112x64xbf16, #tpu.memory_space<vmem_shared>>) offsets(%dma_start3A_202 : memref<128xi32, #tpu.memory_space<vmem>>) semaphore(%run_scoped3A_195 : memref<!tpu.dma_semaphore, #tpu.memory_space<semaphore_mem>>) {add = true}
        %dma_wait3A_206 = arith.constant 0 : i32
        %dma_wait3A_207 = arith.constant 0 : i32
        %dma_wait3A_208 = tpu.memref_slice %arg7[%run_scoped3A_193, %dma_wait3A_206, %dma_wait3A_207] : memref<2x128x64xbf16, #tpu.memory_space<vmem>> -> memref<1x128x64xbf16, #tpu.memory_space<vmem>>
        %dma_wait3A_209 = tpu.memref_squeeze %dma_wait3A_208 : memref<1x128x64xbf16, #tpu.memory_space<vmem>> -> memref<128x64xbf16, #tpu.memory_space<vmem>>
        %dma_wait3A_210 = arith.constant 0 : i32
        %dma_wait3A_211 = tpu.memref_slice %arg6[%add3A_164, %run_scoped3A_194, %dma_wait3A_210] : memref<80x2x128xi32, #tpu.memory_space<vmem>> -> memref<1x1x128xi32, #tpu.memory_space<vmem>>
        %dma_wait3A_212 = tpu.memref_squeeze %dma_wait3A_211 : memref<1x1x128xi32, #tpu.memory_space<vmem>> -> memref<128xi32, #tpu.memory_space<vmem>>
        %dma_wait3A_213 = arith.constant 0 : i32
        %dma_wait3A_214 = arith.constant 0 : i32
        %dma_wait3A_215 = tpu.memref_slice %arg9[%dma_wait3A_213, %dma_wait3A_214] : memref<10112x64xbf16, #tpu.memory_space<vmem_shared>> -> memref<10112x64xbf16, #tpu.memory_space<vmem_shared>>
        tpu.wait_indirect_dma semaphore(%run_scoped3A_195 : memref<!tpu.dma_semaphore, #tpu.memory_space<semaphore_mem>>) src(%dma_wait3A_209 : memref<128x64xbf16, #tpu.memory_space<vmem>>) dst(%dma_wait3A_215 : memref<10112x64xbf16, #tpu.memory_space<vmem_shared>>)
        tpu.yield
      }) : () -> ()
    }
    %scan3A_19 = arith.constant 39 : i32
    %dma_wait3A = arith.constant 78 : i32
    %dma_wait3A_20 = arith.constant 0 : i32
    %dma_wait3A_21 = arith.constant 0 : i32
    %dma_wait3A_22 = arith.constant 0 : i32
    %dma_wait3A_23 = arith.constant 0 : i32
    %dma_wait3A_24 = tpu.memref_slice %arg7[%dma_wait3A_21, %dma_wait3A_22, %dma_wait3A_23] : memref<2x128x64xbf16, #tpu.memory_space<vmem>> -> memref<1x128x64xbf16, #tpu.memory_space<vmem>>
    %dma_wait3A_25 = tpu.memref_squeeze %dma_wait3A_24 : memref<1x128x64xbf16, #tpu.memory_space<vmem>> -> memref<128x64xbf16, #tpu.memory_space<vmem>>
    %dma_wait3A_26 = arith.constant 0 : i32
    %dma_wait3A_27 = tpu.memref_slice %arg6[%dma_wait3A, %dma_wait3A_20, %dma_wait3A_26] : memref<80x2x128xi32, #tpu.memory_space<vmem>> -> memref<1x1x128xi32, #tpu.memory_space<vmem>>
    %dma_wait3A_28 = tpu.memref_squeeze %dma_wait3A_27 : memref<1x1x128xi32, #tpu.memory_space<vmem>> -> memref<128xi32, #tpu.memory_space<vmem>>
    %dma_wait3A_29 = arith.constant 0 : i32
    %dma_wait3A_30 = arith.constant 0 : i32
    %dma_wait3A_31 = tpu.memref_slice %arg8[%dma_wait3A_29, %dma_wait3A_30] : memref<10000x64xbf16, #tpu.memory_space<vmem_shared>> -> memref<10000x64xbf16, #tpu.memory_space<vmem_shared>>
    tpu.wait_indirect_dma semaphore(%arg10 : memref<!tpu.dma_semaphore, #tpu.memory_space<semaphore_mem>>) src(%dma_wait3A_31 : memref<10000x64xbf16, #tpu.memory_space<vmem_shared>>) dst(%dma_wait3A_25 : memref<128x64xbf16, #tpu.memory_space<vmem>>)
    %dma_start3A_32 = arith.constant 79 : i32
    %dma_start3A_33 = arith.constant 0 : i32
    %dma_start3A_34 = arith.constant 1 : i32
    %dma_start3A_35 = arith.constant 0 : i32
    %dma_start3A_36 = arith.constant 0 : i32
    %dma_start3A_37 = tpu.memref_slice %arg7[%dma_start3A_34, %dma_start3A_35, %dma_start3A_36] : memref<2x128x64xbf16, #tpu.memory_space<vmem>> -> memref<1x128x64xbf16, #tpu.memory_space<vmem>>
    %dma_start3A_38 = tpu.memref_squeeze %dma_start3A_37 : memref<1x128x64xbf16, #tpu.memory_space<vmem>> -> memref<128x64xbf16, #tpu.memory_space<vmem>>
    %dma_start3A_39 = arith.constant 0 : i32
    %dma_start3A_40 = tpu.memref_slice %arg6[%dma_start3A_32, %dma_start3A_33, %dma_start3A_39] : memref<80x2x128xi32, #tpu.memory_space<vmem>> -> memref<1x1x128xi32, #tpu.memory_space<vmem>>
    %dma_start3A_41 = tpu.memref_squeeze %dma_start3A_40 : memref<1x1x128xi32, #tpu.memory_space<vmem>> -> memref<128xi32, #tpu.memory_space<vmem>>
    %dma_start3A_42 = arith.constant 0 : i32
    %dma_start3A_43 = arith.constant 0 : i32
    %dma_start3A_44 = tpu.memref_slice %arg8[%dma_start3A_42, %dma_start3A_43] : memref<10000x64xbf16, #tpu.memory_space<vmem_shared>> -> memref<10000x64xbf16, #tpu.memory_space<vmem_shared>>
    tpu.enqueue_indirect_dma source(%dma_start3A_44 : memref<10000x64xbf16, #tpu.memory_space<vmem_shared>>) target(%dma_start3A_38 : memref<128x64xbf16, #tpu.memory_space<vmem>>) offsets(%dma_start3A_41 : memref<128xi32, #tpu.memory_space<vmem>>) semaphore(%arg11 : memref<!tpu.dma_semaphore, #tpu.memory_space<semaphore_mem>>)
    %run_scoped3A = arith.constant 0 : i32
    %run_scoped3A_45 = arith.constant 78 : i32
    %run_scoped3A_46 = arith.constant 1 : i32
    "tpu.region"() ({
      %run_scoped3A_128 = tpu.sem_alloc : memref<!tpu.dma_semaphore, #tpu.memory_space<semaphore_mem>>
      %dma_start3A_129 = arith.constant 0 : i32
      %dma_start3A_130 = arith.constant 0 : i32
      %dma_start3A_131 = tpu.memref_slice %arg7[%run_scoped3A, %dma_start3A_129, %dma_start3A_130] : memref<2x128x64xbf16, #tpu.memory_space<vmem>> -> memref<1x128x64xbf16, #tpu.memory_space<vmem>>
      %dma_start3A_132 = tpu.memref_squeeze %dma_start3A_131 : memref<1x128x64xbf16, #tpu.memory_space<vmem>> -> memref<128x64xbf16, #tpu.memory_space<vmem>>
      %dma_start3A_133 = arith.constant 0 : i32
      %dma_start3A_134 = tpu.memref_slice %arg6[%run_scoped3A_45, %run_scoped3A_46, %dma_start3A_133] : memref<80x2x128xi32, #tpu.memory_space<vmem>> -> memref<1x1x128xi32, #tpu.memory_space<vmem>>
      %dma_start3A_135 = tpu.memref_squeeze %dma_start3A_134 : memref<1x1x128xi32, #tpu.memory_space<vmem>> -> memref<128xi32, #tpu.memory_space<vmem>>
      %dma_start3A_136 = arith.constant 0 : i32
      %dma_start3A_137 = arith.constant 0 : i32
      %dma_start3A_138 = tpu.memref_slice %arg9[%dma_start3A_136, %dma_start3A_137] : memref<10112x64xbf16, #tpu.memory_space<vmem_shared>> -> memref<10112x64xbf16, #tpu.memory_space<vmem_shared>>
      tpu.enqueue_indirect_dma source(%dma_start3A_132 : memref<128x64xbf16, #tpu.memory_space<vmem>>) target(%dma_start3A_138 : memref<10112x64xbf16, #tpu.memory_space<vmem_shared>>) offsets(%dma_start3A_135 : memref<128xi32, #tpu.memory_space<vmem>>) semaphore(%run_scoped3A_128 : memref<!tpu.dma_semaphore, #tpu.memory_space<semaphore_mem>>) {add = true}
      %dma_wait3A_139 = arith.constant 0 : i32
      %dma_wait3A_140 = arith.constant 0 : i32
      %dma_wait3A_141 = tpu.memref_slice %arg7[%run_scoped3A, %dma_wait3A_139, %dma_wait3A_140] : memref<2x128x64xbf16, #tpu.memory_space<vmem>> -> memref<1x128x64xbf16, #tpu.memory_space<vmem>>
      %dma_wait3A_142 = tpu.memref_squeeze %dma_wait3A_141 : memref<1x128x64xbf16, #tpu.memory_space<vmem>> -> memref<128x64xbf16, #tpu.memory_space<vmem>>
      %dma_wait3A_143 = arith.constant 0 : i32
      %dma_wait3A_144 = tpu.memref_slice %arg6[%run_scoped3A_45, %run_scoped3A_46, %dma_wait3A_143] : memref<80x2x128xi32, #tpu.memory_space<vmem>> -> memref<1x1x128xi32, #tpu.memory_space<vmem>>
      %dma_wait3A_145 = tpu.memref_squeeze %dma_wait3A_144 : memref<1x1x128xi32, #tpu.memory_space<vmem>> -> memref<128xi32, #tpu.memory_space<vmem>>
      %dma_wait3A_146 = arith.constant 0 : i32
      %dma_wait3A_147 = arith.constant 0 : i32
      %dma_wait3A_148 = tpu.memref_slice %arg9[%dma_wait3A_146, %dma_wait3A_147] : memref<10112x64xbf16, #tpu.memory_space<vmem_shared>> -> memref<10112x64xbf16, #tpu.memory_space<vmem_shared>>
      tpu.wait_indirect_dma semaphore(%run_scoped3A_128 : memref<!tpu.dma_semaphore, #tpu.memory_space<semaphore_mem>>) src(%dma_wait3A_142 : memref<128x64xbf16, #tpu.memory_space<vmem>>) dst(%dma_wait3A_148 : memref<10112x64xbf16, #tpu.memory_space<vmem_shared>>)
      tpu.yield
    }) : () -> ()
    %dma_wait3A_47 = arith.constant 79 : i32
    %dma_wait3A_48 = arith.constant 0 : i32
    %dma_wait3A_49 = arith.constant 1 : i32
    %dma_wait3A_50 = arith.constant 0 : i32
    %dma_wait3A_51 = arith.constant 0 : i32
    %dma_wait3A_52 = tpu.memref_slice %arg7[%dma_wait3A_49, %dma_wait3A_50, %dma_wait3A_51] : memref<2x128x64xbf16, #tpu.memory_space<vmem>> -> memref<1x128x64xbf16, #tpu.memory_space<vmem>>
    %dma_wait3A_53 = tpu.memref_squeeze %dma_wait3A_52 : memref<1x128x64xbf16, #tpu.memory_space<vmem>> -> memref<128x64xbf16, #tpu.memory_space<vmem>>
    %dma_wait3A_54 = arith.constant 0 : i32
    %dma_wait3A_55 = tpu.memref_slice %arg6[%dma_wait3A_47, %dma_wait3A_48, %dma_wait3A_54] : memref<80x2x128xi32, #tpu.memory_space<vmem>> -> memref<1x1x128xi32, #tpu.memory_space<vmem>>
    %dma_wait3A_56 = tpu.memref_squeeze %dma_wait3A_55 : memref<1x1x128xi32, #tpu.memory_space<vmem>> -> memref<128xi32, #tpu.memory_space<vmem>>
    %dma_wait3A_57 = arith.constant 0 : i32
    %dma_wait3A_58 = arith.constant 0 : i32
    %dma_wait3A_59 = tpu.memref_slice %arg8[%dma_wait3A_57, %dma_wait3A_58] : memref<10000x64xbf16, #tpu.memory_space<vmem_shared>> -> memref<10000x64xbf16, #tpu.memory_space<vmem_shared>>
    tpu.wait_indirect_dma semaphore(%arg11 : memref<!tpu.dma_semaphore, #tpu.memory_space<semaphore_mem>>) src(%dma_wait3A_59 : memref<10000x64xbf16, #tpu.memory_space<vmem_shared>>) dst(%dma_wait3A_53 : memref<128x64xbf16, #tpu.memory_space<vmem>>)
    %run_scoped3A_60 = arith.constant 1 : i32
    %run_scoped3A_61 = arith.constant 79 : i32
    %run_scoped3A_62 = arith.constant 1 : i32
    "tpu.region"() ({
      %run_scoped3A_128 = tpu.sem_alloc : memref<!tpu.dma_semaphore, #tpu.memory_space<semaphore_mem>>
      %dma_start3A_129 = arith.constant 0 : i32
      %dma_start3A_130 = arith.constant 0 : i32
      %dma_start3A_131 = tpu.memref_slice %arg7[%run_scoped3A_60, %dma_start3A_129, %dma_start3A_130] : memref<2x128x64xbf16, #tpu.memory_space<vmem>> -> memref<1x128x64xbf16, #tpu.memory_space<vmem>>
      %dma_start3A_132 = tpu.memref_squeeze %dma_start3A_131 : memref<1x128x64xbf16, #tpu.memory_space<vmem>> -> memref<128x64xbf16, #tpu.memory_space<vmem>>
      %dma_start3A_133 = arith.constant 0 : i32
      %dma_start3A_134 = tpu.memref_slice %arg6[%run_scoped3A_61, %run_scoped3A_62, %dma_start3A_133] : memref<80x2x128xi32, #tpu.memory_space<vmem>> -> memref<1x1x128xi32, #tpu.memory_space<vmem>>
      %dma_start3A_135 = tpu.memref_squeeze %dma_start3A_134 : memref<1x1x128xi32, #tpu.memory_space<vmem>> -> memref<128xi32, #tpu.memory_space<vmem>>
      %dma_start3A_136 = arith.constant 0 : i32
      %dma_start3A_137 = arith.constant 0 : i32
      %dma_start3A_138 = tpu.memref_slice %arg9[%dma_start3A_136, %dma_start3A_137] : memref<10112x64xbf16, #tpu.memory_space<vmem_shared>> -> memref<10112x64xbf16, #tpu.memory_space<vmem_shared>>
      tpu.enqueue_indirect_dma source(%dma_start3A_132 : memref<128x64xbf16, #tpu.memory_space<vmem>>) target(%dma_start3A_138 : memref<10112x64xbf16, #tpu.memory_space<vmem_shared>>) offsets(%dma_start3A_135 : memref<128xi32, #tpu.memory_space<vmem>>) semaphore(%run_scoped3A_128 : memref<!tpu.dma_semaphore, #tpu.memory_space<semaphore_mem>>) {add = true}
      %dma_wait3A_139 = arith.constant 0 : i32
      %dma_wait3A_140 = arith.constant 0 : i32
      %dma_wait3A_141 = tpu.memref_slice %arg7[%run_scoped3A_60, %dma_wait3A_139, %dma_wait3A_140] : memref<2x128x64xbf16, #tpu.memory_space<vmem>> -> memref<1x128x64xbf16, #tpu.memory_space<vmem>>
      %dma_wait3A_142 = tpu.memref_squeeze %dma_wait3A_141 : memref<1x128x64xbf16, #tpu.memory_space<vmem>> -> memref<128x64xbf16, #tpu.memory_space<vmem>>
      %dma_wait3A_143 = arith.constant 0 : i32
      %dma_wait3A_144 = tpu.memref_slice %arg6[%run_scoped3A_61, %run_scoped3A_62, %dma_wait3A_143] : memref<80x2x128xi32, #tpu.memory_space<vmem>> -> memref<1x1x128xi32, #tpu.memory_space<vmem>>
      %dma_wait3A_145 = tpu.memref_squeeze %dma_wait3A_144 : memref<1x1x128xi32, #tpu.memory_space<vmem>> -> memref<128xi32, #tpu.memory_space<vmem>>
      %dma_wait3A_146 = arith.constant 0 : i32
      %dma_wait3A_147 = arith.constant 0 : i32
      %dma_wait3A_148 = tpu.memref_slice %arg9[%dma_wait3A_146, %dma_wait3A_147] : memref<10112x64xbf16, #tpu.memory_space<vmem_shared>> -> memref<10112x64xbf16, #tpu.memory_space<vmem_shared>>
      tpu.wait_indirect_dma semaphore(%run_scoped3A_128 : memref<!tpu.dma_semaphore, #tpu.memory_space<semaphore_mem>>) src(%dma_wait3A_142 : memref<128x64xbf16, #tpu.memory_space<vmem>>) dst(%dma_wait3A_148 : memref<10112x64xbf16, #tpu.memory_space<vmem_shared>>)
      tpu.yield
    }) : () -> ()
    "tpu.region"() ({
      %run_scoped3A_128 = tpu.sem_alloc : memref<!tpu.dma_semaphore, #tpu.memory_space<semaphore_mem>>
      %dma_start3A_129 = arith.constant 80 : i32
      %dma_start3A_130 = arith.constant 0 : i32
      %dma_start3A_131 = arith.constant 0 : i32
      %dma_start3A_132 = tpu.memref_slice %arg3[%arg1, %dma_start3A_129, %dma_start3A_130, %dma_start3A_131] : memref<16x160x2x128xi32, #tpu.memory_space<hbm>> -> memref<1x80x2x128xi32, #tpu.memory_space<hbm>>
      %dma_start3A_133 = tpu.memref_squeeze %dma_start3A_132 : memref<1x80x2x128xi32, #tpu.memory_space<hbm>> -> memref<80x2x128xi32, #tpu.memory_space<hbm>>
      %dma_start3A_134 = arith.constant 80 : i32
      %dma_start3A_135 = arith.constant 0 : i32
      %dma_start3A_136 = arith.constant 0 : i32
      %dma_start3A_137 = tpu.memref_slice %arg3[%arg1, %dma_start3A_134, %dma_start3A_135, %dma_start3A_136] : memref<16x160x2x128xi32, #tpu.memory_space<hbm>> -> memref<1x80x2x128xi32, #tpu.memory_space<hbm>>
      %dma_start3A_138 = tpu.memref_squeeze %dma_start3A_137 : memref<1x80x2x128xi32, #tpu.memory_space<hbm>> -> memref<80x2x128xi32, #tpu.memory_space<hbm>>
      tpu.enqueue_dma source(%dma_start3A_138 : memref<80x2x128xi32, #tpu.memory_space<hbm>>) target(%arg6 : memref<80x2x128xi32, #tpu.memory_space<vmem>>) target_semaphore(%run_scoped3A_128 : memref<!tpu.dma_semaphore, #tpu.memory_space<semaphore_mem>>)
      %dma_wait3A_139 = arith.constant 80 : i32
      %dma_wait3A_140 = arith.constant 0 : i32
      %dma_wait3A_141 = arith.constant 0 : i32
      %dma_wait3A_142 = tpu.memref_slice %arg3[%arg1, %dma_wait3A_139, %dma_wait3A_140, %dma_wait3A_141] : memref<16x160x2x128xi32, #tpu.memory_space<hbm>> -> memref<1x80x2x128xi32, #tpu.memory_space<hbm>>
      %dma_wait3A_143 = tpu.memref_squeeze %dma_wait3A_142 : memref<1x80x2x128xi32, #tpu.memory_space<hbm>> -> memref<80x2x128xi32, #tpu.memory_space<hbm>>
      %dma_wait3A_144 = arith.constant 80 : i32
      %dma_wait3A_145 = arith.constant 0 : i32
      %dma_wait3A_146 = arith.constant 0 : i32
      %dma_wait3A_147 = tpu.memref_slice %arg3[%arg1, %dma_wait3A_144, %dma_wait3A_145, %dma_wait3A_146] : memref<16x160x2x128xi32, #tpu.memory_space<hbm>> -> memref<1x80x2x128xi32, #tpu.memory_space<hbm>>
      %dma_wait3A_148 = tpu.memref_squeeze %dma_wait3A_147 : memref<1x80x2x128xi32, #tpu.memory_space<hbm>> -> memref<80x2x128xi32, #tpu.memory_space<hbm>>
      tpu.wait_dma2 semaphore(%run_scoped3A_128 : memref<!tpu.dma_semaphore, #tpu.memory_space<semaphore_mem>>) src(%dma_wait3A_148 : memref<80x2x128xi32, #tpu.memory_space<hbm>>) dst(%arg6 : memref<80x2x128xi32, #tpu.memory_space<vmem>>)
      tpu.yield
    }) : () -> ()
    %dma_start3A_63 = arith.constant 0 : i32
    %dma_start3A_64 = arith.constant 0 : i32
    %dma_start3A_65 = arith.constant 0 : i32
    %dma_start3A_66 = arith.constant 0 : i32
    %dma_start3A_67 = arith.constant 0 : i32
    %dma_start3A_68 = tpu.memref_slice %arg7[%dma_start3A_65, %dma_start3A_66, %dma_start3A_67] : memref<2x128x64xbf16, #tpu.memory_space<vmem>> -> memref<1x128x64xbf16, #tpu.memory_space<vmem>>
    %dma_start3A_69 = tpu.memref_squeeze %dma_start3A_68 : memref<1x128x64xbf16, #tpu.memory_space<vmem>> -> memref<128x64xbf16, #tpu.memory_space<vmem>>
    %dma_start3A_70 = arith.constant 0 : i32
    %dma_start3A_71 = tpu.memref_slice %arg6[%dma_start3A_63, %dma_start3A_64, %dma_start3A_70] : memref<80x2x128xi32, #tpu.memory_space<vmem>> -> memref<1x1x128xi32, #tpu.memory_space<vmem>>
    %dma_start3A_72 = tpu.memref_squeeze %dma_start3A_71 : memref<1x1x128xi32, #tpu.memory_space<vmem>> -> memref<128xi32, #tpu.memory_space<vmem>>
    %dma_start3A_73 = arith.constant 0 : i32
    %dma_start3A_74 = arith.constant 0 : i32
    %dma_start3A_75 = tpu.memref_slice %arg8[%dma_start3A_73, %dma_start3A_74] : memref<10000x64xbf16, #tpu.memory_space<vmem_shared>> -> memref<10000x64xbf16, #tpu.memory_space<vmem_shared>>
    tpu.enqueue_indirect_dma source(%dma_start3A_75 : memref<10000x64xbf16, #tpu.memory_space<vmem_shared>>) target(%dma_start3A_69 : memref<128x64xbf16, #tpu.memory_space<vmem>>) offsets(%dma_start3A_72 : memref<128xi32, #tpu.memory_space<vmem>>) semaphore(%arg10 : memref<!tpu.dma_semaphore, #tpu.memory_space<semaphore_mem>>)
    %scan3A_76 = arith.constant 0 : i32
    %scan3A_77 = arith.constant 0 : i32
    %scan3A_78 = arith.constant 39 : i32
    %scan3A_79 = arith.addi %scan3A_77, %scan3A_78 : i32
    %scan3A_80 = arith.constant 1 : i32
    scf.for %scan3A_128 = %scan3A_77 to %scan3A_79 step %scan3A_80  : i32 {
      %mul3A_129 = arith.constant 2 : i32
      %mul3A_130 = arith.muli %scan3A_128, %mul3A_129 : i32
      %add3A = arith.constant 0 : i32
      %add3A_131 = arith.addi %mul3A_130, %add3A : i32
      %dma_wait3A_132 = arith.constant 0 : i32
      %dma_wait3A_133 = arith.constant 0 : i32
      %dma_wait3A_134 = arith.constant 0 : i32
      %dma_wait3A_135 = arith.constant 0 : i32
      %dma_wait3A_136 = tpu.memref_slice %arg7[%dma_wait3A_133, %dma_wait3A_134, %dma_wait3A_135] : memref<2x128x64xbf16, #tpu.memory_space<vmem>> -> memref<1x128x64xbf16, #tpu.memory_space<vmem>>
      %dma_wait3A_137 = tpu.memref_squeeze %dma_wait3A_136 : memref<1x128x64xbf16, #tpu.memory_space<vmem>> -> memref<128x64xbf16, #tpu.memory_space<vmem>>
      %dma_wait3A_138 = arith.constant 0 : i32
      %dma_wait3A_139 = tpu.memref_slice %arg6[%add3A_131, %dma_wait3A_132, %dma_wait3A_138] : memref<80x2x128xi32, #tpu.memory_space<vmem>> -> memref<1x1x128xi32, #tpu.memory_space<vmem>>
      %dma_wait3A_140 = tpu.memref_squeeze %dma_wait3A_139 : memref<1x1x128xi32, #tpu.memory_space<vmem>> -> memref<128xi32, #tpu.memory_space<vmem>>
      %dma_wait3A_141 = arith.constant 0 : i32
      %dma_wait3A_142 = arith.constant 0 : i32
      %dma_wait3A_143 = tpu.memref_slice %arg8[%dma_wait3A_141, %dma_wait3A_142] : memref<10000x64xbf16, #tpu.memory_space<vmem_shared>> -> memref<10000x64xbf16, #tpu.memory_space<vmem_shared>>
      tpu.wait_indirect_dma semaphore(%arg10 : memref<!tpu.dma_semaphore, #tpu.memory_space<semaphore_mem>>) src(%dma_wait3A_143 : memref<10000x64xbf16, #tpu.memory_space<vmem_shared>>) dst(%dma_wait3A_137 : memref<128x64xbf16, #tpu.memory_space<vmem>>)
      %add3A_144 = arith.constant 2 : i32
      %add3A_145 = arith.addi %add3A_131, %add3A_144 : i32
      %sub3A = arith.constant 1 : i32
      %sub3A_146 = arith.subi %add3A_145, %sub3A : i32
      %dma_start3A_147 = arith.constant 0 : i32
      %dma_start3A_148 = arith.constant 1 : i32
      %dma_start3A_149 = arith.constant 0 : i32
      %dma_start3A_150 = arith.constant 0 : i32
      %dma_start3A_151 = tpu.memref_slice %arg7[%dma_start3A_148, %dma_start3A_149, %dma_start3A_150] : memref<2x128x64xbf16, #tpu.memory_space<vmem>> -> memref<1x128x64xbf16, #tpu.memory_space<vmem>>
      %dma_start3A_152 = tpu.memref_squeeze %dma_start3A_151 : memref<1x128x64xbf16, #tpu.memory_space<vmem>> -> memref<128x64xbf16, #tpu.memory_space<vmem>>
      %dma_start3A_153 = arith.constant 0 : i32
      %dma_start3A_154 = tpu.memref_slice %arg6[%sub3A_146, %dma_start3A_147, %dma_start3A_153] : memref<80x2x128xi32, #tpu.memory_space<vmem>> -> memref<1x1x128xi32, #tpu.memory_space<vmem>>
      %dma_start3A_155 = tpu.memref_squeeze %dma_start3A_154 : memref<1x1x128xi32, #tpu.memory_space<vmem>> -> memref<128xi32, #tpu.memory_space<vmem>>
      %dma_start3A_156 = arith.constant 0 : i32
      %dma_start3A_157 = arith.constant 0 : i32
      %dma_start3A_158 = tpu.memref_slice %arg8[%dma_start3A_156, %dma_start3A_157] : memref<10000x64xbf16, #tpu.memory_space<vmem_shared>> -> memref<10000x64xbf16, #tpu.memory_space<vmem_shared>>
      tpu.enqueue_indirect_dma source(%dma_start3A_158 : memref<10000x64xbf16, #tpu.memory_space<vmem_shared>>) target(%dma_start3A_152 : memref<128x64xbf16, #tpu.memory_space<vmem>>) offsets(%dma_start3A_155 : memref<128xi32, #tpu.memory_space<vmem>>) semaphore(%arg11 : memref<!tpu.dma_semaphore, #tpu.memory_space<semaphore_mem>>)
      %run_scoped3A_159 = arith.constant 0 : i32
      %run_scoped3A_160 = arith.constant 1 : i32
      "tpu.region"() ({
        %run_scoped3A_195 = tpu.sem_alloc : memref<!tpu.dma_semaphore, #tpu.memory_space<semaphore_mem>>
        %dma_start3A_196 = arith.constant 0 : i32
        %dma_start3A_197 = arith.constant 0 : i32
        %dma_start3A_198 = tpu.memref_slice %arg7[%run_scoped3A_159, %dma_start3A_196, %dma_start3A_197] : memref<2x128x64xbf16, #tpu.memory_space<vmem>> -> memref<1x128x64xbf16, #tpu.memory_space<vmem>>
        %dma_start3A_199 = tpu.memref_squeeze %dma_start3A_198 : memref<1x128x64xbf16, #tpu.memory_space<vmem>> -> memref<128x64xbf16, #tpu.memory_space<vmem>>
        %dma_start3A_200 = arith.constant 0 : i32
        %dma_start3A_201 = tpu.memref_slice %arg6[%add3A_131, %run_scoped3A_160, %dma_start3A_200] : memref<80x2x128xi32, #tpu.memory_space<vmem>> -> memref<1x1x128xi32, #tpu.memory_space<vmem>>
        %dma_start3A_202 = tpu.memref_squeeze %dma_start3A_201 : memref<1x1x128xi32, #tpu.memory_space<vmem>> -> memref<128xi32, #tpu.memory_space<vmem>>
        %dma_start3A_203 = arith.constant 0 : i32
        %dma_start3A_204 = arith.constant 0 : i32
        %dma_start3A_205 = tpu.memref_slice %arg9[%dma_start3A_203, %dma_start3A_204] : memref<10112x64xbf16, #tpu.memory_space<vmem_shared>> -> memref<10112x64xbf16, #tpu.memory_space<vmem_shared>>
        tpu.enqueue_indirect_dma source(%dma_start3A_199 : memref<128x64xbf16, #tpu.memory_space<vmem>>) target(%dma_start3A_205 : memref<10112x64xbf16, #tpu.memory_space<vmem_shared>>) offsets(%dma_start3A_202 : memref<128xi32, #tpu.memory_space<vmem>>) semaphore(%run_scoped3A_195 : memref<!tpu.dma_semaphore, #tpu.memory_space<semaphore_mem>>) {add = true}
        %dma_wait3A_206 = arith.constant 0 : i32
        %dma_wait3A_207 = arith.constant 0 : i32
        %dma_wait3A_208 = tpu.memref_slice %arg7[%run_scoped3A_159, %dma_wait3A_206, %dma_wait3A_207] : memref<2x128x64xbf16, #tpu.memory_space<vmem>> -> memref<1x128x64xbf16, #tpu.memory_space<vmem>>
        %dma_wait3A_209 = tpu.memref_squeeze %dma_wait3A_208 : memref<1x128x64xbf16, #tpu.memory_space<vmem>> -> memref<128x64xbf16, #tpu.memory_space<vmem>>
        %dma_wait3A_210 = arith.constant 0 : i32
        %dma_wait3A_211 = tpu.memref_slice %arg6[%add3A_131, %run_scoped3A_160, %dma_wait3A_210] : memref<80x2x128xi32, #tpu.memory_space<vmem>> -> memref<1x1x128xi32, #tpu.memory_space<vmem>>
        %dma_wait3A_212 = tpu.memref_squeeze %dma_wait3A_211 : memref<1x1x128xi32, #tpu.memory_space<vmem>> -> memref<128xi32, #tpu.memory_space<vmem>>
        %dma_wait3A_213 = arith.constant 0 : i32
        %dma_wait3A_214 = arith.constant 0 : i32
        %dma_wait3A_215 = tpu.memref_slice %arg9[%dma_wait3A_213, %dma_wait3A_214] : memref<10112x64xbf16, #tpu.memory_space<vmem_shared>> -> memref<10112x64xbf16, #tpu.memory_space<vmem_shared>>
        tpu.wait_indirect_dma semaphore(%run_scoped3A_195 : memref<!tpu.dma_semaphore, #tpu.memory_space<semaphore_mem>>) src(%dma_wait3A_209 : memref<128x64xbf16, #tpu.memory_space<vmem>>) dst(%dma_wait3A_215 : memref<10112x64xbf16, #tpu.memory_space<vmem_shared>>)
        tpu.yield
      }) : () -> ()
      %mul3A_161 = arith.constant 2 : i32
      %mul3A_162 = arith.muli %scan3A_128, %mul3A_161 : i32
      %add3A_163 = arith.constant 1 : i32
      %add3A_164 = arith.addi %mul3A_162, %add3A_163 : i32
      %dma_wait3A_165 = arith.constant 0 : i32
      %dma_wait3A_166 = arith.constant 1 : i32
      %dma_wait3A_167 = arith.constant 0 : i32
      %dma_wait3A_168 = arith.constant 0 : i32
      %dma_wait3A_169 = tpu.memref_slice %arg7[%dma_wait3A_166, %dma_wait3A_167, %dma_wait3A_168] : memref<2x128x64xbf16, #tpu.memory_space<vmem>> -> memref<1x128x64xbf16, #tpu.memory_space<vmem>>
      %dma_wait3A_170 = tpu.memref_squeeze %dma_wait3A_169 : memref<1x128x64xbf16, #tpu.memory_space<vmem>> -> memref<128x64xbf16, #tpu.memory_space<vmem>>
      %dma_wait3A_171 = arith.constant 0 : i32
      %dma_wait3A_172 = tpu.memref_slice %arg6[%add3A_164, %dma_wait3A_165, %dma_wait3A_171] : memref<80x2x128xi32, #tpu.memory_space<vmem>> -> memref<1x1x128xi32, #tpu.memory_space<vmem>>
      %dma_wait3A_173 = tpu.memref_squeeze %dma_wait3A_172 : memref<1x1x128xi32, #tpu.memory_space<vmem>> -> memref<128xi32, #tpu.memory_space<vmem>>
      %dma_wait3A_174 = arith.constant 0 : i32
      %dma_wait3A_175 = arith.constant 0 : i32
      %dma_wait3A_176 = tpu.memref_slice %arg8[%dma_wait3A_174, %dma_wait3A_175] : memref<10000x64xbf16, #tpu.memory_space<vmem_shared>> -> memref<10000x64xbf16, #tpu.memory_space<vmem_shared>>
      tpu.wait_indirect_dma semaphore(%arg11 : memref<!tpu.dma_semaphore, #tpu.memory_space<semaphore_mem>>) src(%dma_wait3A_176 : memref<10000x64xbf16, #tpu.memory_space<vmem_shared>>) dst(%dma_wait3A_170 : memref<128x64xbf16, #tpu.memory_space<vmem>>)
      %add3A_177 = arith.constant 2 : i32
      %add3A_178 = arith.addi %add3A_164, %add3A_177 : i32
      %sub3A_179 = arith.constant 1 : i32
      %sub3A_180 = arith.subi %add3A_178, %sub3A_179 : i32
      %dma_start3A_181 = arith.constant 0 : i32
      %dma_start3A_182 = arith.constant 0 : i32
      %dma_start3A_183 = arith.constant 0 : i32
      %dma_start3A_184 = arith.constant 0 : i32
      %dma_start3A_185 = tpu.memref_slice %arg7[%dma_start3A_182, %dma_start3A_183, %dma_start3A_184] : memref<2x128x64xbf16, #tpu.memory_space<vmem>> -> memref<1x128x64xbf16, #tpu.memory_space<vmem>>
      %dma_start3A_186 = tpu.memref_squeeze %dma_start3A_185 : memref<1x128x64xbf16, #tpu.memory_space<vmem>> -> memref<128x64xbf16, #tpu.memory_space<vmem>>
      %dma_start3A_187 = arith.constant 0 : i32
      %dma_start3A_188 = tpu.memref_slice %arg6[%sub3A_180, %dma_start3A_181, %dma_start3A_187] : memref<80x2x128xi32, #tpu.memory_space<vmem>> -> memref<1x1x128xi32, #tpu.memory_space<vmem>>
      %dma_start3A_189 = tpu.memref_squeeze %dma_start3A_188 : memref<1x1x128xi32, #tpu.memory_space<vmem>> -> memref<128xi32, #tpu.memory_space<vmem>>
      %dma_start3A_190 = arith.constant 0 : i32
      %dma_start3A_191 = arith.constant 0 : i32
      %dma_start3A_192 = tpu.memref_slice %arg8[%dma_start3A_190, %dma_start3A_191] : memref<10000x64xbf16, #tpu.memory_space<vmem_shared>> -> memref<10000x64xbf16, #tpu.memory_space<vmem_shared>>
      tpu.enqueue_indirect_dma source(%dma_start3A_192 : memref<10000x64xbf16, #tpu.memory_space<vmem_shared>>) target(%dma_start3A_186 : memref<128x64xbf16, #tpu.memory_space<vmem>>) offsets(%dma_start3A_189 : memref<128xi32, #tpu.memory_space<vmem>>) semaphore(%arg10 : memref<!tpu.dma_semaphore, #tpu.memory_space<semaphore_mem>>)
      %run_scoped3A_193 = arith.constant 1 : i32
      %run_scoped3A_194 = arith.constant 1 : i32
      "tpu.region"() ({
        %run_scoped3A_195 = tpu.sem_alloc : memref<!tpu.dma_semaphore, #tpu.memory_space<semaphore_mem>>
        %dma_start3A_196 = arith.constant 0 : i32
        %dma_start3A_197 = arith.constant 0 : i32
        %dma_start3A_198 = tpu.memref_slice %arg7[%run_scoped3A_193, %dma_start3A_196, %dma_start3A_197] : memref<2x128x64xbf16, #tpu.memory_space<vmem>> -> memref<1x128x64xbf16, #tpu.memory_space<vmem>>
        %dma_start3A_199 = tpu.memref_squeeze %dma_start3A_198 : memref<1x128x64xbf16, #tpu.memory_space<vmem>> -> memref<128x64xbf16, #tpu.memory_space<vmem>>
        %dma_start3A_200 = arith.constant 0 : i32
        %dma_start3A_201 = tpu.memref_slice %arg6[%add3A_164, %run_scoped3A_194, %dma_start3A_200] : memref<80x2x128xi32, #tpu.memory_space<vmem>> -> memref<1x1x128xi32, #tpu.memory_space<vmem>>
        %dma_start3A_202 = tpu.memref_squeeze %dma_start3A_201 : memref<1x1x128xi32, #tpu.memory_space<vmem>> -> memref<128xi32, #tpu.memory_space<vmem>>
        %dma_start3A_203 = arith.constant 0 : i32
        %dma_start3A_204 = arith.constant 0 : i32
        %dma_start3A_205 = tpu.memref_slice %arg9[%dma_start3A_203, %dma_start3A_204] : memref<10112x64xbf16, #tpu.memory_space<vmem_shared>> -> memref<10112x64xbf16, #tpu.memory_space<vmem_shared>>
        tpu.enqueue_indirect_dma source(%dma_start3A_199 : memref<128x64xbf16, #tpu.memory_space<vmem>>) target(%dma_start3A_205 : memref<10112x64xbf16, #tpu.memory_space<vmem_shared>>) offsets(%dma_start3A_202 : memref<128xi32, #tpu.memory_space<vmem>>) semaphore(%run_scoped3A_195 : memref<!tpu.dma_semaphore, #tpu.memory_space<semaphore_mem>>) {add = true}
        %dma_wait3A_206 = arith.constant 0 : i32
        %dma_wait3A_207 = arith.constant 0 : i32
        %dma_wait3A_208 = tpu.memref_slice %arg7[%run_scoped3A_193, %dma_wait3A_206, %dma_wait3A_207] : memref<2x128x64xbf16, #tpu.memory_space<vmem>> -> memref<1x128x64xbf16, #tpu.memory_space<vmem>>
        %dma_wait3A_209 = tpu.memref_squeeze %dma_wait3A_208 : memref<1x128x64xbf16, #tpu.memory_space<vmem>> -> memref<128x64xbf16, #tpu.memory_space<vmem>>
        %dma_wait3A_210 = arith.constant 0 : i32
        %dma_wait3A_211 = tpu.memref_slice %arg6[%add3A_164, %run_scoped3A_194, %dma_wait3A_210] : memref<80x2x128xi32, #tpu.memory_space<vmem>> -> memref<1x1x128xi32, #tpu.memory_space<vmem>>
        %dma_wait3A_212 = tpu.memref_squeeze %dma_wait3A_211 : memref<1x1x128xi32, #tpu.memory_space<vmem>> -> memref<128xi32, #tpu.memory_space<vmem>>
        %dma_wait3A_213 = arith.constant 0 : i32
        %dma_wait3A_214 = arith.constant 0 : i32
        %dma_wait3A_215 = tpu.memref_slice %arg9[%dma_wait3A_213, %dma_wait3A_214] : memref<10112x64xbf16, #tpu.memory_space<vmem_shared>> -> memref<10112x64xbf16, #tpu.memory_space<vmem_shared>>
        tpu.wait_indirect_dma semaphore(%run_scoped3A_195 : memref<!tpu.dma_semaphore, #tpu.memory_space<semaphore_mem>>) src(%dma_wait3A_209 : memref<128x64xbf16, #tpu.memory_space<vmem>>) dst(%dma_wait3A_215 : memref<10112x64xbf16, #tpu.memory_space<vmem_shared>>)
        tpu.yield
      }) : () -> ()
    }
    %scan3A_81 = arith.constant 39 : i32
    %dma_wait3A_82 = arith.constant 78 : i32
    %dma_wait3A_83 = arith.constant 0 : i32
    %dma_wait3A_84 = arith.constant 0 : i32
    %dma_wait3A_85 = arith.constant 0 : i32
    %dma_wait3A_86 = arith.constant 0 : i32
    %dma_wait3A_87 = tpu.memref_slice %arg7[%dma_wait3A_84, %dma_wait3A_85, %dma_wait3A_86] : memref<2x128x64xbf16, #tpu.memory_space<vmem>> -> memref<1x128x64xbf16, #tpu.memory_space<vmem>>
    %dma_wait3A_88 = tpu.memref_squeeze %dma_wait3A_87 : memref<1x128x64xbf16, #tpu.memory_space<vmem>> -> memref<128x64xbf16, #tpu.memory_space<vmem>>
    %dma_wait3A_89 = arith.constant 0 : i32
    %dma_wait3A_90 = tpu.memref_slice %arg6[%dma_wait3A_82, %dma_wait3A_83, %dma_wait3A_89] : memref<80x2x128xi32, #tpu.memory_space<vmem>> -> memref<1x1x128xi32, #tpu.memory_space<vmem>>
    %dma_wait3A_91 = tpu.memref_squeeze %dma_wait3A_90 : memref<1x1x128xi32, #tpu.memory_space<vmem>> -> memref<128xi32, #tpu.memory_space<vmem>>
    %dma_wait3A_92 = arith.constant 0 : i32
    %dma_wait3A_93 = arith.constant 0 : i32
    %dma_wait3A_94 = tpu.memref_slice %arg8[%dma_wait3A_92, %dma_wait3A_93] : memref<10000x64xbf16, #tpu.memory_space<vmem_shared>> -> memref<10000x64xbf16, #tpu.memory_space<vmem_shared>>
    tpu.wait_indirect_dma semaphore(%arg10 : memref<!tpu.dma_semaphore, #tpu.memory_space<semaphore_mem>>) src(%dma_wait3A_94 : memref<10000x64xbf16, #tpu.memory_space<vmem_shared>>) dst(%dma_wait3A_88 : memref<128x64xbf16, #tpu.memory_space<vmem>>)
    %dma_start3A_95 = arith.constant 79 : i32
    %dma_start3A_96 = arith.constant 0 : i32
    %dma_start3A_97 = arith.constant 1 : i32
    %dma_start3A_98 = arith.constant 0 : i32
    %dma_start3A_99 = arith.constant 0 : i32
    %dma_start3A_100 = tpu.memref_slice %arg7[%dma_start3A_97, %dma_start3A_98, %dma_start3A_99] : memref<2x128x64xbf16, #tpu.memory_space<vmem>> -> memref<1x128x64xbf16, #tpu.memory_space<vmem>>
    %dma_start3A_101 = tpu.memref_squeeze %dma_start3A_100 : memref<1x128x64xbf16, #tpu.memory_space<vmem>> -> memref<128x64xbf16, #tpu.memory_space<vmem>>
    %dma_start3A_102 = arith.constant 0 : i32
    %dma_start3A_103 = tpu.memref_slice %arg6[%dma_start3A_95, %dma_start3A_96, %dma_start3A_102] : memref<80x2x128xi32, #tpu.memory_space<vmem>> -> memref<1x1x128xi32, #tpu.memory_space<vmem>>
    %dma_start3A_104 = tpu.memref_squeeze %dma_start3A_103 : memref<1x1x128xi32, #tpu.memory_space<vmem>> -> memref<128xi32, #tpu.memory_space<vmem>>
    %dma_start3A_105 = arith.constant 0 : i32
    %dma_start3A_106 = arith.constant 0 : i32
    %dma_start3A_107 = tpu.memref_slice %arg8[%dma_start3A_105, %dma_start3A_106] : memref<10000x64xbf16, #tpu.memory_space<vmem_shared>> -> memref<10000x64xbf16, #tpu.memory_space<vmem_shared>>
    tpu.enqueue_indirect_dma source(%dma_start3A_107 : memref<10000x64xbf16, #tpu.memory_space<vmem_shared>>) target(%dma_start3A_101 : memref<128x64xbf16, #tpu.memory_space<vmem>>) offsets(%dma_start3A_104 : memref<128xi32, #tpu.memory_space<vmem>>) semaphore(%arg11 : memref<!tpu.dma_semaphore, #tpu.memory_space<semaphore_mem>>)
    %run_scoped3A_108 = arith.constant 0 : i32
    %run_scoped3A_109 = arith.constant 78 : i32
    %run_scoped3A_110 = arith.constant 1 : i32
    "tpu.region"() ({
      %run_scoped3A_128 = tpu.sem_alloc : memref<!tpu.dma_semaphore, #tpu.memory_space<semaphore_mem>>
      %dma_start3A_129 = arith.constant 0 : i32
      %dma_start3A_130 = arith.constant 0 : i32
      %dma_start3A_131 = tpu.memref_slice %arg7[%run_scoped3A_108, %dma_start3A_129, %dma_start3A_130] : memref<2x128x64xbf16, #tpu.memory_space<vmem>> -> memref<1x128x64xbf16, #tpu.memory_space<vmem>>
      %dma_start3A_132 = tpu.memref_squeeze %dma_start3A_131 : memref<1x128x64xbf16, #tpu.memory_space<vmem>> -> memref<128x64xbf16, #tpu.memory_space<vmem>>
      %dma_start3A_133 = arith.constant 0 : i32
      %dma_start3A_134 = tpu.memref_slice %arg6[%run_scoped3A_109, %run_scoped3A_110, %dma_start3A_133] : memref<80x2x128xi32, #tpu.memory_space<vmem>> -> memref<1x1x128xi32, #tpu.memory_space<vmem>>
      %dma_start3A_135 = tpu.memref_squeeze %dma_start3A_134 : memref<1x1x128xi32, #tpu.memory_space<vmem>> -> memref<128xi32, #tpu.memory_space<vmem>>
      %dma_start3A_136 = arith.constant 0 : i32
      %dma_start3A_137 = arith.constant 0 : i32
      %dma_start3A_138 = tpu.memref_slice %arg9[%dma_start3A_136, %dma_start3A_137] : memref<10112x64xbf16, #tpu.memory_space<vmem_shared>> -> memref<10112x64xbf16, #tpu.memory_space<vmem_shared>>
      tpu.enqueue_indirect_dma source(%dma_start3A_132 : memref<128x64xbf16, #tpu.memory_space<vmem>>) target(%dma_start3A_138 : memref<10112x64xbf16, #tpu.memory_space<vmem_shared>>) offsets(%dma_start3A_135 : memref<128xi32, #tpu.memory_space<vmem>>) semaphore(%run_scoped3A_128 : memref<!tpu.dma_semaphore, #tpu.memory_space<semaphore_mem>>) {add = true}
      %dma_wait3A_139 = arith.constant 0 : i32
      %dma_wait3A_140 = arith.constant 0 : i32
      %dma_wait3A_141 = tpu.memref_slice %arg7[%run_scoped3A_108, %dma_wait3A_139, %dma_wait3A_140] : memref<2x128x64xbf16, #tpu.memory_space<vmem>> -> memref<1x128x64xbf16, #tpu.memory_space<vmem>>
      %dma_wait3A_142 = tpu.memref_squeeze %dma_wait3A_141 : memref<1x128x64xbf16, #tpu.memory_space<vmem>> -> memref<128x64xbf16, #tpu.memory_space<vmem>>
      %dma_wait3A_143 = arith.constant 0 : i32
      %dma_wait3A_144 = tpu.memref_slice %arg6[%run_scoped3A_109, %run_scoped3A_110, %dma_wait3A_143] : memref<80x2x128xi32, #tpu.memory_space<vmem>> -> memref<1x1x128xi32, #tpu.memory_space<vmem>>
      %dma_wait3A_145 = tpu.memref_squeeze %dma_wait3A_144 : memref<1x1x128xi32, #tpu.memory_space<vmem>> -> memref<128xi32, #tpu.memory_space<vmem>>
      %dma_wait3A_146 = arith.constant 0 : i32
      %dma_wait3A_147 = arith.constant 0 : i32
      %dma_wait3A_148 = tpu.memref_slice %arg9[%dma_wait3A_146, %dma_wait3A_147] : memref<10112x64xbf16, #tpu.memory_space<vmem_shared>> -> memref<10112x64xbf16, #tpu.memory_space<vmem_shared>>
      tpu.wait_indirect_dma semaphore(%run_scoped3A_128 : memref<!tpu.dma_semaphore, #tpu.memory_space<semaphore_mem>>) src(%dma_wait3A_142 : memref<128x64xbf16, #tpu.memory_space<vmem>>) dst(%dma_wait3A_148 : memref<10112x64xbf16, #tpu.memory_space<vmem_shared>>)
      tpu.yield
    }) : () -> ()
    %dma_wait3A_111 = arith.constant 79 : i32
    %dma_wait3A_112 = arith.constant 0 : i32
    %dma_wait3A_113 = arith.constant 1 : i32
    %dma_wait3A_114 = arith.constant 0 : i32
    %dma_wait3A_115 = arith.constant 0 : i32
    %dma_wait3A_116 = tpu.memref_slice %arg7[%dma_wait3A_113, %dma_wait3A_114, %dma_wait3A_115] : memref<2x128x64xbf16, #tpu.memory_space<vmem>> -> memref<1x128x64xbf16, #tpu.memory_space<vmem>>
    %dma_wait3A_117 = tpu.memref_squeeze %dma_wait3A_116 : memref<1x128x64xbf16, #tpu.memory_space<vmem>> -> memref<128x64xbf16, #tpu.memory_space<vmem>>
    %dma_wait3A_118 = arith.constant 0 : i32
    %dma_wait3A_119 = tpu.memref_slice %arg6[%dma_wait3A_111, %dma_wait3A_112, %dma_wait3A_118] : memref<80x2x128xi32, #tpu.memory_space<vmem>> -> memref<1x1x128xi32, #tpu.memory_space<vmem>>
    %dma_wait3A_120 = tpu.memref_squeeze %dma_wait3A_119 : memref<1x1x128xi32, #tpu.memory_space<vmem>> -> memref<128xi32, #tpu.memory_space<vmem>>
    %dma_wait3A_121 = arith.constant 0 : i32
    %dma_wait3A_122 = arith.constant 0 : i32
    %dma_wait3A_123 = tpu.memref_slice %arg8[%dma_wait3A_121, %dma_wait3A_122] : memref<10000x64xbf16, #tpu.memory_space<vmem_shared>> -> memref<10000x64xbf16, #tpu.memory_space<vmem_shared>>
    tpu.wait_indirect_dma semaphore(%arg11 : memref<!tpu.dma_semaphore, #tpu.memory_space<semaphore_mem>>) src(%dma_wait3A_123 : memref<10000x64xbf16, #tpu.memory_space<vmem_shared>>) dst(%dma_wait3A_117 : memref<128x64xbf16, #tpu.memory_space<vmem>>)
    %run_scoped3A_124 = arith.constant 1 : i32
    %run_scoped3A_125 = arith.constant 79 : i32
    %run_scoped3A_126 = arith.constant 1 : i32
    "tpu.region"() ({
      %run_scoped3A_128 = tpu.sem_alloc : memref<!tpu.dma_semaphore, #tpu.memory_space<semaphore_mem>>
      %dma_start3A_129 = arith.constant 0 : i32
      %dma_start3A_130 = arith.constant 0 : i32
      %dma_start3A_131 = tpu.memref_slice %arg7[%run_scoped3A_124, %dma_start3A_129, %dma_start3A_130] : memref<2x128x64xbf16, #tpu.memory_space<vmem>> -> memref<1x128x64xbf16, #tpu.memory_space<vmem>>
      %dma_start3A_132 = tpu.memref_squeeze %dma_start3A_131 : memref<1x128x64xbf16, #tpu.memory_space<vmem>> -> memref<128x64xbf16, #tpu.memory_space<vmem>>
      %dma_start3A_133 = arith.constant 0 : i32
      %dma_start3A_134 = tpu.memref_slice %arg6[%run_scoped3A_125, %run_scoped3A_126, %dma_start3A_133] : memref<80x2x128xi32, #tpu.memory_space<vmem>> -> memref<1x1x128xi32, #tpu.memory_space<vmem>>
      %dma_start3A_135 = tpu.memref_squeeze %dma_start3A_134 : memref<1x1x128xi32, #tpu.memory_space<vmem>> -> memref<128xi32, #tpu.memory_space<vmem>>
      %dma_start3A_136 = arith.constant 0 : i32
      %dma_start3A_137 = arith.constant 0 : i32
      %dma_start3A_138 = tpu.memref_slice %arg9[%dma_start3A_136, %dma_start3A_137] : memref<10112x64xbf16, #tpu.memory_space<vmem_shared>> -> memref<10112x64xbf16, #tpu.memory_space<vmem_shared>>
      tpu.enqueue_indirect_dma source(%dma_start3A_132 : memref<128x64xbf16, #tpu.memory_space<vmem>>) target(%dma_start3A_138 : memref<10112x64xbf16, #tpu.memory_space<vmem_shared>>) offsets(%dma_start3A_135 : memref<128xi32, #tpu.memory_space<vmem>>) semaphore(%run_scoped3A_128 : memref<!tpu.dma_semaphore, #tpu.memory_space<semaphore_mem>>) {add = true}
      %dma_wait3A_139 = arith.constant 0 : i32
      %dma_wait3A_140 = arith.constant 0 : i32
      %dma_wait3A_141 = tpu.memref_slice %arg7[%run_scoped3A_124, %dma_wait3A_139, %dma_wait3A_140] : memref<2x128x64xbf16, #tpu.memory_space<vmem>> -> memref<1x128x64xbf16, #tpu.memory_space<vmem>>
      %dma_wait3A_142 = tpu.memref_squeeze %dma_wait3A_141 : memref<1x128x64xbf16, #tpu.memory_space<vmem>> -> memref<128x64xbf16, #tpu.memory_space<vmem>>
      %dma_wait3A_143 = arith.constant 0 : i32
      %dma_wait3A_144 = tpu.memref_slice %arg6[%run_scoped3A_125, %run_scoped3A_126, %dma_wait3A_143] : memref<80x2x128xi32, #tpu.memory_space<vmem>> -> memref<1x1x128xi32, #tpu.memory_space<vmem>>
      %dma_wait3A_145 = tpu.memref_squeeze %dma_wait3A_144 : memref<1x1x128xi32, #tpu.memory_space<vmem>> -> memref<128xi32, #tpu.memory_space<vmem>>
      %dma_wait3A_146 = arith.constant 0 : i32
      %dma_wait3A_147 = arith.constant 0 : i32
      %dma_wait3A_148 = tpu.memref_slice %arg9[%dma_wait3A_146, %dma_wait3A_147] : memref<10112x64xbf16, #tpu.memory_space<vmem_shared>> -> memref<10112x64xbf16, #tpu.memory_space<vmem_shared>>
      tpu.wait_indirect_dma semaphore(%run_scoped3A_128 : memref<!tpu.dma_semaphore, #tpu.memory_space<semaphore_mem>>) src(%dma_wait3A_142 : memref<128x64xbf16, #tpu.memory_space<vmem>>) dst(%dma_wait3A_148 : memref<10112x64xbf16, #tpu.memory_space<vmem_shared>>)
      tpu.yield
    }) : () -> ()
    %barrier3A_127 = arith.constant 0 : index
    tpu.barrier barrier_id(%barrier3A_127)
    "tpu.region"() ({
      %run_scoped3A_128 = tpu.sem_alloc : memref<!tpu.dma_semaphore, #tpu.memory_space<semaphore_mem>>
      %dma_start3A_129 = arith.constant 0 : i32
      %dma_start3A_130 = tpu.memref_slice %arg5[%arg0, %mul3A_0, %dma_start3A_129] : memref<2x10112x64xbf16, #tpu.memory_space<hbm>> -> memref<1x632x64xbf16, #tpu.memory_space<hbm>>
      %dma_start3A_131 = tpu.memref_squeeze %dma_start3A_130 : memref<1x632x64xbf16, #tpu.memory_space<hbm>> -> memref<632x64xbf16, #tpu.memory_space<hbm>>
      %dma_start3A_132 = arith.constant 0 : i32
      %dma_start3A_133 = tpu.memref_slice %arg9[%mul3A_0, %dma_start3A_132] : memref<10112x64xbf16, #tpu.memory_space<vmem_shared>> -> memref<632x64xbf16, #tpu.memory_space<vmem_shared>>
      tpu.enqueue_dma source(%dma_start3A_133 : memref<632x64xbf16, #tpu.memory_space<vmem_shared>>) target(%dma_start3A_131 : memref<632x64xbf16, #tpu.memory_space<hbm>>) target_semaphore(%run_scoped3A_128 : memref<!tpu.dma_semaphore, #tpu.memory_space<semaphore_mem>>)
      %dma_wait3A_134 = arith.constant 0 : i32
      %dma_wait3A_135 = tpu.memref_slice %arg5[%arg0, %mul3A_0, %dma_wait3A_134] : memref<2x10112x64xbf16, #tpu.memory_space<hbm>> -> memref<1x632x64xbf16, #tpu.memory_space<hbm>>
      %dma_wait3A_136 = tpu.memref_squeeze %dma_wait3A_135 : memref<1x632x64xbf16, #tpu.memory_space<hbm>> -> memref<632x64xbf16, #tpu.memory_space<hbm>>
      %dma_wait3A_137 = arith.constant 0 : i32
      %dma_wait3A_138 = tpu.memref_slice %arg9[%mul3A_0, %dma_wait3A_137] : memref<10112x64xbf16, #tpu.memory_space<vmem_shared>> -> memref<632x64xbf16, #tpu.memory_space<vmem_shared>>
      tpu.wait_dma2 semaphore(%run_scoped3A_128 : memref<!tpu.dma_semaphore, #tpu.memory_space<semaphore_mem>>) src(%dma_wait3A_138 : memref<632x64xbf16, #tpu.memory_space<vmem_shared>>) dst(%dma_wait3A_136 : memref<632x64xbf16, #tpu.memory_space<hbm>>)
      tpu.yield
    }) : () -> ()
    return
  }
}

module attributes {stable_mosaic.version = 14 : i64} {
  func.func @_tc_body(%arg0: i32, %arg1: memref<2x2000x64xbf16, #tpu.memory_space<vmem>>, %arg2: memref<2x2000x16xf32, #tpu.memory_space<vmem>>, %arg3: memref<2x2000x64xf32, #tpu.memory_space<vmem>>, %arg4: memref<128x128xf32, #tpu.memory_space<vmem>>, %arg5: memref<128x128xf32, #tpu.memory_space<vmem>>, %arg6: memref<1x128xf32, #tpu.memory_space<vmem>>, %arg7: memref<2x2000x64xf32, #tpu.memory_space<vmem>>, %arg8: memref<2x2000x64xbf16, #tpu.memory_space<vmem>>) attributes {dimension_semantics = [#tpu.dimension_semantics<arbitrary>], iteration_bounds = array<i64: 5>, scalar_prefetch = 0 : i64, scratch_operands = 0 : i64, tpu.core_type = #tpu.core_type<tc>, window_params = [{transform_indices = @transform_0, window_bounds = array<i64: 2, 2000, 64>}, {transform_indices = @transform_1, window_bounds = array<i64: 2, 2000, 16>}, {transform_indices = @transform_2, window_bounds = array<i64: 2, 2000, 64>}, {pipeline_mode = #tpu.pipeline_mode<synchronous>, transform_indices = @transform_3, window_bounds = array<i64: 128, 128>}, {pipeline_mode = #tpu.pipeline_mode<synchronous>, transform_indices = @transform_4, window_bounds = array<i64: 128, 128>}, {pipeline_mode = #tpu.pipeline_mode<synchronous>, transform_indices = @transform_5, window_bounds = array<i64: 1, 128>}, {transform_indices = @transform_6, window_bounds = array<i64: 2, 2000, 64>}, {transform_indices = @transform_7, window_bounds = array<i64: 2, 2000, 64>}]} {
    %get3A = arith.constant 0 : index
    %get3A_0 = arith.constant 0 : index
    %get3A_1 = arith.constant 0 : index
    %get3A_2 = vector.load %arg1[%get3A, %get3A_0, %get3A_1] : memref<2x2000x64xbf16, #tpu.memory_space<vmem>>, vector<1x2000x64xbf16>
    %get3A_3 = vector.shape_cast %get3A_2 : vector<1x2000x64xbf16> to vector<2000x64xbf16>
    %get3A_4 = arith.constant 1 : index
    %get3A_5 = arith.constant 0 : index
    %get3A_6 = arith.constant 0 : index
    %get3A_7 = vector.load %arg1[%get3A_4, %get3A_5, %get3A_6] : memref<2x2000x64xbf16, #tpu.memory_space<vmem>>, vector<1x2000x64xbf16>
    %get3A_8 = vector.shape_cast %get3A_7 : vector<1x2000x64xbf16> to vector<2000x64xbf16>
    %concatenate3A = tpu.concatenate %get3A_3, %get3A_8 in 1 : vector<2000x64xbf16>, vector<2000x64xbf16> -> vector<2000x128xbf16>
    %convert_element_type3A = arith.extf %concatenate3A : vector<2000x128xbf16> to vector<2000x128xf32>
    %get3A_9 = arith.constant 0 : index
    %get3A_10 = arith.constant 0 : index
    %get3A_11 = arith.constant 0 : index
    %get3A_12 = vector.load %arg2[%get3A_9, %get3A_10, %get3A_11] : memref<2x2000x16xf32, #tpu.memory_space<vmem>>, vector<1x2000x1xf32>
    %get3A_13 = vector.shape_cast %get3A_12 : vector<1x2000x1xf32> to vector<2000x1xf32>
    %get3A_14 = arith.constant 1 : index
    %get3A_15 = arith.constant 0 : index
    %get3A_16 = arith.constant 0 : index
    %get3A_17 = vector.load %arg2[%get3A_14, %get3A_15, %get3A_16] : memref<2x2000x16xf32, #tpu.memory_space<vmem>>, vector<1x2000x1xf32>
    %get3A_18 = vector.shape_cast %get3A_17 : vector<1x2000x1xf32> to vector<2000x1xf32>
    %add3A = arith.addf %get3A_13, %get3A_18 : vector<2000x1xf32>
    %max3A = arith.constant 1.000000e+00 : f32
    %max3A_19 = vector.broadcast %max3A : f32 to vector<2000x1xf32>
    %max3A_20 = arith.maximumf %add3A, %max3A_19 : vector<2000x1xf32>
    %div3A = vector.broadcast %max3A_20 : vector<2000x1xf32> to vector<2000x128xf32>
    %div3A_21 = arith.divf %convert_element_type3A, %div3A : vector<2000x128xf32>
    %get3A_22 = arith.constant 0 : index
    %get3A_23 = arith.constant 0 : index
    %get3A_24 = arith.constant 0 : index
    %get3A_25 = vector.load %arg3[%get3A_22, %get3A_23, %get3A_24] : memref<2x2000x64xf32, #tpu.memory_space<vmem>>, vector<1x2000x64xf32>
    %get3A_26 = vector.shape_cast %get3A_25 : vector<1x2000x64xf32> to vector<2000x64xf32>
    %get3A_27 = arith.constant 1 : index
    %get3A_28 = arith.constant 0 : index
    %get3A_29 = arith.constant 0 : index
    %get3A_30 = vector.load %arg3[%get3A_27, %get3A_28, %get3A_29] : memref<2x2000x64xf32, #tpu.memory_space<vmem>>, vector<1x2000x64xf32>
    %get3A_31 = vector.shape_cast %get3A_30 : vector<1x2000x64xf32> to vector<2000x64xf32>
    %concatenate3A_32 = tpu.concatenate %get3A_26, %get3A_31 in 1 : vector<2000x64xf32>, vector<2000x64xf32> -> vector<2000x128xf32>
    %get3A_33 = arith.constant 0 : index
    %get3A_34 = arith.constant 0 : index
    %get3A_35 = vector.load %arg4[%get3A_33, %get3A_34] : memref<128x128xf32, #tpu.memory_space<vmem>>, vector<128x128xf32>
    %dot_general3A = arith.constant dense<0.000000e+00> : vector<2000x128xf32>
    %dot_general3A_36 = tpu.matmul %div3A_21, %get3A_35, %dot_general3A {dimension_numbers = #tpu.dot_dimension_numbers<[1], [0], [0], [1], [0, 0, 1, 1], [], []>, transpose_lhs_hint = false} : vector<2000x128xf32>, vector<128x128xf32>, vector<2000x128xf32> -> vector<2000x128xf32>
    %get3A_37 = arith.constant 0 : index
    %get3A_38 = arith.constant 0 : index
    %get3A_39 = vector.load %arg5[%get3A_37, %get3A_38] : memref<128x128xf32, #tpu.memory_space<vmem>>, vector<128x128xf32>
    %dot_general3A_40 = arith.constant dense<0.000000e+00> : vector<2000x128xf32>
    %dot_general3A_41 = tpu.matmul %concatenate3A_32, %get3A_39, %dot_general3A_40 {dimension_numbers = #tpu.dot_dimension_numbers<[1], [0], [0], [1], [0, 0, 1, 1], [], []>, transpose_lhs_hint = false} : vector<2000x128xf32>, vector<128x128xf32>, vector<2000x128xf32> -> vector<2000x128xf32>
    %add3A_42 = arith.addf %dot_general3A_36, %dot_general3A_41 : vector<2000x128xf32>
    %get3A_43 = arith.constant 0 : index
    %get3A_44 = arith.constant 0 : index
    %get3A_45 = vector.load %arg6[%get3A_43, %get3A_44] : memref<1x128xf32, #tpu.memory_space<vmem>>, vector<1x128xf32>
    %add3A_46 = vector.broadcast %get3A_45 : vector<1x128xf32> to vector<2000x128xf32>
    %add3A_47 = arith.addf %add3A_42, %add3A_46 : vector<2000x128xf32>
    %gt3A = arith.constant 0.000000e+00 : f32
    %gt3A_48 = vector.broadcast %gt3A : f32 to vector<2000x128xf32>
    %gt3A_49 = arith.cmpf ogt, %add3A_47, %gt3A_48 : vector<2000x128xf32>
    %min3A = arith.constant 0.000000e+00 : f32
    %min3A_50 = vector.broadcast %min3A : f32 to vector<2000x128xf32>
    %min3A_51 = arith.minimumf %add3A_47, %min3A_50 : vector<2000x128xf32>
    %exp3A = math.exp %min3A_51 : vector<2000x128xf32>
    %sub3A = arith.constant 1.000000e+00 : f32
    %sub3A_52 = vector.broadcast %sub3A : f32 to vector<2000x128xf32>
    %sub3A_53 = arith.subf %exp3A, %sub3A_52 : vector<2000x128xf32>
    %select_n3A = arith.select %gt3A_49, %add3A_47, %sub3A_53 : vector<2000x128xi1>, vector<2000x128xf32>
    %slice3A = vector.extract_strided_slice %select_n3A {offsets = [0, 0], sizes = [2000, 64], strides = [1, 1]} : vector<2000x128xf32> to vector<2000x64xf32>
    %swap3A = arith.constant 0 : index
    %swap3A_54 = arith.constant 0 : index
    %swap3A_55 = arith.constant 0 : index
    %swap3A_56 = vector.load %arg7[%swap3A, %swap3A_54, %swap3A_55] : memref<2x2000x64xf32, #tpu.memory_space<vmem>>, vector<1x2000x64xf32>
    %swap3A_57 = vector.shape_cast %swap3A_56 : vector<1x2000x64xf32> to vector<2000x64xf32>
    %swap3A_58 = vector.shape_cast %slice3A : vector<2000x64xf32> to vector<1x2000x64xf32>
    tpu.vector_store %arg7[%swap3A, %swap3A_54, %swap3A_55], %swap3A_58 {strides = array<i32>} : memref<2x2000x64xf32, #tpu.memory_space<vmem>>, vector<1x2000x64xf32>,
    %slice3A_59 = vector.extract_strided_slice %select_n3A {offsets = [0, 64], sizes = [2000, 64], strides = [1, 1]} : vector<2000x128xf32> to vector<2000x64xf32>
    %swap3A_60 = arith.constant 1 : index
    %swap3A_61 = arith.constant 0 : index
    %swap3A_62 = arith.constant 0 : index
    %swap3A_63 = vector.load %arg7[%swap3A_60, %swap3A_61, %swap3A_62] : memref<2x2000x64xf32, #tpu.memory_space<vmem>>, vector<1x2000x64xf32>
    %swap3A_64 = vector.shape_cast %swap3A_63 : vector<1x2000x64xf32> to vector<2000x64xf32>
    %swap3A_65 = vector.shape_cast %slice3A_59 : vector<2000x64xf32> to vector<1x2000x64xf32>
    tpu.vector_store %arg7[%swap3A_60, %swap3A_61, %swap3A_62], %swap3A_65 {strides = array<i32>} : memref<2x2000x64xf32, #tpu.memory_space<vmem>>, vector<1x2000x64xf32>,
    %convert_element_type3A_66 = arith.truncf %select_n3A : vector<2000x128xf32> to vector<2000x128xbf16>
    %slice3A_67 = vector.extract_strided_slice %convert_element_type3A_66 {offsets = [0, 0], sizes = [2000, 64], strides = [1, 1]} : vector<2000x128xbf16> to vector<2000x64xbf16>
    %swap3A_68 = arith.constant 0 : index
    %swap3A_69 = arith.constant 0 : index
    %swap3A_70 = arith.constant 0 : index
    %swap3A_71 = vector.load %arg8[%swap3A_68, %swap3A_69, %swap3A_70] : memref<2x2000x64xbf16, #tpu.memory_space<vmem>>, vector<1x2000x64xbf16>
    %swap3A_72 = vector.shape_cast %swap3A_71 : vector<1x2000x64xbf16> to vector<2000x64xbf16>
    %swap3A_73 = vector.shape_cast %slice3A_67 : vector<2000x64xbf16> to vector<1x2000x64xbf16>
    tpu.vector_store %arg8[%swap3A_68, %swap3A_69, %swap3A_70], %swap3A_73 {strides = array<i32>} : memref<2x2000x64xbf16, #tpu.memory_space<vmem>>, vector<1x2000x64xbf16>,
    %slice3A_74 = vector.extract_strided_slice %convert_element_type3A_66 {offsets = [0, 64], sizes = [2000, 64], strides = [1, 1]} : vector<2000x128xbf16> to vector<2000x64xbf16>
    %swap3A_75 = arith.constant 1 : index
    %swap3A_76 = arith.constant 0 : index
    %swap3A_77 = arith.constant 0 : index
    %swap3A_78 = vector.load %arg8[%swap3A_75, %swap3A_76, %swap3A_77] : memref<2x2000x64xbf16, #tpu.memory_space<vmem>>, vector<1x2000x64xbf16>
    %swap3A_79 = vector.shape_cast %swap3A_78 : vector<1x2000x64xbf16> to vector<2000x64xbf16>
    %swap3A_80 = vector.shape_cast %slice3A_74 : vector<2000x64xbf16> to vector<1x2000x64xbf16>
    tpu.vector_store %arg8[%swap3A_75, %swap3A_76, %swap3A_77], %swap3A_80 {strides = array<i32>} : memref<2x2000x64xbf16, #tpu.memory_space<vmem>>, vector<1x2000x64xbf16>,
    return
  }
  func.func @transform_0(%arg0: i32) -> (i32, i32, i32) {
    %c0_i32 = arith.constant 0 : i32
    %c0_i32_0 = arith.constant 0 : i32
    %c0_i32_1 = arith.constant 0 : i32
    return %c0_i32, %arg0, %c0_i32_0 : i32, i32, i32
  }
  func.func @transform_1(%arg0: i32) -> (i32, i32, i32) {
    %c0_i32 = arith.constant 0 : i32
    %c0_i32_0 = arith.constant 0 : i32
    %c0_i32_1 = arith.constant 0 : i32
    return %c0_i32, %arg0, %c0_i32_0 : i32, i32, i32
  }
  func.func @transform_2(%arg0: i32) -> (i32, i32, i32) {
    %c0_i32 = arith.constant 0 : i32
    %c0_i32_0 = arith.constant 0 : i32
    %c0_i32_1 = arith.constant 0 : i32
    return %c0_i32, %arg0, %c0_i32_0 : i32, i32, i32
  }
  func.func @transform_3(%arg0: i32) -> (i32, i32) {
    %c0_i32 = arith.constant 0 : i32
    %c0_i32_0 = arith.constant 0 : i32
    %c0_i32_1 = arith.constant 0 : i32
    return %c0_i32, %c0_i32_0 : i32, i32
  }
  func.func @transform_4(%arg0: i32) -> (i32, i32) {
    %c0_i32 = arith.constant 0 : i32
    %c0_i32_0 = arith.constant 0 : i32
    %c0_i32_1 = arith.constant 0 : i32
    return %c0_i32, %c0_i32_0 : i32, i32
  }
  func.func @transform_5(%arg0: i32) -> (i32, i32) {
    %c0_i32 = arith.constant 0 : i32
    %c0_i32_0 = arith.constant 0 : i32
    %c0_i32_1 = arith.constant 0 : i32
    return %c0_i32, %c0_i32_0 : i32, i32
  }
  func.func @transform_6(%arg0: i32) -> (i32, i32, i32) {
    %c0_i32 = arith.constant 0 : i32
    %c0_i32_0 = arith.constant 0 : i32
    %c0_i32_1 = arith.constant 0 : i32
    return %c0_i32, %arg0, %c0_i32_0 : i32, i32, i32
  }
  func.func @transform_7(%arg0: i32) -> (i32, i32, i32) {
    %c0_i32 = arith.constant 0 : i32
    %c0_i32_0 = arith.constant 0 : i32
    %c0_i32_1 = arith.constant 0 : i32
    return %c0_i32, %arg0, %c0_i32_0 : i32, i32, i32
  }
}

module attributes {stable_mosaic.version = 14 : i64} {
  func.func @_tc_body(%arg0: i32, %arg1: memref<2x2000x64xbf16, #tpu.memory_space<vmem>>, %arg2: memref<2x2000x16xf32, #tpu.memory_space<vmem>>, %arg3: memref<2x2000x64xf32, #tpu.memory_space<vmem>>, %arg4: memref<128x128xf32, #tpu.memory_space<vmem>>, %arg5: memref<128x128xf32, #tpu.memory_space<vmem>>, %arg6: memref<1x128xf32, #tpu.memory_space<vmem>>, %arg7: memref<2000x128xf32, #tpu.memory_space<vmem>>) attributes {dimension_semantics = [#tpu.dimension_semantics<arbitrary>], iteration_bounds = array<i64: 5>, scalar_prefetch = 0 : i64, scratch_operands = 0 : i64, tpu.core_type = #tpu.core_type<tc>, window_params = [{transform_indices = @transform_0, window_bounds = array<i64: 2, 2000, 64>}, {transform_indices = @transform_1, window_bounds = array<i64: 2, 2000, 16>}, {transform_indices = @transform_2, window_bounds = array<i64: 2, 2000, 64>}, {pipeline_mode = #tpu.pipeline_mode<synchronous>, transform_indices = @transform_3, window_bounds = array<i64: 128, 128>}, {pipeline_mode = #tpu.pipeline_mode<synchronous>, transform_indices = @transform_4, window_bounds = array<i64: 128, 128>}, {pipeline_mode = #tpu.pipeline_mode<synchronous>, transform_indices = @transform_5, window_bounds = array<i64: 1, 128>}, {transform_indices = @transform_6, window_bounds = array<i64: 2000, 128>}]} {
    %get3A = arith.constant 0 : index
    %get3A_0 = arith.constant 0 : index
    %get3A_1 = arith.constant 0 : index
    %get3A_2 = vector.load %arg1[%get3A, %get3A_0, %get3A_1] : memref<2x2000x64xbf16, #tpu.memory_space<vmem>>, vector<1x2000x64xbf16>
    %get3A_3 = vector.shape_cast %get3A_2 : vector<1x2000x64xbf16> to vector<2000x64xbf16>
    %get3A_4 = arith.constant 1 : index
    %get3A_5 = arith.constant 0 : index
    %get3A_6 = arith.constant 0 : index
    %get3A_7 = vector.load %arg1[%get3A_4, %get3A_5, %get3A_6] : memref<2x2000x64xbf16, #tpu.memory_space<vmem>>, vector<1x2000x64xbf16>
    %get3A_8 = vector.shape_cast %get3A_7 : vector<1x2000x64xbf16> to vector<2000x64xbf16>
    %concatenate3A = tpu.concatenate %get3A_3, %get3A_8 in 1 : vector<2000x64xbf16>, vector<2000x64xbf16> -> vector<2000x128xbf16>
    %convert_element_type3A = arith.extf %concatenate3A : vector<2000x128xbf16> to vector<2000x128xf32>
    %get3A_9 = arith.constant 0 : index
    %get3A_10 = arith.constant 0 : index
    %get3A_11 = arith.constant 0 : index
    %get3A_12 = vector.load %arg2[%get3A_9, %get3A_10, %get3A_11] : memref<2x2000x16xf32, #tpu.memory_space<vmem>>, vector<1x2000x1xf32>
    %get3A_13 = vector.shape_cast %get3A_12 : vector<1x2000x1xf32> to vector<2000x1xf32>
    %get3A_14 = arith.constant 1 : index
    %get3A_15 = arith.constant 0 : index
    %get3A_16 = arith.constant 0 : index
    %get3A_17 = vector.load %arg2[%get3A_14, %get3A_15, %get3A_16] : memref<2x2000x16xf32, #tpu.memory_space<vmem>>, vector<1x2000x1xf32>
    %get3A_18 = vector.shape_cast %get3A_17 : vector<1x2000x1xf32> to vector<2000x1xf32>
    %add3A = arith.addf %get3A_13, %get3A_18 : vector<2000x1xf32>
    %max3A = arith.constant 1.000000e+00 : f32
    %max3A_19 = vector.broadcast %max3A : f32 to vector<2000x1xf32>
    %max3A_20 = arith.maximumf %add3A, %max3A_19 : vector<2000x1xf32>
    %div3A = vector.broadcast %max3A_20 : vector<2000x1xf32> to vector<2000x128xf32>
    %div3A_21 = arith.divf %convert_element_type3A, %div3A : vector<2000x128xf32>
    %get3A_22 = arith.constant 0 : index
    %get3A_23 = arith.constant 0 : index
    %get3A_24 = arith.constant 0 : index
    %get3A_25 = vector.load %arg3[%get3A_22, %get3A_23, %get3A_24] : memref<2x2000x64xf32, #tpu.memory_space<vmem>>, vector<1x2000x64xf32>
    %get3A_26 = vector.shape_cast %get3A_25 : vector<1x2000x64xf32> to vector<2000x64xf32>
    %get3A_27 = arith.constant 1 : index
    %get3A_28 = arith.constant 0 : index
    %get3A_29 = arith.constant 0 : index
    %get3A_30 = vector.load %arg3[%get3A_27, %get3A_28, %get3A_29] : memref<2x2000x64xf32, #tpu.memory_space<vmem>>, vector<1x2000x64xf32>
    %get3A_31 = vector.shape_cast %get3A_30 : vector<1x2000x64xf32> to vector<2000x64xf32>
    %concatenate3A_32 = tpu.concatenate %get3A_26, %get3A_31 in 1 : vector<2000x64xf32>, vector<2000x64xf32> -> vector<2000x128xf32>
    %get3A_33 = arith.constant 0 : index
    %get3A_34 = arith.constant 0 : index
    %get3A_35 = vector.load %arg4[%get3A_33, %get3A_34] : memref<128x128xf32, #tpu.memory_space<vmem>>, vector<128x128xf32>
    %dot_general3A = arith.constant dense<0.000000e+00> : vector<2000x128xf32>
    %dot_general3A_36 = tpu.matmul %div3A_21, %get3A_35, %dot_general3A {dimension_numbers = #tpu.dot_dimension_numbers<[1], [0], [0], [1], [0, 0, 1, 1], [], []>, transpose_lhs_hint = false} : vector<2000x128xf32>, vector<128x128xf32>, vector<2000x128xf32> -> vector<2000x128xf32>
    %get3A_37 = arith.constant 0 : index
    %get3A_38 = arith.constant 0 : index
    %get3A_39 = vector.load %arg5[%get3A_37, %get3A_38] : memref<128x128xf32, #tpu.memory_space<vmem>>, vector<128x128xf32>
    %dot_general3A_40 = arith.constant dense<0.000000e+00> : vector<2000x128xf32>
    %dot_general3A_41 = tpu.matmul %concatenate3A_32, %get3A_39, %dot_general3A_40 {dimension_numbers = #tpu.dot_dimension_numbers<[1], [0], [0], [1], [0, 0, 1, 1], [], []>, transpose_lhs_hint = false} : vector<2000x128xf32>, vector<128x128xf32>, vector<2000x128xf32> -> vector<2000x128xf32>
    %add3A_42 = arith.addf %dot_general3A_36, %dot_general3A_41 : vector<2000x128xf32>
    %get3A_43 = arith.constant 0 : index
    %get3A_44 = arith.constant 0 : index
    %get3A_45 = vector.load %arg6[%get3A_43, %get3A_44] : memref<1x128xf32, #tpu.memory_space<vmem>>, vector<1x128xf32>
    %add3A_46 = vector.broadcast %get3A_45 : vector<1x128xf32> to vector<2000x128xf32>
    %add3A_47 = arith.addf %add3A_42, %add3A_46 : vector<2000x128xf32>
    %reduce_max3A = arith.constant dense<0xFF800000> : vector<2000xf32>
    %reduce_max3A_48 = vector.multi_reduction <maximumf>, %add3A_47, %reduce_max3A [1] : vector<2000x128xf32> to vector<2000xf32>
    %broadcast_in_dim3A = vector.shape_cast %reduce_max3A_48 : vector<2000xf32> to vector<2000x1xf32>
    %sub3A = vector.broadcast %broadcast_in_dim3A : vector<2000x1xf32> to vector<2000x128xf32>
    %sub3A_49 = arith.subf %add3A_47, %sub3A : vector<2000x128xf32>
    %exp3A = math.exp %sub3A_49 : vector<2000x128xf32>
    %reduce_sum3A = arith.constant dense<0.000000e+00> : vector<2000xf32>
    %reduce_sum3A_50 = vector.multi_reduction <add>, %exp3A, %reduce_sum3A [1] : vector<2000x128xf32> to vector<2000xf32>
    %broadcast_in_dim3A_51 = vector.shape_cast %reduce_sum3A_50 : vector<2000xf32> to vector<2000x1xf32>
    %log3A = math.log %broadcast_in_dim3A_51 : vector<2000x1xf32>
    %sub3A_52 = vector.broadcast %log3A : vector<2000x1xf32> to vector<2000x128xf32>
    %sub3A_53 = arith.subf %sub3A_49, %sub3A_52 : vector<2000x128xf32>
    %swap3A = arith.constant 0 : index
    %swap3A_54 = arith.constant 0 : index
    %swap3A_55 = vector.load %arg7[%swap3A, %swap3A_54] : memref<2000x128xf32, #tpu.memory_space<vmem>>, vector<2000x128xf32>
    tpu.vector_store %arg7[%swap3A, %swap3A_54], %sub3A_53 {strides = array<i32>} : memref<2000x128xf32, #tpu.memory_space<vmem>>, vector<2000x128xf32>,
    return
  }
  func.func @transform_0(%arg0: i32) -> (i32, i32, i32) {
    %c0_i32 = arith.constant 0 : i32
    %c0_i32_0 = arith.constant 0 : i32
    %c0_i32_1 = arith.constant 0 : i32
    return %c0_i32, %arg0, %c0_i32_0 : i32, i32, i32
  }
  func.func @transform_1(%arg0: i32) -> (i32, i32, i32) {
    %c0_i32 = arith.constant 0 : i32
    %c0_i32_0 = arith.constant 0 : i32
    %c0_i32_1 = arith.constant 0 : i32
    return %c0_i32, %arg0, %c0_i32_0 : i32, i32, i32
  }
  func.func @transform_2(%arg0: i32) -> (i32, i32, i32) {
    %c0_i32 = arith.constant 0 : i32
    %c0_i32_0 = arith.constant 0 : i32
    %c0_i32_1 = arith.constant 0 : i32
    return %c0_i32, %arg0, %c0_i32_0 : i32, i32, i32
  }
  func.func @transform_3(%arg0: i32) -> (i32, i32) {
    %c0_i32 = arith.constant 0 : i32
    %c0_i32_0 = arith.constant 0 : i32
    %c0_i32_1 = arith.constant 0 : i32
    return %c0_i32, %c0_i32_0 : i32, i32
  }
  func.func @transform_4(%arg0: i32) -> (i32, i32) {
    %c0_i32 = arith.constant 0 : i32
    %c0_i32_0 = arith.constant 0 : i32
    %c0_i32_1 = arith.constant 0 : i32
    return %c0_i32, %c0_i32_0 : i32, i32
  }
  func.func @transform_5(%arg0: i32) -> (i32, i32) {
    %c0_i32 = arith.constant 0 : i32
    %c0_i32_0 = arith.constant 0 : i32
    %c0_i32_1 = arith.constant 0 : i32
    return %c0_i32, %c0_i32_0 : i32, i32
  }
  func.func @transform_6(%arg0: i32) -> (i32, i32) {
    %c0_i32 = arith.constant 0 : i32
    %c0_i32_0 = arith.constant 0 : i32
    return %arg0, %c0_i32 : i32, i32
  }
}

</mosaic_0001>

<sc_bundles>
// kernel: kernel.12.cloned.1.call-start
scs
__scs_entry_jumppad:
0x0: {  	(pc) =	sbr.rel $0x88, $3  }
0x1: {  	(tag) =	ssettag $0x0;
	lr =	simm.s32 $0x1  }
0x2: {  	[smem:$0x3F96] =	sst lr;
	_ =	strace $0xD0000000  }
0x3: {  	_ = 	snop  }
0x4: {  	_ = 	snop  }
0x5: {  	_ = 	snop  }
0x6: {  	_ = 	snop  }
0x7: {  	_ = 	snop  }
__scs_overlays_trampoline_lowered:
0x8: {  	[smem:$0x3FA5] =	sst s0  }
0x9: {  	[smem:$0x3FA6] =	sst s1  }
0xa: {  	[smem:$0x3FA7] =	sst s2  }
0xb: {  	[smem:$0x3FA8] =	sst s3  }
0xc: {  	[smem:$0x3FA9] =	sst s4  }
0xd: {  	[smem:$0x3FAA] =	sst s5  }
0xe: {  	[smem:$0x3FAB] =	sst s6  }
0xf: {  	[smem:$0x3FAC] =	sst s7  }
0x10: {  	[smem:$0x3FAD] =	sst s8  }
0x11: {  	[smem:$0x3FAE] =	sst s9;
	s0 =	simm.s32 @!p0 $0x0  }
0x12: {  	s1 =	sld [smem:$0x3F94];
	s0 =	simm.s32 @p0 $0x1  }
0x13: {  	[smem:$0x3FAF] =	sst s0;
	s0 =	simm.s32 @!p1 $0x0  }
0x14: {  	s2 =	sld [smem:$0x3F93];
	s0 =	simm.s32 @p1 $0x1  }
0x15: {  	[smem:$0x3FB0] =	sst s0;
	s0 =	simm.s32 @!p2 $0x0  }
0x16: {  	s3 =	sld [smem:$0x3FDB];
	s0 =	simm.s32 @p2 $0x1  }
0x17: {  	s4 =	simm.s32 $0x1BF5;
	[smem:$0x3FB2] =	sst s0  }
0x18: {  	s0 =	sld [smem:$0x3F95];
	_ =	swait.ge [sflag:s4], $0x0  }
0x19: {  	s7 =	sld [smem:$0x3F96]  }
0x1a: {  	s8 =	sadd.s32 $0xFFFFE003, lr  }
0x1b: {  	s9 =	sadd.s32 $0xFFFFFEF7, lr;
	s5 =	simm.s32 $0xFFFFFFFF;
	p2 =	slt.u32 s8, $0xFFFFF086  }
0x1c: {  	p1 =	slt.u32 s9, $0xF7A;
	s5 =	simm.s32 @!p2 $0x0  }
0x1d: {  	s5 =	simm.s32 @p1 $0x1;
	p0 =	seq.s32 s7, s2  }
0x1e: {  	s7 =	smul.u32 @!p0 $0xF7A, s2;
	p2 =	seq.s32 @!p0 s5, $0x0  }
0x1f: {  	s9 =	smul.u32 $0xF7A, s1;
	s8 =	simm.s32 @!p0 $0x1BF5;
	p2 =	por !p2, p0  }
0x20: {  	[sflag:s8] =	ssyncset.s32 @!p0 $0xFFFFF086;
	s6 =	sadd.s32 @!p0 s3, s7;
	s7 =	simm.s32 @!p0 $0x108  }
0x21: {  	s3 =	sadd.s32 s3, s9;
	s6 =	sadd.s32 @!p0 $0x88, s6;
	s7 =	simm.s32 @p2 $0x1082  }
0x22: {  	[simem:s7], [sflag:s8] =	dma.local @!p0 [hbm:s6], $0xF7A  }
0x23: {  	s9 =	sor.u32 $0xD0000000, s2;
	s6 =	simm.s32 $0x108;
	_ =	swait.ge @!p0 [sflag:s8], $0x0  }
0x24: {  	s3 =	sadd.s32 $0x88, s3;
	s6 =	simm.s32 @!p1 $0x1082;
	[sflag:s4] =	ssyncset.s32 $0xFFFFF086  }
0x25: {  	[simem:s6], [sflag:s4] =	dma.local [hbm:s3], $0xF7A  }
0x26: {  	[smem:$0x3F96] =	sst s1;
	(tag) =	ssettag s2;
	_ =	strace s9  }
0x27: {  	s1 =	sld [smem:$0x3FA6]  }
0x28: {  	s2 =	sld [smem:$0x3FA7]  }
0x29: {  	s4 =	sld [smem:$0x3FA9]  }
0x2a: {  	p0 =	seq.s32 s5, $0x0;
	s5 =	sld [smem:$0x3FAA]  }
0x2b: {  	s6 =	sld [smem:$0x3FAB]  }
0x2c: {  	s7 =	sld [smem:$0x3FAC]  }
0x2d: {  	s3 =	simm.s32 $0x108;
	s8 =	sld [smem:$0x3FAD]  }
0x2e: {  	s3 =	simm.s32 @!p0 $0x1082;
	s9 =	sld [smem:$0x3FAE]  }
0x2f: {  	lr =	sadd.s32 s0, s3;
	s0 =	sld [smem:$0x3FA5]  }
0x30: {  	s3 =	sld [smem:$0x3FA8]  }
0x31: {  	[smem:$0x3FB1] =	sst s10  }
0x32: {  	s10 =	sld [smem:$0x3FAF];
	_ =	sdelay $0x3  }
0x33: {  	p0 =	seq.s32 s10, $0x1;
	s10 =	sld [smem:$0x3FB1];
	_ =	sdelay $0x3  }
0x34: {  	[smem:$0x3FB1] =	sst s10  }
0x35: {  	s10 =	sld [smem:$0x3FB0];
	_ =	sdelay $0x3  }
0x36: {  	p1 =	seq.s32 s10, $0x1;
	s10 =	sld [smem:$0x3FB1];
	_ =	sdelay $0x3  }
0x37: {  	[smem:$0x3FB1] =	sst s10  }
0x38: {  	s10 =	sld [smem:$0x3FB2]  }
0x39: {  	_ = 	snop;
	(pc) =	sbr.ind lr, $3  }
0x3a: {  	_ = 	snop  }
0x3b: {  	_ = 	snop  }
0x3c: {  	p2 =	seq.s32 s10, $0x1;
	s10 =	sld [smem:$0x3FB1]  }
0x3d: {  	_ =	shalt  }
0x3e: {  	_ =	shalt  }
0x3f: {  	_ =	shalt  }
0x40: {  	_ =	shalt  }
0x41: {  	_ =	shalt  }
0x42: {  	_ =	shalt  }
0x43: {  	_ =	shalt  }
0x44: {  	_ =	shalt  }
0x45: {  	_ =	shalt  }
0x46: {  	_ =	shalt  }
0x47: {  	_ =	shalt  }
0x48: {  	_ =	shalt  }
0x49: {  	_ =	shalt  }
0x4a: {  	_ =	shalt  }
0x4b: {  	_ =	shalt  }
0x4c: {  	_ =	shalt  }
0x4d: {  	_ =	shalt  }
0x4e: {  	_ =	shalt  }
0x4f: {  	_ =	shalt  }
0x50: {  	_ =	shalt  }
0x51: {  	_ =	shalt  }
0x52: {  	_ =	shalt  }
0x53: {  	_ =	shalt  }
0x54: {  	_ =	shalt  }
0x55: {  	_ =	shalt  }
0x56: {  	_ =	shalt  }
0x57: {  	_ =	shalt  }
0x58: {  	_ =	shalt  }
0x59: {  	_ =	shalt  }
0x5a: {  	_ =	shalt  }
0x5b: {  	_ =	shalt  }
0x5c: {  	_ =	shalt  }
0x5d: {  	_ =	shalt  }
0x5e: {  	_ =	shalt  }
0x5f: {  	_ =	shalt  }
0x60: {  	_ =	shalt  }
0x61: {  	_ =	shalt  }
0x62: {  	_ =	shalt  }
0x63: {  	_ =	shalt  }
0x64: {  	_ =	shalt  }
0x65: {  	_ =	shalt  }
0x66: {  	_ =	shalt  }
0x67: {  	_ =	shalt  }
0x68: {  	_ =	shalt  }
0x69: {  	_ =	shalt  }
0x6a: {  	_ =	shalt  }
0x6b: {  	_ =	shalt  }
0x6c: {  	_ =	shalt  }
0x6d: {  	_ =	shalt  }
0x6e: {  	_ =	shalt  }
0x6f: {  	_ =	shalt  }
0x70: {  	_ =	shalt  }
0x71: {  	_ =	shalt  }
0x72: {  	_ =	shalt  }
0x73: {  	_ =	shalt  }
0x74: {  	_ =	shalt  }
0x75: {  	_ =	shalt  }
0x76: {  	_ =	shalt  }
0x77: {  	_ =	shalt  }
0x78: {  	_ =	shalt  }
0x79: {  	_ =	shalt  }
0x7a: {  	_ =	shalt  }
0x7b: {  	_ =	shalt  }
0x7c: {  	_ =	shalt  }
0x7d: {  	_ =	shalt  }
0x7e: {  	_ =	shalt  }
0x7f: {  	_ =	shalt  }
0x80: {  	_ =	shalt  }
0x81: {  	_ =	shalt  }
0x82: {  	_ =	shalt  }
0x83: {  	_ =	shalt  }
0x84: {  	_ =	shalt  }
0x85: {  	_ =	shalt  }
0x86: {  	_ =	shalt  }
0x87: {  	_ =	shalt  }
.Lfunc_end0:
.L_simem_size_0:
called_computation.1_lowered:
.L_overlay_start_0:
0x88: {  	s2 =	sld [smem:$0x3FD9]  }
0x89: {  	s3 =	sld [smem:$0x3FFE];
	_ =	sdelay $0x1  }
0x8a: {  	s1 =	srdreg.scid  }
0x8b: {  	s0 =	sand.u32 $0x1, s1  }
0x8c: {  	s17 =	sshll.u32 s0, $0xA;
	s2 =	sadd.s32 s3, s2  }
0x8d: {  	s2 =	sadd.s32 s2, s17  }
0x8e: {  	[smem:$0x3FBD] =	sst s2  }
0x8f: {  	_ = 	snop  }
0x90: {  	s2 =	sld [smem:$0x3FD0];
	(tm) =	ssettm $0x1  }
0x91: {  	s18 =	sld [smem:$0x3FFB];
	_ =	sdelay $0x3  }
0x92: {  	_ =	strace s18  }
0x93: {  	s3 =	sld [smem:$0x3FFC];
	_ =	sdelay $0x3  }
0x94: {  	_ =	strace s3  }
0x95: {  	s3 =	sld [smem:$0x3FFD];
	_ =	sdelay $0x3  }
0x96: {  	_ =	strace s3  }
0x97: {  	_ =	strace $0x8FFFFFFF  }
0x98: {  	s19 =	sld [smem:$0x3FDB];
	_ =	sdelay $0x1  }
0x99: {  	s4 =	simm.s32 $_scs_section_size  }
0x9a: {  	s5 =	simm.s32 $_size__tile_overlayer_lowered;
	s6 =	simm.s32 $_tile_overlayer_lowered  }
0x9b: {  	s22 =	simm.s32 $0x1BFF;
	s21 =	sshll.u32 s6, $0x1;
	s3 =	sadd.s32 s4, s19  }
0x9c: {  	s7 =	simm.s32 $0x0;
	s20 =	sshll.u32 s5, $0x1;
	s5 =	sadd.s32 s21, s3  }
0x9d: {  	[timem:s7], [sflag:s22] =	dma.local [hbm:s5], s20  }
0x9e: {  	_ =	swait.ge [sflag:s22], s20  }
0x9f: {  	s4 =	ssub.s32 $0x0, s20;
	[sflag:s22] =	ssyncset.done $0x0  }
0xa0: {  	[sflag:s22] =	ssyncadd.s32 s4;
	_ =	sdelay $0x1  }
0xa1: {  	s23 =	simm.s32 $0x1B8B  }
0xa2: {  	_ =	swait.ge [sflag:s23], $0x1  }
0xa3: {  	[sflag:s23] =	ssyncset.done $0x0  }
0xa4: {  	s25 =	simm.s32 $0x1B8E;
	s24 =	sld [smem:$0x3FFE];
	[sflag:s23] =	ssyncadd.s32 $0xFFFFFFFF  }
0xa5: {  	s26 =	simm.s32 $execute0_lowered;
	[smem:$0x3FD2] =	sst s25  }
0xa6: {  	s5 =	sshll.u32 s26, $0x1;
	_ =	strace $0x80000046;
	[dreg:$0x1] =	wrdreg $0xFFFFFFFF  }
0xa7: {  	s28 =	simm.s32 $_size_execute0_lowered;
	s3 =	sadd.s32 s3, s5;
	[dreg:$0x0] =	wrdreg $0x0  }
0xa8: {  	s5 =	sshll.u32 s28, $0x1;
	[dreg:$0x2] =	wrdreg s3  }
0xa9: {  	[dreg:$0x3] =	wrdreg s5  }
0xaa: {  	[dreg:$0x4] =	wrdreg $0xC0  }
0xab: {  	_ =	task [dreg:s7], $0x5FFFF  }
0xac: {  	[dreg:$0x1] =	wrdreg $0xFFFFFFFF  }
0xad: {  	[dreg:$0x0] =	wrdreg $0x60  }
0xae: {  	[dreg:$0x2] =	wrdreg s24  }
0xaf: {  	[dreg:$0x3] =	wrdreg s2  }
0xb0: {  	[dreg:$0x4] =	wrdreg $0xBE200  }
0xb1: {  	[dreg:$0x5] =	wrdreg $0x70000  }
0xb2: {  	[dreg:$0x6] =	wrdreg $0xA  }
0xb3: {  	_ =	task.clear_ibuf [dreg:s7], $0x7FFFF;
	_ =	strace $0x90000046  }
0xb4: {  	s29 =	simm.s32 $0xA;
	_ =	strace $0x80000048  }
0xb5: {  	_ =	swait.ge [sflag:s29], $0x1  }
0xb6: {  	[sflag:s29] =	ssyncadd.s32 $0xFFFFFFFF  }
0xb7: {  	_ =	strace $0x90000048  }
0xb8: {  	_ =	sfence  }
0xb9: {  	s30 =	sld [smem:$0x0];
	_ =	sdelay $0x2  }
0xba: {  	s31 =	sshll.u32 s1, $0xD;
	s1 =	sshrl.u32 s1, $0x2  }
0xbb: {  	s3 =	sand.u32 $0x4000, s31;
	s1 =	sadd.s32 s1, s30  }
0xbc: {  	s0 =	sor.u32 s3, s0;
	s1 =	sshll.u32 s1, $0x11  }
0xbd: {  	s0 =	sor.u32 s1, s0  }
0xbe: {  	s0 =	sadd.s32 $0x8F2B, s0  }
0xbf: {  	[sflag:s0] =	ssyncadd.remote.s32 $0x1  }
0xc0: {  	_ =	sfence.sel $0xFFFF  }
0xc1: {  	[dreg:$0x0] =	wrdreg $0xFFFFFFFF;
	(pc) =	sbr.abs _section_cstart, $3  }
0xc2: {  	[dreg:$0x1] =	wrdreg $0xFFFFFFFF  }
0xc3: {  	_ =	task.clear_ibuf [dreg:s7], $0x2FFFF;
	_ =	strace $0x9FFFFFFF  }
0xc4: {  	(tm) =	ssettm $0x7FFFFFFF  }
0xc5: {  	_ =	shalt  }
tec
execute0_lowered:
.L_overlay_start_1:
0x0: {  	(tag) =	ssettag $0x1  }
0x1: {  	s5 =	rddreg [dreg:$0x0]  }
0x2: {  	s6 =	rddreg [dreg:$0x1]  }
0x3: {  	s1 =	srdreg.scid;
	s0 =	rddreg [dreg:$0x2]  }
0x4: {  	s11 =	stileid.u32;
	s2 =	rddreg [dreg:$0x3];
	s3 =	simm.s32 $0x0  }
0x5: {  	s14 =	simm.s32 $0x80;
	s15 =	simm.s32 $0x5000;
	s16 =	simm.s32 $0x1  }
0x6: {  	s17 =	simm.s32 $0x6000;
	s18 =	simm.s32 $0x2;
	s19 =	simm.s32 $0x4F00  }
0x7: {  	s20 =	simm.s32 $0x4E80;
	s21 =	simm.s32 $0x4F80;
	s8 =	smul.u32 $0x9E00, s11  }
0x8: {  	s4 =	sand.u32 $0x1, s1;
	s1 =	rddreg [dreg:$0x4];
	s12 =	smul.u32 $0xA000, s11  }
0x9: {  	s22 =	simm.s32 $0x0;
	[smem:$0x7FF] =	sst s3;
	s7 =	smul.u32 $0x9C40, s4  }
0xa: {  	s13 =	sshll.u32 s11, $0x6;
	p0 =	sne.s32 s11, $0x0;
	s9 =	smul.u32 $0x9E000, s4  }
0xb: {  	_ =	strace $0x80000047;
	s10 =	ssub.s32 $0x2, s4;
	s4 =	sadd.s32 $0x2600, s5  }
0xc: {  	s28 =	sshrl.u32 s10, $0x1;
	s29 =	sshrl.u32 s8, $0x1;
	s30 =	sshrl.u32 s12, $0x3  }
0xd: {  	s12 =	simm.s32 $0x3;
	s7 =	sadd.s32 s7, s5;
	s9 =	sadd.s32 s8, s9  }
0xe: {  	s10 =	ssub.s32 s10, s28;
	s31 =	sadd.s32 s29, s0;
	s9 =	sshrl.u32 s9, $0x4  }
0xf: {  	s7 =	sadd.s32 $0x51200, s7;
	s10 =	smax.u32 s10, $0x1;
	s11 =	sshrl.u32 s31, $0x3  }
0x10: {  	s9 =	sadd.s32 s9, s5;
	s5 =	sadd.s32 s6, s30;
	s6 =	sor.u32 $0x1C03, s13  }
0x11: {  	s13 =	sshrl.u32 @!p0 s2, $0x3;
	s8 =	sadd.s32 $0xA00, s5;
	s9 =	sadd.s32 $0x6EC00, s9  }
.LBB2_1:
0x12: {  	[spmem:s11], [sflag:s6] =	dma.local [hbm:s4], $0x9E0  }
0x13: {  	_ =	swait.ge [sflag:s12], $0x9E0  }
0x14: {  	[sflag:s12] =	ssyncset.done $0x0  }
0x15: {  	s23 =	simm.s32 @!p0 $0x3;
	[sflag:s12] =	ssyncadd.s32 $0xFFFFF620  }
0x16: {  	[spmem:s13], [sflag:s6] =	dma.local @!p0 [hbm:s7], $0x9C40  }
0x17: {  	_ =	swait.ge @!p0 [sflag:s23], $0x9C40  }
0x18: {  	[sflag:s23] =	ssyncset.done @!p0 $0x0  }
0x19: {  	[sflag:s23] =	ssyncadd.s32 @!p0 $0xFFFF63C0  }
0x1a: {  	[bflag:$0x0] =	sbarrier.arrive $0xFFFF  }
0x1b: {  	[tilespmem:s3], [sflag:$0x3] =	stream.linear.gather [hbm4b:s5+s3], $0x5000, $0x38;
	[tilespmem:$0x10D20] =	vst v63  }
0x1c: {  	_ =	swait.ge [sflag:s12], $0x5000  }
0x1d: {  	[sflag:s12] =	ssyncset.done $0x0  }
0x1e: {  	[sflag:s12] =	ssyncadd.s32 $0xFFFFB000  }
0x1f: {  	[tilespmem:s15], [sflag:$0x1] =	stream.indirect.gather [spmem:s2], $0x20, s3, s14, $0xb8;
	[tilespmem:$0x10D20] =	vst v63  }
0x20: {  	_ =	swait.ge [sflag:s16], $0x1000  }
0x21: {  	[sflag:s16] =	ssyncset.done $0x0  }
0x22: {  	s28 =	simm.s32 $0x100;
	[sflag:s16] =	ssyncadd.s32 $0xFFFFF000  }
0x23: {  	[tilespmem:s17], [sflag:$0x2] =	stream.indirect.gather [spmem:s2], $0x20, s28, s14, $0xb8;
	[tilespmem:$0x10D20] =	vst v63  }
0x24: {  	s29 =	simm.s32 $0x80  }
0x25: {  	[spmem:s0] =	stream.indirect.scatter.add.bf16 [tilespmem:s15], [sflag:$0x3], $0x20, s29, s14, $0xb8;
	[tilespmem:$0x10D20] =	vst v63  }
0x26: {  	_ =	swait.ge [sflag:s12], $0x1000  }
0x27: {  	[sflag:s12] =	ssyncset.done $0x0  }
0x28: {  	[sflag:s12] =	ssyncadd.s32 $0xFFFFF000  }
0x29: {  	_ =	swait.ge [sflag:s18], $0x1000  }
0x2a: {  	[sflag:s18] =	ssyncset.done $0x0  }
0x2b: {  	s30 =	simm.s32 $0x200;
	[sflag:s18] =	ssyncadd.s32 $0xFFFFF000  }
0x2c: {  	[tilespmem:s15], [sflag:$0x1] =	stream.indirect.gather [spmem:s2], $0x20, s30, s14, $0xb8;
	[tilespmem:$0x10D20] =	vst v63  }
0x2d: {  	s31 =	simm.s32 $0x180  }
0x2e: {  	[spmem:s0] =	stream.indirect.scatter.add.bf16 [tilespmem:s17], [sflag:$0x3], $0x20, s31, s14, $0xb8;
	[tilespmem:$0x10D20] =	vst v63  }
0x2f: {  	_ =	swait.ge [sflag:s12], $0x1000  }
0x30: {  	s23 =	simm.s32 $0xFFFED000;
	[sflag:s12] =	ssyncset.done $0x0  }
.LBB2_2:
0x31: {  	p1 =	sne.s32 s23, $0xFFFFF800  }
0x32: {  	[sflag:s12] =	ssyncadd.s32 $0xFFFFF000;
	s24 =	smov.u32 s23;
	s23 =	sadd.s32 $0x800, s23  }
0x33: {  	_ = 	snop  }
0x34: {  	_ =	swait.ge [sflag:s16], $0x1000  }
0x35: {  	s24 =	sshra.s32 s24, $0x2;
	[sflag:s16] =	ssyncset.done $0x0  }
0x36: {  	s25 =	sadd.s32 $0x4F00, s24;
	[sflag:s16] =	ssyncadd.s32 $0xFFFFF000  }
0x37: {  	[tilespmem:s17], [sflag:$0x2] =	stream.indirect.gather [spmem:s2], $0x20, s25, s14, $0xb8;
	[tilespmem:$0x10D20] =	vst v63  }
0x38: {  	s25 =	sadd.s32 $0x4E80, s24  }
0x39: {  	[spmem:s0] =	stream.indirect.scatter.add.bf16 [tilespmem:s15], [sflag:$0x3], $0x20, s25, s14, $0xb8;
	[tilespmem:$0x10D20] =	vst v63  }
0x3a: {  	_ =	swait.ge [sflag:s12], $0x1000  }
0x3b: {  	[sflag:s12] =	ssyncset.done $0x0  }
0x3c: {  	[sflag:s12] =	ssyncadd.s32 $0xFFFFF000  }
0x3d: {  	_ =	swait.ge [sflag:s18], $0x1000  }
0x3e: {  	[sflag:s18] =	ssyncset.done $0x0  }
0x3f: {  	s25 =	sadd.s32 $0x5000, s24;
	[sflag:s18] =	ssyncadd.s32 $0xFFFFF000  }
0x40: {  	[tilespmem:s15], [sflag:$0x1] =	stream.indirect.gather [spmem:s2], $0x20, s25, s14, $0xb8;
	[tilespmem:$0x10D20] =	vst v63  }
.Ltmp0:
0x41: {  	_ = 	snop;
	(pc) =	sbr.rel @p1 .LBB2_2-.Ltmp0, $4  }
0x42: {  	s24 =	sadd.s32 $0x4F80, s24  }
0x43: {  	[spmem:s0] =	stream.indirect.scatter.add.bf16 [tilespmem:s17], [sflag:$0x3], $0x20, s24, s14, $0xb8;
	[tilespmem:$0x10D20] =	vst v63  }
0x44: {  	_ =	swait.ge [sflag:s12], $0x1000  }
0x45: {  	[sflag:s12] =	ssyncset.done $0x0  }
0x46: {  	[sflag:s12] =	ssyncadd.s32 $0xFFFFF000  }
0x47: {  	_ =	swait.ge [sflag:s16], $0x1000  }
0x48: {  	[sflag:s16] =	ssyncset.done $0x0  }
0x49: {  	[sflag:s16] =	ssyncadd.s32 $0xFFFFF000  }
0x4a: {  	[tilespmem:s17], [sflag:$0x2] =	stream.indirect.gather [spmem:s2], $0x20, s19, s14, $0xb8;
	[tilespmem:$0x10D20] =	vst v63  }
0x4b: {  	_ = 	snop  }
0x4c: {  	[spmem:s0] =	stream.indirect.scatter.add.bf16 [tilespmem:s15], [sflag:$0x3], $0x20, s20, s14, $0xb8;
	[tilespmem:$0x10D20] =	vst v63  }
0x4d: {  	_ =	swait.ge [sflag:s12], $0x1000  }
0x4e: {  	[sflag:s12] =	ssyncset.done $0x0  }
0x4f: {  	[sflag:s12] =	ssyncadd.s32 $0xFFFFF000  }
0x50: {  	_ =	swait.ge [sflag:s18], $0x1000  }
0x51: {  	[sflag:s18] =	ssyncset.done $0x0  }
0x52: {  	[sflag:s18] =	ssyncadd.s32 $0xFFFFF000  }
0x53: {  	[spmem:s0] =	stream.indirect.scatter.add.bf16 [tilespmem:s17], [sflag:$0x3], $0x20, s21, s14, $0xb8;
	[tilespmem:$0x10D20] =	vst v63  }
0x54: {  	_ =	swait.ge [sflag:s12], $0x1000  }
0x55: {  	[sflag:s12] =	ssyncset.done $0x0  }
0x56: {  	[sflag:s12] =	ssyncadd.s32 $0xFFFFF000  }
0x57: {  	[tilespmem:s3], [sflag:$0x3] =	stream.linear.gather [hbm4b:s8+s3], $0x5000, $0x38;
	[tilespmem:$0x10D20] =	vst v63  }
0x58: {  	_ =	swait.ge [sflag:s12], $0x5000  }
0x59: {  	[sflag:s12] =	ssyncset.done $0x0  }
0x5a: {  	[sflag:s12] =	ssyncadd.s32 $0xFFFFB000  }
0x5b: {  	[tilespmem:s15], [sflag:$0x1] =	stream.indirect.gather [spmem:s2], $0x20, s3, s14, $0xb8;
	[tilespmem:$0x10D20] =	vst v63  }
0x5c: {  	_ =	swait.ge [sflag:s16], $0x1000  }
0x5d: {  	[sflag:s16] =	ssyncset.done $0x0  }
0x5e: {  	s23 =	simm.s32 $0x100;
	[sflag:s16] =	ssyncadd.s32 $0xFFFFF000  }
0x5f: {  	[tilespmem:s17], [sflag:$0x2] =	stream.indirect.gather [spmem:s2], $0x20, s23, s14, $0xb8;
	[tilespmem:$0x10D20] =	vst v63  }
0x60: {  	s29 =	simm.s32 $0x80  }
0x61: {  	[spmem:s0] =	stream.indirect.scatter.add.bf16 [tilespmem:s15], [sflag:$0x3], $0x20, s29, s14, $0xb8;
	[tilespmem:$0x10D20] =	vst v63  }
0x62: {  	_ =	swait.ge [sflag:s12], $0x1000  }
0x63: {  	[sflag:s12] =	ssyncset.done $0x0  }
0x64: {  	[sflag:s12] =	ssyncadd.s32 $0xFFFFF000  }
0x65: {  	_ =	swait.ge [sflag:s18], $0x1000  }
0x66: {  	[sflag:s18] =	ssyncset.done $0x0  }
0x67: {  	s30 =	simm.s32 $0x200;
	[sflag:s18] =	ssyncadd.s32 $0xFFFFF000  }
0x68: {  	[tilespmem:s15], [sflag:$0x1] =	stream.indirect.gather [spmem:s2], $0x20, s30, s14, $0xb8;
	[tilespmem:$0x10D20] =	vst v63  }
0x69: {  	s31 =	simm.s32 $0x180  }
0x6a: {  	[spmem:s0] =	stream.indirect.scatter.add.bf16 [tilespmem:s17], [sflag:$0x3], $0x20, s31, s14, $0xb8;
	[tilespmem:$0x10D20] =	vst v63  }
0x6b: {  	_ =	swait.ge [sflag:s12], $0x1000  }
0x6c: {  	s23 =	simm.s32 $0xFFFED000;
	[sflag:s12] =	ssyncset.done $0x0  }
.LBB2_4:
0x6d: {  	p1 =	sne.s32 s23, $0xFFFFF800  }
0x6e: {  	[sflag:s12] =	ssyncadd.s32 $0xFFFFF000;
	s24 =	smov.u32 s23;
	s23 =	sadd.s32 $0x800, s23  }
0x6f: {  	_ = 	snop  }
0x70: {  	_ =	swait.ge [sflag:s16], $0x1000  }
0x71: {  	s24 =	sshra.s32 s24, $0x2;
	[sflag:s16] =	ssyncset.done $0x0  }
0x72: {  	s25 =	sadd.s32 $0x4F00, s24;
	[sflag:s16] =	ssyncadd.s32 $0xFFFFF000  }
0x73: {  	[tilespmem:s17], [sflag:$0x2] =	stream.indirect.gather [spmem:s2], $0x20, s25, s14, $0xb8;
	[tilespmem:$0x10D20] =	vst v63  }
0x74: {  	s25 =	sadd.s32 $0x4E80, s24  }
0x75: {  	[spmem:s0] =	stream.indirect.scatter.add.bf16 [tilespmem:s15], [sflag:$0x3], $0x20, s25, s14, $0xb8;
	[tilespmem:$0x10D20] =	vst v63  }
0x76: {  	_ =	swait.ge [sflag:s12], $0x1000  }
0x77: {  	[sflag:s12] =	ssyncset.done $0x0  }
0x78: {  	[sflag:s12] =	ssyncadd.s32 $0xFFFFF000  }
0x79: {  	_ =	swait.ge [sflag:s18], $0x1000  }
0x7a: {  	[sflag:s18] =	ssyncset.done $0x0  }
0x7b: {  	s25 =	sadd.s32 $0x5000, s24;
	[sflag:s18] =	ssyncadd.s32 $0xFFFFF000  }
0x7c: {  	[tilespmem:s15], [sflag:$0x1] =	stream.indirect.gather [spmem:s2], $0x20, s25, s14, $0xb8;
	[tilespmem:$0x10D20] =	vst v63  }
.Ltmp1:
0x7d: {  	_ = 	snop;
	(pc) =	sbr.rel @p1 .LBB2_4-.Ltmp1, $4  }
0x7e: {  	s24 =	sadd.s32 $0x4F80, s24  }
0x7f: {  	[spmem:s0] =	stream.indirect.scatter.add.bf16 [tilespmem:s17], [sflag:$0x3], $0x20, s24, s14, $0xb8;
	[tilespmem:$0x10D20] =	vst v63  }
0x80: {  	_ =	swait.ge [sflag:s12], $0x1000  }
0x81: {  	[sflag:s12] =	ssyncset.done $0x0  }
0x82: {  	[sflag:s12] =	ssyncadd.s32 $0xFFFFF000  }
0x83: {  	_ =	swait.ge [sflag:s16], $0x1000  }
0x84: {  	[sflag:s16] =	ssyncset.done $0x0  }
0x85: {  	[sflag:s16] =	ssyncadd.s32 $0xFFFFF000  }
0x86: {  	[tilespmem:s17], [sflag:$0x2] =	stream.indirect.gather [spmem:s2], $0x20, s19, s14, $0xb8;
	[tilespmem:$0x10D20] =	vst v63  }
0x87: {  	_ = 	snop  }
0x88: {  	[spmem:s0] =	stream.indirect.scatter.add.bf16 [tilespmem:s15], [sflag:$0x3], $0x20, s20, s14, $0xb8;
	[tilespmem:$0x10D20] =	vst v63  }
0x89: {  	_ =	swait.ge [sflag:s12], $0x1000  }
0x8a: {  	[sflag:s12] =	ssyncset.done $0x0  }
0x8b: {  	[sflag:s12] =	ssyncadd.s32 $0xFFFFF000  }
0x8c: {  	_ =	swait.ge [sflag:s18], $0x1000  }
0x8d: {  	[sflag:s18] =	ssyncset.done $0x0  }
0x8e: {  	[sflag:s18] =	ssyncadd.s32 $0xFFFFF000  }
0x8f: {  	[spmem:s0] =	stream.indirect.scatter.add.bf16 [tilespmem:s17], [sflag:$0x3], $0x20, s21, s14, $0xb8;
	[tilespmem:$0x10D20] =	vst v63  }
0x90: {  	_ =	swait.ge [sflag:s12], $0x1000  }
0x91: {  	s22 =	sadd.s32 $0x1, s22;
	[sflag:s12] =	ssyncset.done $0x0  }
0x92: {  	p1 =	sne.s32 s22, s10;
	[sflag:s12] =	ssyncadd.s32 $0xFFFFF000  }
.Ltmp2:
0x93: {  	[bflag:$0x0] =	sbarrier.arrive $0xFFFF;
	(pc) =	sbr.rel @p1 .LBB2_1-.Ltmp2, $4  }
0x94: {  	[hbm:s9], [sflag:s6] =	dma.local [spmem:s11], $0x9E0  }
0x95: {  	_ =	swait.ge [sflag:s12], $0x9E0  }
0x96: {  	[sflag:s12] =	ssyncset.done $0x0  }
0x97: {  	[sflag:s12] =	ssyncadd.s32 $0xFFFFF620  }
0x98: {  	_ =	sfence.sel $0x180000  }
0x99: {  	[bflag:$0x0] =	sbarrier.arrive $0xFFFF  }
0x9a: {  	_ =	strace $0x90000047  }
0x9b: {  	s0 =	sadd.s32 @!p0 $0x100000, s1;
	[bflag:$0x2] =	sbarrier.arrive $0xFFFF  }
0x9c: {  	[sflag:s0] =	ssyncadd.tile.s32 @!p0 $0x1;
	_ =	shalt  }
.Lfunc_end2:
_tile_overlayer_lowered:
.L_overlay_start_2:
0x9d: {  	(tag) =	ssettag $0x2  }
0x9e: {  	s0 =	rddreg [dreg:$0x0];
	s2 =	stileid.u32  }
0x9f: {  	s1 =	rddreg [dreg:$0x1];
	p0 =	sne.s32 s2, $0x0  }
0xa0: {  	s3 =	rddreg [dreg:$0x2];
	[bflag:$0x3] =	sbarrier.arrive $0xFFFF;
	s2 =	simm.s32 @!p0 $0x1C03  }
0xa1: {  	[timem:s3], [sflag:s2] =	dma.local @!p0 [hbm:s0], s1  }
0xa2: {  	s0 =	simm.s32 @!p0 $0x3  }
0xa3: {  	_ =	swait.ge @!p0 [sflag:s0], s1  }
0xa4: {  	s1 =	ssub.s32 @!p0 $0x0, s1;
	[sflag:s0] =	ssyncset.done @!p0 $0x0  }
0xa5: {  	[sflag:s0] =	ssyncadd.s32 @!p0 s1  }
0xa6: {  	[bflag:$0x3] =	sbarrier.arrive $0xFFFF  }
0xa7: {  	_ =	shalt  }

// kernel: kernel.15.cloned.1.call-start
scs
__scs_entry_jumppad:
0x0: {  	(pc) =	sbr.rel $0x88, $3  }
0x1: {  	(tag) =	ssettag $0x0;
	lr =	simm.s32 $0x1  }
0x2: {  	[smem:$0x3F96] =	sst lr;
	_ =	strace $0xD0000000  }
0x3: {  	_ = 	snop  }
0x4: {  	_ = 	snop  }
0x5: {  	_ = 	snop  }
0x6: {  	_ = 	snop  }
0x7: {  	_ = 	snop  }
__scs_overlays_trampoline_lowered:
0x8: {  	[smem:$0x3FA5] =	sst s0  }
0x9: {  	[smem:$0x3FA6] =	sst s1  }
0xa: {  	[smem:$0x3FA7] =	sst s2  }
0xb: {  	[smem:$0x3FA8] =	sst s3  }
0xc: {  	[smem:$0x3FA9] =	sst s4  }
0xd: {  	[smem:$0x3FAA] =	sst s5  }
0xe: {  	[smem:$0x3FAB] =	sst s6  }
0xf: {  	[smem:$0x3FAC] =	sst s7  }
0x10: {  	[smem:$0x3FAD] =	sst s8  }
0x11: {  	[smem:$0x3FAE] =	sst s9;
	s0 =	simm.s32 @!p0 $0x0  }
0x12: {  	s1 =	sld [smem:$0x3F94];
	s0 =	simm.s32 @p0 $0x1  }
0x13: {  	[smem:$0x3FAF] =	sst s0;
	s0 =	simm.s32 @!p1 $0x0  }
0x14: {  	s2 =	sld [smem:$0x3F93];
	s0 =	simm.s32 @p1 $0x1  }
0x15: {  	[smem:$0x3FB0] =	sst s0;
	s0 =	simm.s32 @!p2 $0x0  }
0x16: {  	s3 =	sld [smem:$0x3FDB];
	s0 =	simm.s32 @p2 $0x1  }
0x17: {  	s4 =	simm.s32 $0x1BF5;
	[smem:$0x3FB2] =	sst s0  }
0x18: {  	s0 =	sld [smem:$0x3F95];
	_ =	swait.ge [sflag:s4], $0x0  }
0x19: {  	s7 =	sld [smem:$0x3F96]  }
0x1a: {  	s8 =	sadd.s32 $0xFFFFE003, lr  }
0x1b: {  	s9 =	sadd.s32 $0xFFFFFEF7, lr;
	s5 =	simm.s32 $0xFFFFFFFF;
	p2 =	slt.u32 s8, $0xFFFFF086  }
0x1c: {  	p1 =	slt.u32 s9, $0xF7A;
	s5 =	simm.s32 @!p2 $0x0  }
0x1d: {  	s5 =	simm.s32 @p1 $0x1;
	p0 =	seq.s32 s7, s2  }
0x1e: {  	s7 =	smul.u32 @!p0 $0xF7A, s2;
	p2 =	seq.s32 @!p0 s5, $0x0  }
0x1f: {  	s9 =	smul.u32 $0xF7A, s1;
	s8 =	simm.s32 @!p0 $0x1BF5;
	p2 =	por !p2, p0  }
0x20: {  	[sflag:s8] =	ssyncset.s32 @!p0 $0xFFFFF086;
	s6 =	sadd.s32 @!p0 s3, s7;
	s7 =	simm.s32 @!p0 $0x108  }
0x21: {  	s3 =	sadd.s32 s3, s9;
	s6 =	sadd.s32 @!p0 $0x88, s6;
	s7 =	simm.s32 @p2 $0x1082  }
0x22: {  	[simem:s7], [sflag:s8] =	dma.local @!p0 [hbm:s6], $0xF7A  }
0x23: {  	s9 =	sor.u32 $0xD0000000, s2;
	s6 =	simm.s32 $0x108;
	_ =	swait.ge @!p0 [sflag:s8], $0x0  }
0x24: {  	s3 =	sadd.s32 $0x88, s3;
	s6 =	simm.s32 @!p1 $0x1082;
	[sflag:s4] =	ssyncset.s32 $0xFFFFF086  }
0x25: {  	[simem:s6], [sflag:s4] =	dma.local [hbm:s3], $0xF7A  }
0x26: {  	[smem:$0x3F96] =	sst s1;
	(tag) =	ssettag s2;
	_ =	strace s9  }
0x27: {  	s1 =	sld [smem:$0x3FA6]  }
0x28: {  	s2 =	sld [smem:$0x3FA7]  }
0x29: {  	s4 =	sld [smem:$0x3FA9]  }
0x2a: {  	p0 =	seq.s32 s5, $0x0;
	s5 =	sld [smem:$0x3FAA]  }
0x2b: {  	s6 =	sld [smem:$0x3FAB]  }
0x2c: {  	s7 =	sld [smem:$0x3FAC]  }
0x2d: {  	s3 =	simm.s32 $0x108;
	s8 =	sld [smem:$0x3FAD]  }
0x2e: {  	s3 =	simm.s32 @!p0 $0x1082;
	s9 =	sld [smem:$0x3FAE]  }
0x2f: {  	lr =	sadd.s32 s0, s3;
	s0 =	sld [smem:$0x3FA5]  }
0x30: {  	s3 =	sld [smem:$0x3FA8]  }
0x31: {  	[smem:$0x3FB1] =	sst s10  }
0x32: {  	s10 =	sld [smem:$0x3FAF];
	_ =	sdelay $0x3  }
0x33: {  	p0 =	seq.s32 s10, $0x1;
	s10 =	sld [smem:$0x3FB1];
	_ =	sdelay $0x3  }
0x34: {  	[smem:$0x3FB1] =	sst s10  }
0x35: {  	s10 =	sld [smem:$0x3FB0];
	_ =	sdelay $0x3  }
0x36: {  	p1 =	seq.s32 s10, $0x1;
	s10 =	sld [smem:$0x3FB1];
	_ =	sdelay $0x3  }
0x37: {  	[smem:$0x3FB1] =	sst s10  }
0x38: {  	s10 =	sld [smem:$0x3FB2]  }
0x39: {  	_ = 	snop;
	(pc) =	sbr.ind lr, $3  }
0x3a: {  	_ = 	snop  }
0x3b: {  	_ = 	snop  }
0x3c: {  	p2 =	seq.s32 s10, $0x1;
	s10 =	sld [smem:$0x3FB1]  }
0x3d: {  	_ =	shalt  }
0x3e: {  	_ =	shalt  }
0x3f: {  	_ =	shalt  }
0x40: {  	_ =	shalt  }
0x41: {  	_ =	shalt  }
0x42: {  	_ =	shalt  }
0x43: {  	_ =	shalt  }
0x44: {  	_ =	shalt  }
0x45: {  	_ =	shalt  }
0x46: {  	_ =	shalt  }
0x47: {  	_ =	shalt  }
0x48: {  	_ =	shalt  }
0x49: {  	_ =	shalt  }
0x4a: {  	_ =	shalt  }
0x4b: {  	_ =	shalt  }
0x4c: {  	_ =	shalt  }
0x4d: {  	_ =	shalt  }
0x4e: {  	_ =	shalt  }
0x4f: {  	_ =	shalt  }
0x50: {  	_ =	shalt  }
0x51: {  	_ =	shalt  }
0x52: {  	_ =	shalt  }
0x53: {  	_ =	shalt  }
0x54: {  	_ =	shalt  }
0x55: {  	_ =	shalt  }
0x56: {  	_ =	shalt  }
0x57: {  	_ =	shalt  }
0x58: {  	_ =	shalt  }
0x59: {  	_ =	shalt  }
0x5a: {  	_ =	shalt  }
0x5b: {  	_ =	shalt  }
0x5c: {  	_ =	shalt  }
0x5d: {  	_ =	shalt  }
0x5e: {  	_ =	shalt  }
0x5f: {  	_ =	shalt  }
0x60: {  	_ =	shalt  }
0x61: {  	_ =	shalt  }
0x62: {  	_ =	shalt  }
0x63: {  	_ =	shalt  }
0x64: {  	_ =	shalt  }
0x65: {  	_ =	shalt  }
0x66: {  	_ =	shalt  }
0x67: {  	_ =	shalt  }
0x68: {  	_ =	shalt  }
0x69: {  	_ =	shalt  }
0x6a: {  	_ =	shalt  }
0x6b: {  	_ =	shalt  }
0x6c: {  	_ =	shalt  }
0x6d: {  	_ =	shalt  }
0x6e: {  	_ =	shalt  }
0x6f: {  	_ =	shalt  }
0x70: {  	_ =	shalt  }
0x71: {  	_ =	shalt  }
0x72: {  	_ =	shalt  }
0x73: {  	_ =	shalt  }
0x74: {  	_ =	shalt  }
0x75: {  	_ =	shalt  }
0x76: {  	_ =	shalt  }
0x77: {  	_ =	shalt  }
0x78: {  	_ =	shalt  }
0x79: {  	_ =	shalt  }
0x7a: {  	_ =	shalt  }
0x7b: {  	_ =	shalt  }
0x7c: {  	_ =	shalt  }
0x7d: {  	_ =	shalt  }
0x7e: {  	_ =	shalt  }
0x7f: {  	_ =	shalt  }
0x80: {  	_ =	shalt  }
0x81: {  	_ =	shalt  }
0x82: {  	_ =	shalt  }
0x83: {  	_ =	shalt  }
0x84: {  	_ =	shalt  }
0x85: {  	_ =	shalt  }
0x86: {  	_ =	shalt  }
0x87: {  	_ =	shalt  }
.Lfunc_end0:
.L_simem_size_0:
called_computation.2_lowered:
.L_overlay_start_0:
0x88: {  	s2 =	sld [smem:$0x3FD9]  }
0x89: {  	s3 =	sld [smem:$0x3FFE];
	_ =	sdelay $0x1  }
0x8a: {  	s1 =	srdreg.scid  }
0x8b: {  	s0 =	sand.u32 $0x1, s1  }
0x8c: {  	s17 =	sshll.u32 s0, $0xA;
	s2 =	sadd.s32 s3, s2  }
0x8d: {  	s2 =	sadd.s32 s2, s17  }
0x8e: {  	[smem:$0x3FBD] =	sst s2  }
0x8f: {  	_ = 	snop  }
0x90: {  	s2 =	sld [smem:$0x3FD0];
	(tm) =	ssettm $0x1  }
0x91: {  	s18 =	sld [smem:$0x3FFB];
	_ =	sdelay $0x3  }
0x92: {  	_ =	strace s18  }
0x93: {  	s3 =	sld [smem:$0x3FFC];
	_ =	sdelay $0x3  }
0x94: {  	_ =	strace s3  }
0x95: {  	s3 =	sld [smem:$0x3FFD];
	_ =	sdelay $0x3  }
0x96: {  	_ =	strace s3  }
0x97: {  	_ =	strace $0x8FFFFFFF  }
0x98: {  	s19 =	sld [smem:$0x3FDB];
	_ =	sdelay $0x1  }
0x99: {  	s4 =	simm.s32 $_scs_section_size  }
0x9a: {  	s5 =	simm.s32 $_size__tile_overlayer_lowered;
	s6 =	simm.s32 $_tile_overlayer_lowered  }
0x9b: {  	s22 =	simm.s32 $0x1BFF;
	s21 =	sshll.u32 s6, $0x1;
	s3 =	sadd.s32 s4, s19  }
0x9c: {  	s7 =	simm.s32 $0x0;
	s20 =	sshll.u32 s5, $0x1;
	s5 =	sadd.s32 s21, s3  }
0x9d: {  	[timem:s7], [sflag:s22] =	dma.local [hbm:s5], s20  }
0x9e: {  	_ =	swait.ge [sflag:s22], s20  }
0x9f: {  	s4 =	ssub.s32 $0x0, s20;
	[sflag:s22] =	ssyncset.done $0x0  }
0xa0: {  	[sflag:s22] =	ssyncadd.s32 s4;
	_ =	sdelay $0x1  }
0xa1: {  	s23 =	simm.s32 $0x1B8B  }
0xa2: {  	_ =	swait.ge [sflag:s23], $0x1  }
0xa3: {  	[sflag:s23] =	ssyncset.done $0x0  }
0xa4: {  	s25 =	simm.s32 $0x1B8E;
	s24 =	sld [smem:$0x3FFE];
	[sflag:s23] =	ssyncadd.s32 $0xFFFFFFFF  }
0xa5: {  	s26 =	simm.s32 $execute0_lowered;
	[smem:$0x3FD2] =	sst s25  }
0xa6: {  	s5 =	sshll.u32 s26, $0x1;
	_ =	strace $0x8000004C;
	[dreg:$0x1] =	wrdreg $0xFFFFFFFF  }
0xa7: {  	s28 =	simm.s32 $_size_execute0_lowered;
	s3 =	sadd.s32 s3, s5;
	[dreg:$0x0] =	wrdreg $0x0  }
0xa8: {  	s5 =	sshll.u32 s28, $0x1;
	[dreg:$0x2] =	wrdreg s3  }
0xa9: {  	[dreg:$0x3] =	wrdreg s5  }
0xaa: {  	[dreg:$0x4] =	wrdreg $0xC0  }
0xab: {  	_ =	task [dreg:s7], $0x5FFFF  }
0xac: {  	[dreg:$0x1] =	wrdreg $0xFFFFFFFF  }
0xad: {  	[dreg:$0x0] =	wrdreg $0x60  }
0xae: {  	[dreg:$0x2] =	wrdreg s24  }
0xaf: {  	[dreg:$0x3] =	wrdreg s2  }
0xb0: {  	[dreg:$0x4] =	wrdreg $0xBE200  }
0xb1: {  	[dreg:$0x5] =	wrdreg $0x70000  }
0xb2: {  	[dreg:$0x6] =	wrdreg $0x9  }
0xb3: {  	_ =	task.clear_ibuf [dreg:s7], $0x7FFFF;
	_ =	strace $0x9000004C  }
0xb4: {  	s29 =	simm.s32 $0x9;
	_ =	strace $0x8000004E  }
0xb5: {  	_ =	swait.ge [sflag:s29], $0x1  }
0xb6: {  	[sflag:s29] =	ssyncadd.s32 $0xFFFFFFFF  }
0xb7: {  	_ =	strace $0x9000004E  }
0xb8: {  	_ =	sfence  }
0xb9: {  	s30 =	sld [smem:$0x0];
	_ =	sdelay $0x2  }
0xba: {  	s31 =	sshll.u32 s1, $0xD;
	s1 =	sshrl.u32 s1, $0x2  }
0xbb: {  	s3 =	sand.u32 $0x4000, s31;
	s1 =	sadd.s32 s1, s30  }
0xbc: {  	s0 =	sor.u32 s3, s0;
	s1 =	sshll.u32 s1, $0x11  }
0xbd: {  	s0 =	sor.u32 s1, s0  }
0xbe: {  	s0 =	sadd.s32 $0x8F2B, s0  }
0xbf: {  	[sflag:s0] =	ssyncadd.remote.s32 $0x1  }
0xc0: {  	_ =	sfence.sel $0xFFFF  }
0xc1: {  	[dreg:$0x0] =	wrdreg $0xFFFFFFFF;
	(pc) =	sbr.abs _section_cstart, $3  }
0xc2: {  	[dreg:$0x1] =	wrdreg $0xFFFFFFFF  }
0xc3: {  	_ =	task.clear_ibuf [dreg:s7], $0x2FFFF;
	_ =	strace $0x9FFFFFFF  }
0xc4: {  	(tm) =	ssettm $0x7FFFFFFF  }
0xc5: {  	_ =	shalt  }
tec
execute0_lowered:
.L_overlay_start_1:
0x0: {  	(tag) =	ssettag $0x1  }
0x1: {  	s5 =	rddreg [dreg:$0x0]  }
0x2: {  	s6 =	rddreg [dreg:$0x1]  }
0x3: {  	s1 =	srdreg.scid;
	s0 =	rddreg [dreg:$0x2]  }
0x4: {  	s11 =	stileid.u32;
	s2 =	rddreg [dreg:$0x3];
	s3 =	simm.s32 $0x0  }
0x5: {  	s14 =	simm.s32 $0x80;
	s15 =	simm.s32 $0x5000;
	s16 =	simm.s32 $0x1  }
0x6: {  	s17 =	simm.s32 $0x6000;
	s18 =	simm.s32 $0x2;
	s19 =	simm.s32 $0x4F00  }
0x7: {  	s20 =	simm.s32 $0x4E80;
	s21 =	simm.s32 $0x4F80;
	s8 =	smul.u32 $0x9E00, s11  }
0x8: {  	s4 =	sand.u32 $0x1, s1;
	s1 =	rddreg [dreg:$0x4];
	s12 =	smul.u32 $0xA000, s11  }
0x9: {  	s22 =	simm.s32 $0x0;
	[smem:$0x7FF] =	sst s3;
	s7 =	smul.u32 $0x9C40, s4  }
0xa: {  	s13 =	sshll.u32 s11, $0x6;
	p0 =	sne.s32 s11, $0x0;
	s9 =	smul.u32 $0x9E000, s4  }
0xb: {  	_ =	strace $0x8000004D;
	s10 =	ssub.s32 $0x2, s4;
	s4 =	sadd.s32 $0x2600, s5  }
0xc: {  	s28 =	sshrl.u32 s10, $0x1;
	s29 =	sshrl.u32 s8, $0x1;
	s30 =	sshrl.u32 s12, $0x3  }
0xd: {  	s12 =	simm.s32 $0x3;
	s7 =	sadd.s32 s7, s5;
	s9 =	sadd.s32 s8, s9  }
0xe: {  	s10 =	ssub.s32 s10, s28;
	s31 =	sadd.s32 s29, s0;
	s9 =	sshrl.u32 s9, $0x4  }
0xf: {  	s7 =	sadd.s32 $0x51200, s7;
	s10 =	smax.u32 s10, $0x1;
	s11 =	sshrl.u32 s31, $0x3  }
0x10: {  	s9 =	sadd.s32 s9, s5;
	s5 =	sadd.s32 s6, s30;
	s6 =	sor.u32 $0x1C03, s13  }
0x11: {  	s13 =	sshrl.u32 @!p0 s2, $0x3;
	s8 =	sadd.s32 $0xA00, s5;
	s9 =	sadd.s32 $0x64C00, s9  }
.LBB2_1:
0x12: {  	[spmem:s11], [sflag:s6] =	dma.local [hbm:s4], $0x9E0  }
0x13: {  	_ =	swait.ge [sflag:s12], $0x9E0  }
0x14: {  	[sflag:s12] =	ssyncset.done $0x0  }
0x15: {  	s23 =	simm.s32 @!p0 $0x3;
	[sflag:s12] =	ssyncadd.s32 $0xFFFFF620  }
0x16: {  	[spmem:s13], [sflag:s6] =	dma.local @!p0 [hbm:s7], $0x9C40  }
0x17: {  	_ =	swait.ge @!p0 [sflag:s23], $0x9C40  }
0x18: {  	[sflag:s23] =	ssyncset.done @!p0 $0x0  }
0x19: {  	[sflag:s23] =	ssyncadd.s32 @!p0 $0xFFFF63C0  }
0x1a: {  	[bflag:$0x0] =	sbarrier.arrive $0xFFFF  }
0x1b: {  	[tilespmem:s3], [sflag:$0x3] =	stream.linear.gather [hbm4b:s5+s3], $0x5000, $0x38;
	[tilespmem:$0x10D20] =	vst v63  }
0x1c: {  	_ =	swait.ge [sflag:s12], $0x5000  }
0x1d: {  	[sflag:s12] =	ssyncset.done $0x0  }
0x1e: {  	[sflag:s12] =	ssyncadd.s32 $0xFFFFB000  }
0x1f: {  	[tilespmem:s15], [sflag:$0x1] =	stream.indirect.gather [spmem:s2], $0x20, s3, s14, $0xb8;
	[tilespmem:$0x10D20] =	vst v63  }
0x20: {  	_ =	swait.ge [sflag:s16], $0x1000  }
0x21: {  	[sflag:s16] =	ssyncset.done $0x0  }
0x22: {  	s28 =	simm.s32 $0x100;
	[sflag:s16] =	ssyncadd.s32 $0xFFFFF000  }
0x23: {  	[tilespmem:s17], [sflag:$0x2] =	stream.indirect.gather [spmem:s2], $0x20, s28, s14, $0xb8;
	[tilespmem:$0x10D20] =	vst v63  }
0x24: {  	s29 =	simm.s32 $0x80  }
0x25: {  	[spmem:s0] =	stream.indirect.scatter.add.bf16 [tilespmem:s15], [sflag:$0x3], $0x20, s29, s14, $0xb8;
	[tilespmem:$0x10D20] =	vst v63  }
0x26: {  	_ =	swait.ge [sflag:s12], $0x1000  }
0x27: {  	[sflag:s12] =	ssyncset.done $0x0  }
0x28: {  	[sflag:s12] =	ssyncadd.s32 $0xFFFFF000  }
0x29: {  	_ =	swait.ge [sflag:s18], $0x1000  }
0x2a: {  	[sflag:s18] =	ssyncset.done $0x0  }
0x2b: {  	s30 =	simm.s32 $0x200;
	[sflag:s18] =	ssyncadd.s32 $0xFFFFF000  }
0x2c: {  	[tilespmem:s15], [sflag:$0x1] =	stream.indirect.gather [spmem:s2], $0x20, s30, s14, $0xb8;
	[tilespmem:$0x10D20] =	vst v63  }
0x2d: {  	s31 =	simm.s32 $0x180  }
0x2e: {  	[spmem:s0] =	stream.indirect.scatter.add.bf16 [tilespmem:s17], [sflag:$0x3], $0x20, s31, s14, $0xb8;
	[tilespmem:$0x10D20] =	vst v63  }
0x2f: {  	_ =	swait.ge [sflag:s12], $0x1000  }
0x30: {  	s23 =	simm.s32 $0xFFFED000;
	[sflag:s12] =	ssyncset.done $0x0  }
.LBB2_2:
0x31: {  	p1 =	sne.s32 s23, $0xFFFFF800  }
0x32: {  	[sflag:s12] =	ssyncadd.s32 $0xFFFFF000;
	s24 =	smov.u32 s23;
	s23 =	sadd.s32 $0x800, s23  }
0x33: {  	_ = 	snop  }
0x34: {  	_ =	swait.ge [sflag:s16], $0x1000  }
0x35: {  	s24 =	sshra.s32 s24, $0x2;
	[sflag:s16] =	ssyncset.done $0x0  }
0x36: {  	s25 =	sadd.s32 $0x4F00, s24;
	[sflag:s16] =	ssyncadd.s32 $0xFFFFF000  }
0x37: {  	[tilespmem:s17], [sflag:$0x2] =	stream.indirect.gather [spmem:s2], $0x20, s25, s14, $0xb8;
	[tilespmem:$0x10D20] =	vst v63  }
0x38: {  	s25 =	sadd.s32 $0x4E80, s24  }
0x39: {  	[spmem:s0] =	stream.indirect.scatter.add.bf16 [tilespmem:s15], [sflag:$0x3], $0x20, s25, s14, $0xb8;
	[tilespmem:$0x10D20] =	vst v63  }
0x3a: {  	_ =	swait.ge [sflag:s12], $0x1000  }
0x3b: {  	[sflag:s12] =	ssyncset.done $0x0  }
0x3c: {  	[sflag:s12] =	ssyncadd.s32 $0xFFFFF000  }
0x3d: {  	_ =	swait.ge [sflag:s18], $0x1000  }
0x3e: {  	[sflag:s18] =	ssyncset.done $0x0  }
0x3f: {  	s25 =	sadd.s32 $0x5000, s24;
	[sflag:s18] =	ssyncadd.s32 $0xFFFFF000  }
0x40: {  	[tilespmem:s15], [sflag:$0x1] =	stream.indirect.gather [spmem:s2], $0x20, s25, s14, $0xb8;
	[tilespmem:$0x10D20] =	vst v63  }
.Ltmp0:
0x41: {  	_ = 	snop;
	(pc) =	sbr.rel @p1 .LBB2_2-.Ltmp0, $4  }
0x42: {  	s24 =	sadd.s32 $0x4F80, s24  }
0x43: {  	[spmem:s0] =	stream.indirect.scatter.add.bf16 [tilespmem:s17], [sflag:$0x3], $0x20, s24, s14, $0xb8;
	[tilespmem:$0x10D20] =	vst v63  }
0x44: {  	_ =	swait.ge [sflag:s12], $0x1000  }
0x45: {  	[sflag:s12] =	ssyncset.done $0x0  }
0x46: {  	[sflag:s12] =	ssyncadd.s32 $0xFFFFF000  }
0x47: {  	_ =	swait.ge [sflag:s16], $0x1000  }
0x48: {  	[sflag:s16] =	ssyncset.done $0x0  }
0x49: {  	[sflag:s16] =	ssyncadd.s32 $0xFFFFF000  }
0x4a: {  	[tilespmem:s17], [sflag:$0x2] =	stream.indirect.gather [spmem:s2], $0x20, s19, s14, $0xb8;
	[tilespmem:$0x10D20] =	vst v63  }
0x4b: {  	_ = 	snop  }
0x4c: {  	[spmem:s0] =	stream.indirect.scatter.add.bf16 [tilespmem:s15], [sflag:$0x3], $0x20, s20, s14, $0xb8;
	[tilespmem:$0x10D20] =	vst v63  }
0x4d: {  	_ =	swait.ge [sflag:s12], $0x1000  }
0x4e: {  	[sflag:s12] =	ssyncset.done $0x0  }
0x4f: {  	[sflag:s12] =	ssyncadd.s32 $0xFFFFF000  }
0x50: {  	_ =	swait.ge [sflag:s18], $0x1000  }
0x51: {  	[sflag:s18] =	ssyncset.done $0x0  }
0x52: {  	[sflag:s18] =	ssyncadd.s32 $0xFFFFF000  }
0x53: {  	[spmem:s0] =	stream.indirect.scatter.add.bf16 [tilespmem:s17], [sflag:$0x3], $0x20, s21, s14, $0xb8;
	[tilespmem:$0x10D20] =	vst v63  }
0x54: {  	_ =	swait.ge [sflag:s12], $0x1000  }
0x55: {  	[sflag:s12] =	ssyncset.done $0x0  }
0x56: {  	[sflag:s12] =	ssyncadd.s32 $0xFFFFF000  }
0x57: {  	[tilespmem:s3], [sflag:$0x3] =	stream.linear.gather [hbm4b:s8+s3], $0x5000, $0x38;
	[tilespmem:$0x10D20] =	vst v63  }
0x58: {  	_ =	swait.ge [sflag:s12], $0x5000  }
0x59: {  	[sflag:s12] =	ssyncset.done $0x0  }
0x5a: {  	[sflag:s12] =	ssyncadd.s32 $0xFFFFB000  }
0x5b: {  	[tilespmem:s15], [sflag:$0x1] =	stream.indirect.gather [spmem:s2], $0x20, s3, s14, $0xb8;
	[tilespmem:$0x10D20] =	vst v63  }
0x5c: {  	_ =	swait.ge [sflag:s16], $0x1000  }
0x5d: {  	[sflag:s16] =	ssyncset.done $0x0  }
0x5e: {  	s23 =	simm.s32 $0x100;
	[sflag:s16] =	ssyncadd.s32 $0xFFFFF000  }
0x5f: {  	[tilespmem:s17], [sflag:$0x2] =	stream.indirect.gather [spmem:s2], $0x20, s23, s14, $0xb8;
	[tilespmem:$0x10D20] =	vst v63  }
0x60: {  	s29 =	simm.s32 $0x80  }
0x61: {  	[spmem:s0] =	stream.indirect.scatter.add.bf16 [tilespmem:s15], [sflag:$0x3], $0x20, s29, s14, $0xb8;
	[tilespmem:$0x10D20] =	vst v63  }
0x62: {  	_ =	swait.ge [sflag:s12], $0x1000  }
0x63: {  	[sflag:s12] =	ssyncset.done $0x0  }
0x64: {  	[sflag:s12] =	ssyncadd.s32 $0xFFFFF000  }
0x65: {  	_ =	swait.ge [sflag:s18], $0x1000  }
0x66: {  	[sflag:s18] =	ssyncset.done $0x0  }
0x67: {  	s30 =	simm.s32 $0x200;
	[sflag:s18] =	ssyncadd.s32 $0xFFFFF000  }
0x68: {  	[tilespmem:s15], [sflag:$0x1] =	stream.indirect.gather [spmem:s2], $0x20, s30, s14, $0xb8;
	[tilespmem:$0x10D20] =	vst v63  }
0x69: {  	s31 =	simm.s32 $0x180  }
0x6a: {  	[spmem:s0] =	stream.indirect.scatter.add.bf16 [tilespmem:s17], [sflag:$0x3], $0x20, s31, s14, $0xb8;
	[tilespmem:$0x10D20] =	vst v63  }
0x6b: {  	_ =	swait.ge [sflag:s12], $0x1000  }
0x6c: {  	s23 =	simm.s32 $0xFFFED000;
	[sflag:s12] =	ssyncset.done $0x0  }
.LBB2_4:
0x6d: {  	p1 =	sne.s32 s23, $0xFFFFF800  }
0x6e: {  	[sflag:s12] =	ssyncadd.s32 $0xFFFFF000;
	s24 =	smov.u32 s23;
	s23 =	sadd.s32 $0x800, s23  }
0x6f: {  	_ = 	snop  }
0x70: {  	_ =	swait.ge [sflag:s16], $0x1000  }
0x71: {  	s24 =	sshra.s32 s24, $0x2;
	[sflag:s16] =	ssyncset.done $0x0  }
0x72: {  	s25 =	sadd.s32 $0x4F00, s24;
	[sflag:s16] =	ssyncadd.s32 $0xFFFFF000  }
0x73: {  	[tilespmem:s17], [sflag:$0x2] =	stream.indirect.gather [spmem:s2], $0x20, s25, s14, $0xb8;
	[tilespmem:$0x10D20] =	vst v63  }
0x74: {  	s25 =	sadd.s32 $0x4E80, s24  }
0x75: {  	[spmem:s0] =	stream.indirect.scatter.add.bf16 [tilespmem:s15], [sflag:$0x3], $0x20, s25, s14, $0xb8;
	[tilespmem:$0x10D20] =	vst v63  }
0x76: {  	_ =	swait.ge [sflag:s12], $0x1000  }
0x77: {  	[sflag:s12] =	ssyncset.done $0x0  }
0x78: {  	[sflag:s12] =	ssyncadd.s32 $0xFFFFF000  }
0x79: {  	_ =	swait.ge [sflag:s18], $0x1000  }
0x7a: {  	[sflag:s18] =	ssyncset.done $0x0  }
0x7b: {  	s25 =	sadd.s32 $0x5000, s24;
	[sflag:s18] =	ssyncadd.s32 $0xFFFFF000  }
0x7c: {  	[tilespmem:s15], [sflag:$0x1] =	stream.indirect.gather [spmem:s2], $0x20, s25, s14, $0xb8;
	[tilespmem:$0x10D20] =	vst v63  }
.Ltmp1:
0x7d: {  	_ = 	snop;
	(pc) =	sbr.rel @p1 .LBB2_4-.Ltmp1, $4  }
0x7e: {  	s24 =	sadd.s32 $0x4F80, s24  }
0x7f: {  	[spmem:s0] =	stream.indirect.scatter.add.bf16 [tilespmem:s17], [sflag:$0x3], $0x20, s24, s14, $0xb8;
	[tilespmem:$0x10D20] =	vst v63  }
0x80: {  	_ =	swait.ge [sflag:s12], $0x1000  }
0x81: {  	[sflag:s12] =	ssyncset.done $0x0  }
0x82: {  	[sflag:s12] =	ssyncadd.s32 $0xFFFFF000  }
0x83: {  	_ =	swait.ge [sflag:s16], $0x1000  }
0x84: {  	[sflag:s16] =	ssyncset.done $0x0  }
0x85: {  	[sflag:s16] =	ssyncadd.s32 $0xFFFFF000  }
0x86: {  	[tilespmem:s17], [sflag:$0x2] =	stream.indirect.gather [spmem:s2], $0x20, s19, s14, $0xb8;
	[tilespmem:$0x10D20] =	vst v63  }
0x87: {  	_ = 	snop  }
0x88: {  	[spmem:s0] =	stream.indirect.scatter.add.bf16 [tilespmem:s15], [sflag:$0x3], $0x20, s20, s14, $0xb8;
	[tilespmem:$0x10D20] =	vst v63  }
0x89: {  	_ =	swait.ge [sflag:s12], $0x1000  }
0x8a: {  	[sflag:s12] =	ssyncset.done $0x0  }
0x8b: {  	[sflag:s12] =	ssyncadd.s32 $0xFFFFF000  }
0x8c: {  	_ =	swait.ge [sflag:s18], $0x1000  }
0x8d: {  	[sflag:s18] =	ssyncset.done $0x0  }
0x8e: {  	[sflag:s18] =	ssyncadd.s32 $0xFFFFF000  }
0x8f: {  	[spmem:s0] =	stream.indirect.scatter.add.bf16 [tilespmem:s17], [sflag:$0x3], $0x20, s21, s14, $0xb8;
	[tilespmem:$0x10D20] =	vst v63  }
0x90: {  	_ =	swait.ge [sflag:s12], $0x1000  }
0x91: {  	s22 =	sadd.s32 $0x1, s22;
	[sflag:s12] =	ssyncset.done $0x0  }
0x92: {  	p1 =	sne.s32 s22, s10;
	[sflag:s12] =	ssyncadd.s32 $0xFFFFF000  }
.Ltmp2:
0x93: {  	[bflag:$0x0] =	sbarrier.arrive $0xFFFF;
	(pc) =	sbr.rel @p1 .LBB2_1-.Ltmp2, $4  }
0x94: {  	[hbm:s9], [sflag:s6] =	dma.local [spmem:s11], $0x9E0  }
0x95: {  	_ =	swait.ge [sflag:s12], $0x9E0  }
0x96: {  	[sflag:s12] =	ssyncset.done $0x0  }
0x97: {  	[sflag:s12] =	ssyncadd.s32 $0xFFFFF620  }
0x98: {  	_ =	sfence.sel $0x180000  }
0x99: {  	[bflag:$0x0] =	sbarrier.arrive $0xFFFF  }
0x9a: {  	_ =	strace $0x9000004D  }
0x9b: {  	s0 =	sadd.s32 @!p0 $0x100000, s1;
	[bflag:$0x2] =	sbarrier.arrive $0xFFFF  }
0x9c: {  	[sflag:s0] =	ssyncadd.tile.s32 @!p0 $0x1;
	_ =	shalt  }
.Lfunc_end2:
_tile_overlayer_lowered:
.L_overlay_start_2:
0x9d: {  	(tag) =	ssettag $0x2  }
0x9e: {  	s0 =	rddreg [dreg:$0x0];
	s2 =	stileid.u32  }
0x9f: {  	s1 =	rddreg [dreg:$0x1];
	p0 =	sne.s32 s2, $0x0  }
0xa0: {  	s3 =	rddreg [dreg:$0x2];
	[bflag:$0x3] =	sbarrier.arrive $0xFFFF;
	s2 =	simm.s32 @!p0 $0x1C03  }
0xa1: {  	[timem:s3], [sflag:s2] =	dma.local @!p0 [hbm:s0], s1  }
0xa2: {  	s0 =	simm.s32 @!p0 $0x3  }
0xa3: {  	_ =	swait.ge @!p0 [sflag:s0], s1  }
0xa4: {  	s1 =	ssub.s32 @!p0 $0x0, s1;
	[sflag:s0] =	ssyncset.done @!p0 $0x0  }
0xa5: {  	[sflag:s0] =	ssyncadd.s32 @!p0 s1  }
0xa6: {  	[bflag:$0x3] =	sbarrier.arrive $0xFFFF  }
0xa7: {  	_ =	shalt  }

// kernel: kernel.18.cloned.1.call-start
scs
__scs_entry_jumppad:
0x0: {  	(pc) =	sbr.rel $0x88, $3  }
0x1: {  	(tag) =	ssettag $0x0;
	lr =	simm.s32 $0x1  }
0x2: {  	[smem:$0x3F96] =	sst lr;
	_ =	strace $0xD0000000  }
0x3: {  	_ = 	snop  }
0x4: {  	_ = 	snop  }
0x5: {  	_ = 	snop  }
0x6: {  	_ = 	snop  }
0x7: {  	_ = 	snop  }
__scs_overlays_trampoline_lowered:
0x8: {  	[smem:$0x3FA5] =	sst s0  }
0x9: {  	[smem:$0x3FA6] =	sst s1  }
0xa: {  	[smem:$0x3FA7] =	sst s2  }
0xb: {  	[smem:$0x3FA8] =	sst s3  }
0xc: {  	[smem:$0x3FA9] =	sst s4  }
0xd: {  	[smem:$0x3FAA] =	sst s5  }
0xe: {  	[smem:$0x3FAB] =	sst s6  }
0xf: {  	[smem:$0x3FAC] =	sst s7  }
0x10: {  	[smem:$0x3FAD] =	sst s8  }
0x11: {  	[smem:$0x3FAE] =	sst s9;
	s0 =	simm.s32 @!p0 $0x0  }
0x12: {  	s1 =	sld [smem:$0x3F94];
	s0 =	simm.s32 @p0 $0x1  }
0x13: {  	[smem:$0x3FAF] =	sst s0;
	s0 =	simm.s32 @!p1 $0x0  }
0x14: {  	s2 =	sld [smem:$0x3F93];
	s0 =	simm.s32 @p1 $0x1  }
0x15: {  	[smem:$0x3FB0] =	sst s0;
	s0 =	simm.s32 @!p2 $0x0  }
0x16: {  	s3 =	sld [smem:$0x3FDB];
	s0 =	simm.s32 @p2 $0x1  }
0x17: {  	s4 =	simm.s32 $0x1BF5;
	[smem:$0x3FB2] =	sst s0  }
0x18: {  	s0 =	sld [smem:$0x3F95];
	_ =	swait.ge [sflag:s4], $0x0  }
0x19: {  	s7 =	sld [smem:$0x3F96]  }
0x1a: {  	s8 =	sadd.s32 $0xFFFFE003, lr  }
0x1b: {  	s9 =	sadd.s32 $0xFFFFFEF7, lr;
	s5 =	simm.s32 $0xFFFFFFFF;
	p2 =	slt.u32 s8, $0xFFFFF086  }
0x1c: {  	p1 =	slt.u32 s9, $0xF7A;
	s5 =	simm.s32 @!p2 $0x0  }
0x1d: {  	s5 =	simm.s32 @p1 $0x1;
	p0 =	seq.s32 s7, s2  }
0x1e: {  	s7 =	smul.u32 @!p0 $0xF7A, s2;
	p2 =	seq.s32 @!p0 s5, $0x0  }
0x1f: {  	s9 =	smul.u32 $0xF7A, s1;
	s8 =	simm.s32 @!p0 $0x1BF5;
	p2 =	por !p2, p0  }
0x20: {  	[sflag:s8] =	ssyncset.s32 @!p0 $0xFFFFF086;
	s6 =	sadd.s32 @!p0 s3, s7;
	s7 =	simm.s32 @!p0 $0x108  }
0x21: {  	s3 =	sadd.s32 s3, s9;
	s6 =	sadd.s32 @!p0 $0x88, s6;
	s7 =	simm.s32 @p2 $0x1082  }
0x22: {  	[simem:s7], [sflag:s8] =	dma.local @!p0 [hbm:s6], $0xF7A  }
0x23: {  	s9 =	sor.u32 $0xD0000000, s2;
	s6 =	simm.s32 $0x108;
	_ =	swait.ge @!p0 [sflag:s8], $0x0  }
0x24: {  	s3 =	sadd.s32 $0x88, s3;
	s6 =	simm.s32 @!p1 $0x1082;
	[sflag:s4] =	ssyncset.s32 $0xFFFFF086  }
0x25: {  	[simem:s6], [sflag:s4] =	dma.local [hbm:s3], $0xF7A  }
0x26: {  	[smem:$0x3F96] =	sst s1;
	(tag) =	ssettag s2;
	_ =	strace s9  }
0x27: {  	s1 =	sld [smem:$0x3FA6]  }
0x28: {  	s2 =	sld [smem:$0x3FA7]  }
0x29: {  	s4 =	sld [smem:$0x3FA9]  }
0x2a: {  	p0 =	seq.s32 s5, $0x0;
	s5 =	sld [smem:$0x3FAA]  }
0x2b: {  	s6 =	sld [smem:$0x3FAB]  }
0x2c: {  	s7 =	sld [smem:$0x3FAC]  }
0x2d: {  	s3 =	simm.s32 $0x108;
	s8 =	sld [smem:$0x3FAD]  }
0x2e: {  	s3 =	simm.s32 @!p0 $0x1082;
	s9 =	sld [smem:$0x3FAE]  }
0x2f: {  	lr =	sadd.s32 s0, s3;
	s0 =	sld [smem:$0x3FA5]  }
0x30: {  	s3 =	sld [smem:$0x3FA8]  }
0x31: {  	[smem:$0x3FB1] =	sst s10  }
0x32: {  	s10 =	sld [smem:$0x3FAF];
	_ =	sdelay $0x3  }
0x33: {  	p0 =	seq.s32 s10, $0x1;
	s10 =	sld [smem:$0x3FB1];
	_ =	sdelay $0x3  }
0x34: {  	[smem:$0x3FB1] =	sst s10  }
0x35: {  	s10 =	sld [smem:$0x3FB0];
	_ =	sdelay $0x3  }
0x36: {  	p1 =	seq.s32 s10, $0x1;
	s10 =	sld [smem:$0x3FB1];
	_ =	sdelay $0x3  }
0x37: {  	[smem:$0x3FB1] =	sst s10  }
0x38: {  	s10 =	sld [smem:$0x3FB2]  }
0x39: {  	_ = 	snop;
	(pc) =	sbr.ind lr, $3  }
0x3a: {  	_ = 	snop  }
0x3b: {  	_ = 	snop  }
0x3c: {  	p2 =	seq.s32 s10, $0x1;
	s10 =	sld [smem:$0x3FB1]  }
0x3d: {  	_ =	shalt  }
0x3e: {  	_ =	shalt  }
0x3f: {  	_ =	shalt  }
0x40: {  	_ =	shalt  }
0x41: {  	_ =	shalt  }
0x42: {  	_ =	shalt  }
0x43: {  	_ =	shalt  }
0x44: {  	_ =	shalt  }
0x45: {  	_ =	shalt  }
0x46: {  	_ =	shalt  }
0x47: {  	_ =	shalt  }
0x48: {  	_ =	shalt  }
0x49: {  	_ =	shalt  }
0x4a: {  	_ =	shalt  }
0x4b: {  	_ =	shalt  }
0x4c: {  	_ =	shalt  }
0x4d: {  	_ =	shalt  }
0x4e: {  	_ =	shalt  }
0x4f: {  	_ =	shalt  }
0x50: {  	_ =	shalt  }
0x51: {  	_ =	shalt  }
0x52: {  	_ =	shalt  }
0x53: {  	_ =	shalt  }
0x54: {  	_ =	shalt  }
0x55: {  	_ =	shalt  }
0x56: {  	_ =	shalt  }
0x57: {  	_ =	shalt  }
0x58: {  	_ =	shalt  }
0x59: {  	_ =	shalt  }
0x5a: {  	_ =	shalt  }
0x5b: {  	_ =	shalt  }
0x5c: {  	_ =	shalt  }
0x5d: {  	_ =	shalt  }
0x5e: {  	_ =	shalt  }
0x5f: {  	_ =	shalt  }
0x60: {  	_ =	shalt  }
0x61: {  	_ =	shalt  }
0x62: {  	_ =	shalt  }
0x63: {  	_ =	shalt  }
0x64: {  	_ =	shalt  }
0x65: {  	_ =	shalt  }
0x66: {  	_ =	shalt  }
0x67: {  	_ =	shalt  }
0x68: {  	_ =	shalt  }
0x69: {  	_ =	shalt  }
0x6a: {  	_ =	shalt  }
0x6b: {  	_ =	shalt  }
0x6c: {  	_ =	shalt  }
0x6d: {  	_ =	shalt  }
0x6e: {  	_ =	shalt  }
0x6f: {  	_ =	shalt  }
0x70: {  	_ =	shalt  }
0x71: {  	_ =	shalt  }
0x72: {  	_ =	shalt  }
0x73: {  	_ =	shalt  }
0x74: {  	_ =	shalt  }
0x75: {  	_ =	shalt  }
0x76: {  	_ =	shalt  }
0x77: {  	_ =	shalt  }
0x78: {  	_ =	shalt  }
0x79: {  	_ =	shalt  }
0x7a: {  	_ =	shalt  }
0x7b: {  	_ =	shalt  }
0x7c: {  	_ =	shalt  }
0x7d: {  	_ =	shalt  }
0x7e: {  	_ =	shalt  }
0x7f: {  	_ =	shalt  }
0x80: {  	_ =	shalt  }
0x81: {  	_ =	shalt  }
0x82: {  	_ =	shalt  }
0x83: {  	_ =	shalt  }
0x84: {  	_ =	shalt  }
0x85: {  	_ =	shalt  }
0x86: {  	_ =	shalt  }
0x87: {  	_ =	shalt  }
.Lfunc_end0:
.L_simem_size_0:
called_computation.3_lowered:
.L_overlay_start_0:
0x88: {  	s2 =	sld [smem:$0x3FD9]  }
0x89: {  	s3 =	sld [smem:$0x3FFE];
	_ =	sdelay $0x1  }
0x8a: {  	s1 =	srdreg.scid  }
0x8b: {  	s0 =	sand.u32 $0x1, s1  }
0x8c: {  	s17 =	sshll.u32 s0, $0xA;
	s2 =	sadd.s32 s3, s2  }
0x8d: {  	s2 =	sadd.s32 s2, s17  }
0x8e: {  	[smem:$0x3FBD] =	sst s2  }
0x8f: {  	_ = 	snop  }
0x90: {  	s2 =	sld [smem:$0x3FD0];
	(tm) =	ssettm $0x1  }
0x91: {  	s18 =	sld [smem:$0x3FFB];
	_ =	sdelay $0x3  }
0x92: {  	_ =	strace s18  }
0x93: {  	s3 =	sld [smem:$0x3FFC];
	_ =	sdelay $0x3  }
0x94: {  	_ =	strace s3  }
0x95: {  	s3 =	sld [smem:$0x3FFD];
	_ =	sdelay $0x3  }
0x96: {  	_ =	strace s3  }
0x97: {  	_ =	strace $0x8FFFFFFF  }
0x98: {  	s19 =	sld [smem:$0x3FDB];
	_ =	sdelay $0x1  }
0x99: {  	s4 =	simm.s32 $_scs_section_size  }
0x9a: {  	s5 =	simm.s32 $_size__tile_overlayer_lowered;
	s6 =	simm.s32 $_tile_overlayer_lowered  }
0x9b: {  	s22 =	simm.s32 $0x1BFF;
	s21 =	sshll.u32 s6, $0x1;
	s3 =	sadd.s32 s4, s19  }
0x9c: {  	s7 =	simm.s32 $0x0;
	s20 =	sshll.u32 s5, $0x1;
	s5 =	sadd.s32 s21, s3  }
0x9d: {  	[timem:s7], [sflag:s22] =	dma.local [hbm:s5], s20  }
0x9e: {  	_ =	swait.ge [sflag:s22], s20  }
0x9f: {  	s4 =	ssub.s32 $0x0, s20;
	[sflag:s22] =	ssyncset.done $0x0  }
0xa0: {  	[sflag:s22] =	ssyncadd.s32 s4;
	_ =	sdelay $0x1  }
0xa1: {  	s23 =	simm.s32 $0x1B8B  }
0xa2: {  	_ =	swait.ge [sflag:s23], $0x1  }
0xa3: {  	[sflag:s23] =	ssyncset.done $0x0  }
0xa4: {  	s25 =	simm.s32 $0x1B8E;
	s24 =	sld [smem:$0x3FFE];
	[sflag:s23] =	ssyncadd.s32 $0xFFFFFFFF  }
0xa5: {  	s26 =	simm.s32 $execute0_lowered;
	[smem:$0x3FD2] =	sst s25  }
0xa6: {  	s5 =	sshll.u32 s26, $0x1;
	_ =	strace $0x8000004F;
	[dreg:$0x1] =	wrdreg $0xFFFFFFFF  }
0xa7: {  	s28 =	simm.s32 $_size_execute0_lowered;
	s3 =	sadd.s32 s3, s5;
	[dreg:$0x0] =	wrdreg $0x0  }
0xa8: {  	s5 =	sshll.u32 s28, $0x1;
	[dreg:$0x2] =	wrdreg s3  }
0xa9: {  	[dreg:$0x3] =	wrdreg s5  }
0xaa: {  	[dreg:$0x4] =	wrdreg $0xC0  }
0xab: {  	_ =	task [dreg:s7], $0x5FFFF  }
0xac: {  	[dreg:$0x1] =	wrdreg $0xFFFFFFFF  }
0xad: {  	[dreg:$0x0] =	wrdreg $0x60  }
0xae: {  	[dreg:$0x2] =	wrdreg s24  }
0xaf: {  	[dreg:$0x3] =	wrdreg s2  }
0xb0: {  	[dreg:$0x4] =	wrdreg $0xBE200  }
0xb1: {  	[dreg:$0x5] =	wrdreg $0x70000  }
0xb2: {  	[dreg:$0x6] =	wrdreg $0x9  }
0xb3: {  	_ =	task.clear_ibuf [dreg:s7], $0x7FFFF;
	_ =	strace $0x9000004F  }
0xb4: {  	s29 =	simm.s32 $0x9;
	_ =	strace $0x80000051  }
0xb5: {  	_ =	swait.ge [sflag:s29], $0x1  }
0xb6: {  	[sflag:s29] =	ssyncadd.s32 $0xFFFFFFFF  }
0xb7: {  	_ =	strace $0x90000051  }
0xb8: {  	_ =	sfence  }
0xb9: {  	s30 =	sld [smem:$0x0];
	_ =	sdelay $0x2  }
0xba: {  	s31 =	sshll.u32 s1, $0xD;
	s1 =	sshrl.u32 s1, $0x2  }
0xbb: {  	s3 =	sand.u32 $0x4000, s31;
	s1 =	sadd.s32 s1, s30  }
0xbc: {  	s0 =	sor.u32 s3, s0;
	s1 =	sshll.u32 s1, $0x11  }
0xbd: {  	s0 =	sor.u32 s1, s0  }
0xbe: {  	s0 =	sadd.s32 $0x8F2B, s0  }
0xbf: {  	[sflag:s0] =	ssyncadd.remote.s32 $0x1  }
0xc0: {  	_ =	sfence.sel $0xFFFF  }
0xc1: {  	[dreg:$0x0] =	wrdreg $0xFFFFFFFF;
	(pc) =	sbr.abs _section_cstart, $3  }
0xc2: {  	[dreg:$0x1] =	wrdreg $0xFFFFFFFF  }
0xc3: {  	_ =	task.clear_ibuf [dreg:s7], $0x2FFFF;
	_ =	strace $0x9FFFFFFF  }
0xc4: {  	(tm) =	ssettm $0x7FFFFFFF  }
0xc5: {  	_ =	shalt  }
tec
execute0_lowered:
.L_overlay_start_1:
0x0: {  	(tag) =	ssettag $0x1  }
0x1: {  	s5 =	rddreg [dreg:$0x0]  }
0x2: {  	s6 =	rddreg [dreg:$0x1]  }
0x3: {  	s1 =	srdreg.scid;
	s0 =	rddreg [dreg:$0x2]  }
0x4: {  	s11 =	stileid.u32;
	s2 =	rddreg [dreg:$0x3];
	s3 =	simm.s32 $0x0  }
0x5: {  	s14 =	simm.s32 $0x80;
	s15 =	simm.s32 $0x5000;
	s16 =	simm.s32 $0x1  }
0x6: {  	s17 =	simm.s32 $0x6000;
	s18 =	simm.s32 $0x2;
	s19 =	simm.s32 $0x4F00  }
0x7: {  	s20 =	simm.s32 $0x4E80;
	s21 =	simm.s32 $0x4F80;
	s8 =	smul.u32 $0x9E00, s11  }
0x8: {  	s4 =	sand.u32 $0x1, s1;
	s1 =	rddreg [dreg:$0x4];
	s12 =	smul.u32 $0xA000, s11  }
0x9: {  	s22 =	simm.s32 $0x0;
	[smem:$0x7FF] =	sst s3;
	s7 =	smul.u32 $0x9C40, s4  }
0xa: {  	s13 =	sshll.u32 s11, $0x6;
	p0 =	sne.s32 s11, $0x0;
	s9 =	smul.u32 $0x9E000, s4  }
0xb: {  	_ =	strace $0x80000050;
	s10 =	ssub.s32 $0x2, s4;
	s4 =	sadd.s32 $0x2600, s5  }
0xc: {  	s28 =	sshrl.u32 s10, $0x1;
	s29 =	sshrl.u32 s8, $0x1;
	s30 =	sshrl.u32 s12, $0x3  }
0xd: {  	s12 =	simm.s32 $0x3;
	s7 =	sadd.s32 s7, s5;
	s9 =	sadd.s32 s8, s9  }
0xe: {  	s10 =	ssub.s32 s10, s28;
	s31 =	sadd.s32 s29, s0;
	s9 =	sshrl.u32 s9, $0x4  }
0xf: {  	s7 =	sadd.s32 $0x3000, s7;
	s10 =	smax.u32 s10, $0x1;
	s11 =	sshrl.u32 s31, $0x3  }
0x10: {  	s9 =	sadd.s32 s9, s5;
	s5 =	sadd.s32 s6, s30;
	s6 =	sor.u32 $0x1C03, s13  }
0x11: {  	s13 =	sshrl.u32 @!p0 s2, $0x3;
	s8 =	sadd.s32 $0xA00, s5;
	s9 =	sadd.s32 $0x16A00, s9  }
.LBB2_1:
0x12: {  	[spmem:s11], [sflag:s6] =	dma.local [hbm:s4], $0x9E0  }
0x13: {  	_ =	swait.ge [sflag:s12], $0x9E0  }
0x14: {  	[sflag:s12] =	ssyncset.done $0x0  }
0x15: {  	s23 =	simm.s32 @!p0 $0x3;
	[sflag:s12] =	ssyncadd.s32 $0xFFFFF620  }
0x16: {  	[spmem:s13], [sflag:s6] =	dma.local @!p0 [hbm:s7], $0x9C40  }
0x17: {  	_ =	swait.ge @!p0 [sflag:s23], $0x9C40  }
0x18: {  	[sflag:s23] =	ssyncset.done @!p0 $0x0  }
0x19: {  	[sflag:s23] =	ssyncadd.s32 @!p0 $0xFFFF63C0  }
0x1a: {  	[bflag:$0x0] =	sbarrier.arrive $0xFFFF  }
0x1b: {  	[tilespmem:s3], [sflag:$0x3] =	stream.linear.gather [hbm4b:s5+s3], $0x5000, $0x38;
	[tilespmem:$0x10D20] =	vst v63  }
0x1c: {  	_ =	swait.ge [sflag:s12], $0x5000  }
0x1d: {  	[sflag:s12] =	ssyncset.done $0x0  }
0x1e: {  	[sflag:s12] =	ssyncadd.s32 $0xFFFFB000  }
0x1f: {  	[tilespmem:s15], [sflag:$0x1] =	stream.indirect.gather [spmem:s2], $0x20, s3, s14, $0xb8;
	[tilespmem:$0x10D20] =	vst v63  }
0x20: {  	_ =	swait.ge [sflag:s16], $0x1000  }
0x21: {  	[sflag:s16] =	ssyncset.done $0x0  }
0x22: {  	s28 =	simm.s32 $0x100;
	[sflag:s16] =	ssyncadd.s32 $0xFFFFF000  }
0x23: {  	[tilespmem:s17], [sflag:$0x2] =	stream.indirect.gather [spmem:s2], $0x20, s28, s14, $0xb8;
	[tilespmem:$0x10D20] =	vst v63  }
0x24: {  	s29 =	simm.s32 $0x80  }
0x25: {  	[spmem:s0] =	stream.indirect.scatter.add.bf16 [tilespmem:s15], [sflag:$0x3], $0x20, s29, s14, $0xb8;
	[tilespmem:$0x10D20] =	vst v63  }
0x26: {  	_ =	swait.ge [sflag:s12], $0x1000  }
0x27: {  	[sflag:s12] =	ssyncset.done $0x0  }
0x28: {  	[sflag:s12] =	ssyncadd.s32 $0xFFFFF000  }
0x29: {  	_ =	swait.ge [sflag:s18], $0x1000  }
0x2a: {  	[sflag:s18] =	ssyncset.done $0x0  }
0x2b: {  	s30 =	simm.s32 $0x200;
	[sflag:s18] =	ssyncadd.s32 $0xFFFFF000  }
0x2c: {  	[tilespmem:s15], [sflag:$0x1] =	stream.indirect.gather [spmem:s2], $0x20, s30, s14, $0xb8;
	[tilespmem:$0x10D20] =	vst v63  }
0x2d: {  	s31 =	simm.s32 $0x180  }
0x2e: {  	[spmem:s0] =	stream.indirect.scatter.add.bf16 [tilespmem:s17], [sflag:$0x3], $0x20, s31, s14, $0xb8;
	[tilespmem:$0x10D20] =	vst v63  }
0x2f: {  	_ =	swait.ge [sflag:s12], $0x1000  }
0x30: {  	s23 =	simm.s32 $0xFFFED000;
	[sflag:s12] =	ssyncset.done $0x0  }
.LBB2_2:
0x31: {  	p1 =	sne.s32 s23, $0xFFFFF800  }
0x32: {  	[sflag:s12] =	ssyncadd.s32 $0xFFFFF000;
	s24 =	smov.u32 s23;
	s23 =	sadd.s32 $0x800, s23  }
0x33: {  	_ = 	snop  }
0x34: {  	_ =	swait.ge [sflag:s16], $0x1000  }
0x35: {  	s24 =	sshra.s32 s24, $0x2;
	[sflag:s16] =	ssyncset.done $0x0  }
0x36: {  	s25 =	sadd.s32 $0x4F00, s24;
	[sflag:s16] =	ssyncadd.s32 $0xFFFFF000  }
0x37: {  	[tilespmem:s17], [sflag:$0x2] =	stream.indirect.gather [spmem:s2], $0x20, s25, s14, $0xb8;
	[tilespmem:$0x10D20] =	vst v63  }
0x38: {  	s25 =	sadd.s32 $0x4E80, s24  }
0x39: {  	[spmem:s0] =	stream.indirect.scatter.add.bf16 [tilespmem:s15], [sflag:$0x3], $0x20, s25, s14, $0xb8;
	[tilespmem:$0x10D20] =	vst v63  }
0x3a: {  	_ =	swait.ge [sflag:s12], $0x1000  }
0x3b: {  	[sflag:s12] =	ssyncset.done $0x0  }
0x3c: {  	[sflag:s12] =	ssyncadd.s32 $0xFFFFF000  }
0x3d: {  	_ =	swait.ge [sflag:s18], $0x1000  }
0x3e: {  	[sflag:s18] =	ssyncset.done $0x0  }
0x3f: {  	s25 =	sadd.s32 $0x5000, s24;
	[sflag:s18] =	ssyncadd.s32 $0xFFFFF000  }
0x40: {  	[tilespmem:s15], [sflag:$0x1] =	stream.indirect.gather [spmem:s2], $0x20, s25, s14, $0xb8;
	[tilespmem:$0x10D20] =	vst v63  }
.Ltmp0:
0x41: {  	_ = 	snop;
	(pc) =	sbr.rel @p1 .LBB2_2-.Ltmp0, $4  }
0x42: {  	s24 =	sadd.s32 $0x4F80, s24  }
0x43: {  	[spmem:s0] =	stream.indirect.scatter.add.bf16 [tilespmem:s17], [sflag:$0x3], $0x20, s24, s14, $0xb8;
	[tilespmem:$0x10D20] =	vst v63  }
0x44: {  	_ =	swait.ge [sflag:s12], $0x1000  }
0x45: {  	[sflag:s12] =	ssyncset.done $0x0  }
0x46: {  	[sflag:s12] =	ssyncadd.s32 $0xFFFFF000  }
0x47: {  	_ =	swait.ge [sflag:s16], $0x1000  }
0x48: {  	[sflag:s16] =	ssyncset.done $0x0  }
0x49: {  	[sflag:s16] =	ssyncadd.s32 $0xFFFFF000  }
0x4a: {  	[tilespmem:s17], [sflag:$0x2] =	stream.indirect.gather [spmem:s2], $0x20, s19, s14, $0xb8;
	[tilespmem:$0x10D20] =	vst v63  }
0x4b: {  	_ = 	snop  }
0x4c: {  	[spmem:s0] =	stream.indirect.scatter.add.bf16 [tilespmem:s15], [sflag:$0x3], $0x20, s20, s14, $0xb8;
	[tilespmem:$0x10D20] =	vst v63  }
0x4d: {  	_ =	swait.ge [sflag:s12], $0x1000  }
0x4e: {  	[sflag:s12] =	ssyncset.done $0x0  }
0x4f: {  	[sflag:s12] =	ssyncadd.s32 $0xFFFFF000  }
0x50: {  	_ =	swait.ge [sflag:s18], $0x1000  }
0x51: {  	[sflag:s18] =	ssyncset.done $0x0  }
0x52: {  	[sflag:s18] =	ssyncadd.s32 $0xFFFFF000  }
0x53: {  	[spmem:s0] =	stream.indirect.scatter.add.bf16 [tilespmem:s17], [sflag:$0x3], $0x20, s21, s14, $0xb8;
	[tilespmem:$0x10D20] =	vst v63  }
0x54: {  	_ =	swait.ge [sflag:s12], $0x1000  }
0x55: {  	[sflag:s12] =	ssyncset.done $0x0  }
0x56: {  	[sflag:s12] =	ssyncadd.s32 $0xFFFFF000  }
0x57: {  	[tilespmem:s3], [sflag:$0x3] =	stream.linear.gather [hbm4b:s8+s3], $0x5000, $0x38;
	[tilespmem:$0x10D20] =	vst v63  }
0x58: {  	_ =	swait.ge [sflag:s12], $0x5000  }
0x59: {  	[sflag:s12] =	ssyncset.done $0x0  }
0x5a: {  	[sflag:s12] =	ssyncadd.s32 $0xFFFFB000  }
0x5b: {  	[tilespmem:s15], [sflag:$0x1] =	stream.indirect.gather [spmem:s2], $0x20, s3, s14, $0xb8;
	[tilespmem:$0x10D20] =	vst v63  }
0x5c: {  	_ =	swait.ge [sflag:s16], $0x1000  }
0x5d: {  	[sflag:s16] =	ssyncset.done $0x0  }
0x5e: {  	s23 =	simm.s32 $0x100;
	[sflag:s16] =	ssyncadd.s32 $0xFFFFF000  }
0x5f: {  	[tilespmem:s17], [sflag:$0x2] =	stream.indirect.gather [spmem:s2], $0x20, s23, s14, $0xb8;
	[tilespmem:$0x10D20] =	vst v63  }
0x60: {  	s29 =	simm.s32 $0x80  }
0x61: {  	[spmem:s0] =	stream.indirect.scatter.add.bf16 [tilespmem:s15], [sflag:$0x3], $0x20, s29, s14, $0xb8;
	[tilespmem:$0x10D20] =	vst v63  }
0x62: {  	_ =	swait.ge [sflag:s12], $0x1000  }
0x63: {  	[sflag:s12] =	ssyncset.done $0x0  }
0x64: {  	[sflag:s12] =	ssyncadd.s32 $0xFFFFF000  }
0x65: {  	_ =	swait.ge [sflag:s18], $0x1000  }
0x66: {  	[sflag:s18] =	ssyncset.done $0x0  }
0x67: {  	s30 =	simm.s32 $0x200;
	[sflag:s18] =	ssyncadd.s32 $0xFFFFF000  }
0x68: {  	[tilespmem:s15], [sflag:$0x1] =	stream.indirect.gather [spmem:s2], $0x20, s30, s14, $0xb8;
	[tilespmem:$0x10D20] =	vst v63  }
0x69: {  	s31 =	simm.s32 $0x180  }
0x6a: {  	[spmem:s0] =	stream.indirect.scatter.add.bf16 [tilespmem:s17], [sflag:$0x3], $0x20, s31, s14, $0xb8;
	[tilespmem:$0x10D20] =	vst v63  }
0x6b: {  	_ =	swait.ge [sflag:s12], $0x1000  }
0x6c: {  	s23 =	simm.s32 $0xFFFED000;
	[sflag:s12] =	ssyncset.done $0x0  }
.LBB2_4:
0x6d: {  	p1 =	sne.s32 s23, $0xFFFFF800  }
0x6e: {  	[sflag:s12] =	ssyncadd.s32 $0xFFFFF000;
	s24 =	smov.u32 s23;
	s23 =	sadd.s32 $0x800, s23  }
0x6f: {  	_ = 	snop  }
0x70: {  	_ =	swait.ge [sflag:s16], $0x1000  }
0x71: {  	s24 =	sshra.s32 s24, $0x2;
	[sflag:s16] =	ssyncset.done $0x0  }
0x72: {  	s25 =	sadd.s32 $0x4F00, s24;
	[sflag:s16] =	ssyncadd.s32 $0xFFFFF000  }
0x73: {  	[tilespmem:s17], [sflag:$0x2] =	stream.indirect.gather [spmem:s2], $0x20, s25, s14, $0xb8;
	[tilespmem:$0x10D20] =	vst v63  }
0x74: {  	s25 =	sadd.s32 $0x4E80, s24  }
0x75: {  	[spmem:s0] =	stream.indirect.scatter.add.bf16 [tilespmem:s15], [sflag:$0x3], $0x20, s25, s14, $0xb8;
	[tilespmem:$0x10D20] =	vst v63  }
0x76: {  	_ =	swait.ge [sflag:s12], $0x1000  }
0x77: {  	[sflag:s12] =	ssyncset.done $0x0  }
0x78: {  	[sflag:s12] =	ssyncadd.s32 $0xFFFFF000  }
0x79: {  	_ =	swait.ge [sflag:s18], $0x1000  }
0x7a: {  	[sflag:s18] =	ssyncset.done $0x0  }
0x7b: {  	s25 =	sadd.s32 $0x5000, s24;
	[sflag:s18] =	ssyncadd.s32 $0xFFFFF000  }
0x7c: {  	[tilespmem:s15], [sflag:$0x1] =	stream.indirect.gather [spmem:s2], $0x20, s25, s14, $0xb8;
	[tilespmem:$0x10D20] =	vst v63  }
.Ltmp1:
0x7d: {  	_ = 	snop;
	(pc) =	sbr.rel @p1 .LBB2_4-.Ltmp1, $4  }
0x7e: {  	s24 =	sadd.s32 $0x4F80, s24  }
0x7f: {  	[spmem:s0] =	stream.indirect.scatter.add.bf16 [tilespmem:s17], [sflag:$0x3], $0x20, s24, s14, $0xb8;
	[tilespmem:$0x10D20] =	vst v63  }
0x80: {  	_ =	swait.ge [sflag:s12], $0x1000  }
0x81: {  	[sflag:s12] =	ssyncset.done $0x0  }
0x82: {  	[sflag:s12] =	ssyncadd.s32 $0xFFFFF000  }
0x83: {  	_ =	swait.ge [sflag:s16], $0x1000  }
0x84: {  	[sflag:s16] =	ssyncset.done $0x0  }
0x85: {  	[sflag:s16] =	ssyncadd.s32 $0xFFFFF000  }
0x86: {  	[tilespmem:s17], [sflag:$0x2] =	stream.indirect.gather [spmem:s2], $0x20, s19, s14, $0xb8;
	[tilespmem:$0x10D20] =	vst v63  }
0x87: {  	_ = 	snop  }
0x88: {  	[spmem:s0] =	stream.indirect.scatter.add.bf16 [tilespmem:s15], [sflag:$0x3], $0x20, s20, s14, $0xb8;
	[tilespmem:$0x10D20] =	vst v63  }
0x89: {  	_ =	swait.ge [sflag:s12], $0x1000  }
0x8a: {  	[sflag:s12] =	ssyncset.done $0x0  }
0x8b: {  	[sflag:s12] =	ssyncadd.s32 $0xFFFFF000  }
0x8c: {  	_ =	swait.ge [sflag:s18], $0x1000  }
0x8d: {  	[sflag:s18] =	ssyncset.done $0x0  }
0x8e: {  	[sflag:s18] =	ssyncadd.s32 $0xFFFFF000  }
0x8f: {  	[spmem:s0] =	stream.indirect.scatter.add.bf16 [tilespmem:s17], [sflag:$0x3], $0x20, s21, s14, $0xb8;
	[tilespmem:$0x10D20] =	vst v63  }
0x90: {  	_ =	swait.ge [sflag:s12], $0x1000  }
0x91: {  	s22 =	sadd.s32 $0x1, s22;
	[sflag:s12] =	ssyncset.done $0x0  }
0x92: {  	p1 =	sne.s32 s22, s10;
	[sflag:s12] =	ssyncadd.s32 $0xFFFFF000  }
.Ltmp2:
0x93: {  	[bflag:$0x0] =	sbarrier.arrive $0xFFFF;
	(pc) =	sbr.rel @p1 .LBB2_1-.Ltmp2, $4  }
0x94: {  	[hbm:s9], [sflag:s6] =	dma.local [spmem:s11], $0x9E0  }
0x95: {  	_ =	swait.ge [sflag:s12], $0x9E0  }
0x96: {  	[sflag:s12] =	ssyncset.done $0x0  }
0x97: {  	[sflag:s12] =	ssyncadd.s32 $0xFFFFF620  }
0x98: {  	_ =	sfence.sel $0x180000  }
0x99: {  	[bflag:$0x0] =	sbarrier.arrive $0xFFFF  }
0x9a: {  	_ =	strace $0x90000050  }
0x9b: {  	s0 =	sadd.s32 @!p0 $0x100000, s1;
	[bflag:$0x2] =	sbarrier.arrive $0xFFFF  }
0x9c: {  	[sflag:s0] =	ssyncadd.tile.s32 @!p0 $0x1;
	_ =	shalt  }
.Lfunc_end2:
_tile_overlayer_lowered:
.L_overlay_start_2:
0x9d: {  	(tag) =	ssettag $0x2  }
0x9e: {  	s0 =	rddreg [dreg:$0x0];
	s2 =	stileid.u32  }
0x9f: {  	s1 =	rddreg [dreg:$0x1];
	p0 =	sne.s32 s2, $0x0  }
0xa0: {  	s3 =	rddreg [dreg:$0x2];
	[bflag:$0x3] =	sbarrier.arrive $0xFFFF;
	s2 =	simm.s32 @!p0 $0x1C03  }
0xa1: {  	[timem:s3], [sflag:s2] =	dma.local @!p0 [hbm:s0], s1  }
0xa2: {  	s0 =	simm.s32 @!p0 $0x3  }
0xa3: {  	_ =	swait.ge @!p0 [sflag:s0], s1  }
0xa4: {  	s1 =	ssub.s32 @!p0 $0x0, s1;
	[sflag:s0] =	ssyncset.done @!p0 $0x0  }
0xa5: {  	[sflag:s0] =	ssyncadd.s32 @!p0 s1  }
0xa6: {  	[bflag:$0x3] =	sbarrier.arrive $0xFFFF  }
0xa7: {  	_ =	shalt  }

// kernel: kernel.9.cloned.1.call-start
scs
__scs_entry_jumppad:
0x0: {  	(pc) =	sbr.rel $0x88, $3  }
0x1: {  	(tag) =	ssettag $0x0;
	lr =	simm.s32 $0x1  }
0x2: {  	[smem:$0x3F96] =	sst lr;
	_ =	strace $0xD0000000  }
0x3: {  	_ = 	snop  }
0x4: {  	_ = 	snop  }
0x5: {  	_ = 	snop  }
0x6: {  	_ = 	snop  }
0x7: {  	_ = 	snop  }
__scs_overlays_trampoline_lowered:
0x8: {  	[smem:$0x3FA5] =	sst s0  }
0x9: {  	[smem:$0x3FA6] =	sst s1  }
0xa: {  	[smem:$0x3FA7] =	sst s2  }
0xb: {  	[smem:$0x3FA8] =	sst s3  }
0xc: {  	[smem:$0x3FA9] =	sst s4  }
0xd: {  	[smem:$0x3FAA] =	sst s5  }
0xe: {  	[smem:$0x3FAB] =	sst s6  }
0xf: {  	[smem:$0x3FAC] =	sst s7  }
0x10: {  	[smem:$0x3FAD] =	sst s8  }
0x11: {  	[smem:$0x3FAE] =	sst s9;
	s0 =	simm.s32 @!p0 $0x0  }
0x12: {  	s1 =	sld [smem:$0x3F94];
	s0 =	simm.s32 @p0 $0x1  }
0x13: {  	[smem:$0x3FAF] =	sst s0;
	s0 =	simm.s32 @!p1 $0x0  }
0x14: {  	s2 =	sld [smem:$0x3F93];
	s0 =	simm.s32 @p1 $0x1  }
0x15: {  	[smem:$0x3FB0] =	sst s0;
	s0 =	simm.s32 @!p2 $0x0  }
0x16: {  	s3 =	sld [smem:$0x3FDB];
	s0 =	simm.s32 @p2 $0x1  }
0x17: {  	s4 =	simm.s32 $0x1BF5;
	[smem:$0x3FB2] =	sst s0  }
0x18: {  	s0 =	sld [smem:$0x3F95];
	_ =	swait.ge [sflag:s4], $0x0  }
0x19: {  	s7 =	sld [smem:$0x3F96]  }
0x1a: {  	s8 =	sadd.s32 $0xFFFFE003, lr  }
0x1b: {  	s9 =	sadd.s32 $0xFFFFFEF7, lr;
	s5 =	simm.s32 $0xFFFFFFFF;
	p2 =	slt.u32 s8, $0xFFFFF086  }
0x1c: {  	p1 =	slt.u32 s9, $0xF7A;
	s5 =	simm.s32 @!p2 $0x0  }
0x1d: {  	s5 =	simm.s32 @p1 $0x1;
	p0 =	seq.s32 s7, s2  }
0x1e: {  	s7 =	smul.u32 @!p0 $0xF7A, s2;
	p2 =	seq.s32 @!p0 s5, $0x0  }
0x1f: {  	s9 =	smul.u32 $0xF7A, s1;
	s8 =	simm.s32 @!p0 $0x1BF5;
	p2 =	por !p2, p0  }
0x20: {  	[sflag:s8] =	ssyncset.s32 @!p0 $0xFFFFF086;
	s6 =	sadd.s32 @!p0 s3, s7;
	s7 =	simm.s32 @!p0 $0x108  }
0x21: {  	s3 =	sadd.s32 s3, s9;
	s6 =	sadd.s32 @!p0 $0x88, s6;
	s7 =	simm.s32 @p2 $0x1082  }
0x22: {  	[simem:s7], [sflag:s8] =	dma.local @!p0 [hbm:s6], $0xF7A  }
0x23: {  	s9 =	sor.u32 $0xD0000000, s2;
	s6 =	simm.s32 $0x108;
	_ =	swait.ge @!p0 [sflag:s8], $0x0  }
0x24: {  	s3 =	sadd.s32 $0x88, s3;
	s6 =	simm.s32 @!p1 $0x1082;
	[sflag:s4] =	ssyncset.s32 $0xFFFFF086  }
0x25: {  	[simem:s6], [sflag:s4] =	dma.local [hbm:s3], $0xF7A  }
0x26: {  	[smem:$0x3F96] =	sst s1;
	(tag) =	ssettag s2;
	_ =	strace s9  }
0x27: {  	s1 =	sld [smem:$0x3FA6]  }
0x28: {  	s2 =	sld [smem:$0x3FA7]  }
0x29: {  	s4 =	sld [smem:$0x3FA9]  }
0x2a: {  	p0 =	seq.s32 s5, $0x0;
	s5 =	sld [smem:$0x3FAA]  }
0x2b: {  	s6 =	sld [smem:$0x3FAB]  }
0x2c: {  	s7 =	sld [smem:$0x3FAC]  }
0x2d: {  	s3 =	simm.s32 $0x108;
	s8 =	sld [smem:$0x3FAD]  }
0x2e: {  	s3 =	simm.s32 @!p0 $0x1082;
	s9 =	sld [smem:$0x3FAE]  }
0x2f: {  	lr =	sadd.s32 s0, s3;
	s0 =	sld [smem:$0x3FA5]  }
0x30: {  	s3 =	sld [smem:$0x3FA8]  }
0x31: {  	[smem:$0x3FB1] =	sst s10  }
0x32: {  	s10 =	sld [smem:$0x3FAF];
	_ =	sdelay $0x3  }
0x33: {  	p0 =	seq.s32 s10, $0x1;
	s10 =	sld [smem:$0x3FB1];
	_ =	sdelay $0x3  }
0x34: {  	[smem:$0x3FB1] =	sst s10  }
0x35: {  	s10 =	sld [smem:$0x3FB0];
	_ =	sdelay $0x3  }
0x36: {  	p1 =	seq.s32 s10, $0x1;
	s10 =	sld [smem:$0x3FB1];
	_ =	sdelay $0x3  }
0x37: {  	[smem:$0x3FB1] =	sst s10  }
0x38: {  	s10 =	sld [smem:$0x3FB2]  }
0x39: {  	_ = 	snop;
	(pc) =	sbr.ind lr, $3  }
0x3a: {  	_ = 	snop  }
0x3b: {  	_ = 	snop  }
0x3c: {  	p2 =	seq.s32 s10, $0x1;
	s10 =	sld [smem:$0x3FB1]  }
0x3d: {  	_ =	shalt  }
0x3e: {  	_ =	shalt  }
0x3f: {  	_ =	shalt  }
0x40: {  	_ =	shalt  }
0x41: {  	_ =	shalt  }
0x42: {  	_ =	shalt  }
0x43: {  	_ =	shalt  }
0x44: {  	_ =	shalt  }
0x45: {  	_ =	shalt  }
0x46: {  	_ =	shalt  }
0x47: {  	_ =	shalt  }
0x48: {  	_ =	shalt  }
0x49: {  	_ =	shalt  }
0x4a: {  	_ =	shalt  }
0x4b: {  	_ =	shalt  }
0x4c: {  	_ =	shalt  }
0x4d: {  	_ =	shalt  }
0x4e: {  	_ =	shalt  }
0x4f: {  	_ =	shalt  }
0x50: {  	_ =	shalt  }
0x51: {  	_ =	shalt  }
0x52: {  	_ =	shalt  }
0x53: {  	_ =	shalt  }
0x54: {  	_ =	shalt  }
0x55: {  	_ =	shalt  }
0x56: {  	_ =	shalt  }
0x57: {  	_ =	shalt  }
0x58: {  	_ =	shalt  }
0x59: {  	_ =	shalt  }
0x5a: {  	_ =	shalt  }
0x5b: {  	_ =	shalt  }
0x5c: {  	_ =	shalt  }
0x5d: {  	_ =	shalt  }
0x5e: {  	_ =	shalt  }
0x5f: {  	_ =	shalt  }
0x60: {  	_ =	shalt  }
0x61: {  	_ =	shalt  }
0x62: {  	_ =	shalt  }
0x63: {  	_ =	shalt  }
0x64: {  	_ =	shalt  }
0x65: {  	_ =	shalt  }
0x66: {  	_ =	shalt  }
0x67: {  	_ =	shalt  }
0x68: {  	_ =	shalt  }
0x69: {  	_ =	shalt  }
0x6a: {  	_ =	shalt  }
0x6b: {  	_ =	shalt  }
0x6c: {  	_ =	shalt  }
0x6d: {  	_ =	shalt  }
0x6e: {  	_ =	shalt  }
0x6f: {  	_ =	shalt  }
0x70: {  	_ =	shalt  }
0x71: {  	_ =	shalt  }
0x72: {  	_ =	shalt  }
0x73: {  	_ =	shalt  }
0x74: {  	_ =	shalt  }
0x75: {  	_ =	shalt  }
0x76: {  	_ =	shalt  }
0x77: {  	_ =	shalt  }
0x78: {  	_ =	shalt  }
0x79: {  	_ =	shalt  }
0x7a: {  	_ =	shalt  }
0x7b: {  	_ =	shalt  }
0x7c: {  	_ =	shalt  }
0x7d: {  	_ =	shalt  }
0x7e: {  	_ =	shalt  }
0x7f: {  	_ =	shalt  }
0x80: {  	_ =	shalt  }
0x81: {  	_ =	shalt  }
0x82: {  	_ =	shalt  }
0x83: {  	_ =	shalt  }
0x84: {  	_ =	shalt  }
0x85: {  	_ =	shalt  }
0x86: {  	_ =	shalt  }
0x87: {  	_ =	shalt  }
.Lfunc_end0:
.L_simem_size_0:
called_computation_lowered:
.L_overlay_start_0:
0x88: {  	s2 =	sld [smem:$0x3FD9]  }
0x89: {  	s3 =	sld [smem:$0x3FFE];
	_ =	sdelay $0x1  }
0x8a: {  	s1 =	srdreg.scid  }
0x8b: {  	s0 =	sand.u32 $0x1, s1  }
0x8c: {  	s17 =	sshll.u32 s0, $0xA;
	s2 =	sadd.s32 s3, s2  }
0x8d: {  	s2 =	sadd.s32 s2, s17  }
0x8e: {  	[smem:$0x3FBD] =	sst s2  }
0x8f: {  	_ = 	snop  }
0x90: {  	(tm) =	ssettm $0x1  }
0x91: {  	s18 =	sld [smem:$0x3FFB];
	_ =	sdelay $0x3  }
0x92: {  	_ =	strace s18  }
0x93: {  	s2 =	sld [smem:$0x3FFC];
	_ =	sdelay $0x3  }
0x94: {  	_ =	strace s2  }
0x95: {  	s2 =	sld [smem:$0x3FFD];
	_ =	sdelay $0x3  }
0x96: {  	_ =	strace s2  }
0x97: {  	_ =	strace $0x8FFFFFFF  }
0x98: {  	s19 =	sld [smem:$0x3FDB];
	_ =	sdelay $0x1  }
0x99: {  	s20 =	simm.s32 $_scs_section_size  }
0x9a: {  	s4 =	simm.s32 $_size__tile_overlayer_lowered;
	s5 =	simm.s32 $_tile_overlayer_lowered  }
0x9b: {  	s6 =	simm.s32 $0x1BFF;
	s21 =	sshll.u32 s5, $0x1;
	s3 =	sadd.s32 s20, s19  }
0x9c: {  	s22 =	simm.s32 $0x0;
	s4 =	sshll.u32 s4, $0x1;
	s5 =	sadd.s32 s21, s3  }
0x9d: {  	[timem:s22], [sflag:s6] =	dma.local [hbm:s5], s4  }
0x9e: {  	_ =	swait.ge [sflag:s6], s4  }
0x9f: {  	s4 =	ssub.s32 $0x0, s4;
	[sflag:s6] =	ssyncset.done $0x0  }
0xa0: {  	[sflag:s6] =	ssyncadd.s32 s4;
	_ =	sdelay $0x1  }
0xa1: {  	s23 =	simm.s32 $0x1B8B  }
0xa2: {  	_ =	swait.ge [sflag:s23], $0x1  }
0xa3: {  	[sflag:s23] =	ssyncset.done $0x0  }
0xa4: {  	[sflag:s23] =	ssyncadd.s32 $0xFFFFFFFF  }
0xa5: {  	s4 =	sld [smem:$0x0]  }
0xa6: {  	s5 =	sand.u32 $0xFFFFFFFE, s1  }
0xa7: {  	p0 =	sne.s32 s1, s5  }
0xa8: {  	s5 =	sshll.u32 @p0 s5, $0xE  }
0xa9: {  	s5 =	sadd.s32 @p0 $0x11B8D, s5;
	s6 =	sshll.u32 @p0 s4, $0x11  }
0xaa: {  	s5 =	sor.u32 @p0 s6, s5  }
0xab: {  	[sflag:s5] =	ssyncadd.remote.s32 @p0 $0x1;
	_ =	sdelay $0x1  }
0xac: {  	s5 =	simm.s32 @p0 $0x1B8D  }
0xad: {  	_ =	swait.eq @p0 [sflag:s5], $0x1  }
0xae: {  	[sflag:s5] =	ssyncadd.s32 @p0 $0xFFFFFFFF  }
0xaf: {  	s6 =	sshll.u32 @!p0 s1, $0xE  }
0xb0: {  	s6 =	sor.u32 @!p0 $0x4000, s6;
	s5 =	simm.s32 @!p0 $0x1B8D  }
0xb1: {  	s4 =	sshll.u32 @!p0 s4, $0x11;
	s6 =	sadd.s32 @!p0 $0x11B8D, s6;
	_ =	swait.eq @!p0 [sflag:s5], $0x1  }
0xb2: {  	s4 =	sor.u32 @!p0 s4, s6;
	[sflag:s5] =	ssyncadd.s32 @!p0 $0xFFFFFFFF  }
0xb3: {  	s25 =	simm.s32 $0x1B8E;
	s24 =	sld [smem:$0x3FFE];
	[sflag:s4] =	ssyncadd.remote.s32 @!p0 $0x1  }
0xb4: {  	s26 =	simm.s32 $execute0_lowered;
	[smem:$0x3FD2] =	sst s25  }
0xb5: {  	s5 =	sshll.u32 s26, $0x1;
	_ =	strace $0x80000049;
	[dreg:$0x1] =	wrdreg $0xFFFFFFFF  }
0xb6: {  	s28 =	simm.s32 $_size_execute0_lowered;
	s3 =	sadd.s32 s3, s5;
	[dreg:$0x0] =	wrdreg $0x0  }
0xb7: {  	s5 =	sshll.u32 s28, $0x1;
	[dreg:$0x2] =	wrdreg s3  }
0xb8: {  	[dreg:$0x3] =	wrdreg s5  }
0xb9: {  	[dreg:$0x4] =	wrdreg $0xC0  }
0xba: {  	_ =	task [dreg:s22], $0x5FFFF  }
0xbb: {  	[dreg:$0x1] =	wrdreg $0xFFFFFFFF  }
0xbc: {  	[dreg:$0x0] =	wrdreg $0x60  }
0xbd: {  	[dreg:$0x2] =	wrdreg s24  }
0xbe: {  	[dreg:$0x3] =	wrdreg $0x30000  }
0xbf: {  	[dreg:$0x4] =	wrdreg $0x9  }
0xc0: {  	_ =	task.clear_ibuf [dreg:s22], $0x5FFFF;
	_ =	strace $0x90000049  }
0xc1: {  	s29 =	simm.s32 $0x9;
	_ =	strace $0x8000004B  }
0xc2: {  	_ =	swait.ge [sflag:s29], $0x1  }
0xc3: {  	[sflag:s29] =	ssyncadd.s32 $0xFFFFFFFF  }
0xc4: {  	_ =	strace $0x9000004B  }
0xc5: {  	_ =	sfence  }
0xc6: {  	s30 =	sld [smem:$0x0];
	_ =	sdelay $0x2  }
0xc7: {  	s31 =	sshll.u32 s1, $0xD;
	s1 =	sshrl.u32 s1, $0x2  }
0xc8: {  	s4 =	sand.u32 $0x4000, s31;
	s1 =	sadd.s32 s1, s30  }
0xc9: {  	s0 =	sor.u32 s4, s0;
	s1 =	sshll.u32 s1, $0x11  }
0xca: {  	s0 =	sor.u32 s1, s0  }
0xcb: {  	s0 =	sadd.s32 $0x8F2B, s0  }
0xcc: {  	[sflag:s0] =	ssyncadd.remote.s32 $0x1  }
0xcd: {  	_ =	sfence.sel $0xFFFF  }
0xce: {  	[dreg:$0x0] =	wrdreg $0xFFFFFFFF;
	(pc) =	sbr.abs _section_cstart, $3  }
0xcf: {  	[dreg:$0x1] =	wrdreg $0xFFFFFFFF  }
0xd0: {  	_ =	task.clear_ibuf [dreg:s22], $0x2FFFF;
	_ =	strace $0x9FFFFFFF  }
0xd1: {  	(tm) =	ssettm $0x7FFFFFFF  }
tec
execute0_lowered:
.L_overlay_start_1:
0x0: {  	(tag) =	ssettag $0x1  }
0x1: {  	s1 =	srdreg.scid;
	s6 =	rddreg [dreg:$0x0]  }
0x2: {  	s0 =	stileid.u32;
	s2 =	rddreg [dreg:$0x1];
	s3 =	simm.s32 $0x0  }
0x3: {  	s13 =	simm.s32 $0x80;
	s14 =	simm.s32 $0x0;
	s4 =	smul.u32 $0x5000, s0  }
0x4: {  	s5 =	sand.u32 $0x1, s1;
	s1 =	rddreg [dreg:$0x2];
	s8 =	smul.u32 $0x2780, s0  }
0x5: {  	[smem:$0x7FF] =	sst s3;
	s11 =	sshll.u32 s0, $0x6;
	s7 =	smul.u32 $0x2800, s5  }
0x6: {  	s30 =	smul.u32 $0x27800, s5;
	_ =	strace $0x8000004A;
	s10 =	ssub.s32 $0x2, s5  }
0x7: {  	s5 =	sadd.s32 $0x82800, s6;
	s11 =	sor.u32 $0x1C01, s11;
	s31 =	sshrl.u32 s10, $0x1  }
0x8: {  	s12 =	sadd.s32 s8, s2;
	s4 =	sadd.s32 s7, s4;
	s7 =	sadd.s32 s8, s30  }
0x9: {  	s10 =	ssub.s32 s10, s31;
	s12 =	sshrl.u32 s12, $0x3;
	s4 =	sshrl.u32 s4, $0x3  }
0xa: {  	s7 =	sshrl.u32 s7, $0x3;
	s8 =	smax.u32 s10, $0x1;
	s10 =	simm.s32 $0x2800  }
0xb: {  	s9 =	sadd.s32 s4, s6;
	s4 =	sadd.s32 $0x82A00, s6;
	s7 =	sadd.s32 s7, s6  }
0xc: {  	s6 =	sadd.s32 $0x64C00, s9;
	s7 =	sadd.s32 $0x83000, s7;
	s9 =	simm.s32 $0x1  }
.LBB2_1:
0xd: {  	[tilespmem:s3], [sflag:$0x1] =	stream.linear.gather [hbm4b:s6+s3], $0x2800, $0x38;
	[tilespmem:$0x5780] =	vst v63  }
0xe: {  	_ =	swait.ge [sflag:s9], $0x2800  }
0xf: {  	[sflag:s9] =	ssyncset.done $0x0  }
0x10: {  	[sflag:s9] =	ssyncadd.s32 $0xFFFFD800  }
0x11: {  	[tilespmem:s10], [sflag:$0x1] =	stream.linear.gather [hbm4b:s5+s3], $0x800, $0x38;
	[tilespmem:$0x5780] =	vst v63  }
0x12: {  	_ =	swait.ge [sflag:s9], $0x800  }
0x13: {  	[sflag:s9] =	ssyncset.done $0x0  }
0x14: {  	[sflag:s9] =	ssyncadd.s32 $0xFFFFF800  }
0x15: {  	[spmem:s12], [sflag:s11] =	dma.local [hbm:s4], $0x4F0  }
0x16: {  	_ =	swait.ge [sflag:s9], $0x4F0  }
0x17: {  	[sflag:s9] =	ssyncset.done $0x0  }
0x18: {  	[sflag:s9] =	ssyncadd.s32 $0xFFFFFB10  }
0x19: {  	s15 =	simm.s32 $0x0;
	[bflag:$0x0] =	sbarrier.arrive $0xFFFF  }
0x1a: {  	[spmem:s2] =	stream.indirect.scatter.add.f32 [tilespmem:s10], [sflag:$0x1], $0x10, s15, s13, $0xb8;
	[tilespmem:$0x5780] =	vst v63  }
0x1b: {  	_ =	swait.ge [sflag:s9], $0x800  }
0x1c: {  	s15 =	simm.s32 $0x200;
	[sflag:s9] =	ssyncset.done $0x0  }
.LBB2_2:
0x1d: {  	s16 =	sshra.s32 s15, $0x2;
	[sflag:s9] =	ssyncadd.s32 $0xFFFFF800;
	p0 =	sne.s32 s15, $0x9E00  }
0x1e: {  	[spmem:s2] =	stream.indirect.scatter.add.f32 [tilespmem:s10], [sflag:$0x1], $0x10, s16, s13, $0xb8;
	[tilespmem:$0x5780] =	vst v63  }
.Ltmp0:
0x1f: {  	_ = 	snop;
	(pc) =	sbr.rel @p0 .LBB2_2-.Ltmp0, $4  }
0x20: {  	_ = 	snop  }
0x21: {  	s15 =	sadd.s32 $0x200, s15  }
0x22: {  	_ =	swait.ge [sflag:s9], $0x800  }
0x23: {  	[sflag:s9] =	ssyncset.done $0x0  }
0x24: {  	s14 =	sadd.s32 $0x1, s14  }
0x25: {  	[sflag:s9] =	ssyncadd.s32 $0xFFFFF800;
	p0 =	sne.s32 s14, s8  }
.Ltmp1:
0x26: {  	[bflag:$0x0] =	sbarrier.arrive $0xFFFF;
	(pc) =	sbr.rel @p0 .LBB2_1-.Ltmp1, $4  }
0x27: {  	[hbm:s7], [sflag:s11] =	dma.local [spmem:s12], $0x4F0  }
0x28: {  	_ =	swait.ge [sflag:s9], $0x4F0  }
0x29: {  	[sflag:s9] =	ssyncset.done $0x0  }
0x2a: {  	[sflag:s9] =	ssyncadd.s32 $0xFFFFFB10  }
0x2b: {  	_ =	sfence.sel $0x180000  }
0x2c: {  	[bflag:$0x0] =	sbarrier.arrive $0xFFFF  }
0x2d: {  	p0 =	sne.s32 s0, $0x0;
	_ =	strace $0x9000004A  }
0x2e: {  	s0 =	sadd.s32 @!p0 $0x100000, s1;
	[bflag:$0x2] =	sbarrier.arrive $0xFFFF  }
0x2f: {  	[sflag:s0] =	ssyncadd.tile.s32 @!p0 $0x1;
	_ =	shalt  }
.Lfunc_end2:
_tile_overlayer_lowered:
.L_overlay_start_2:
0x30: {  	(tag) =	ssettag $0x2  }
0x31: {  	s0 =	rddreg [dreg:$0x0];
	s2 =	stileid.u32  }
0x32: {  	s1 =	rddreg [dreg:$0x1];
	p0 =	sne.s32 s2, $0x0  }
0x33: {  	s3 =	rddreg [dreg:$0x2];
	[bflag:$0x3] =	sbarrier.arrive $0xFFFF;
	s2 =	simm.s32 @!p0 $0x1C01  }
0x34: {  	[timem:s3], [sflag:s2] =	dma.local @!p0 [hbm:s0], s1  }
0x35: {  	s0 =	simm.s32 @!p0 $0x1  }
0x36: {  	_ =	swait.ge @!p0 [sflag:s0], s1  }
0x37: {  	s1 =	ssub.s32 @!p0 $0x0, s1;
	[sflag:s0] =	ssyncset.done @!p0 $0x0  }
0x38: {  	[sflag:s0] =	ssyncadd.s32 @!p0 s1  }
0x39: {  	[bflag:$0x3] =	sbarrier.arrive $0xFFFF  }
0x3a: {  	_ =	shalt  }

</sc_bundles>
